<compile_context>
chip_gen: v7x
topology: tpu7x:2x2x1
jax: 0.10.2.dev20260603
libtpu: 0.0.44.dev20260713+nightly
codegen_flags: <defaults>
</compile_context>

<pallas_src>
import functools
import math

import jax
import jax.numpy as jnp
from jax import lax
from jax.experimental import pallas as pl
from jax.experimental.pallas import tpu as pltpu
from jax.experimental.pallas import tpu_sc as plsc

B = 16384
NF = 26
HF = NF // 2
V = 100000
D = 48
H = 128
DP = 128

VP = 100096
BLKV = 5888
NBV = VP // BLKV

NC = 2
NS = 16
NW = NC * NS
ROWS_PER_W = B // NW
SUPER = 16
NSUP = ROWS_PER_W // SUPER

GA = 10
GB = HF - GA


def _pack_table(tables_t, i0, ni):

    def body(x1_ref, x2_ref, o_ref):
        o_ref[:, :D] = jnp.transpose(x1_ref[0], (1, 0))
        o_ref[:, D:2 * D] = jnp.transpose(x2_ref[0], (1, 0))

    return pl.pallas_call(
        body,
        grid=(ni, NBV),
        in_specs=[
            pl.BlockSpec((1, D, BLKV), lambda i, v: (i + i0, 0, v)),
            pl.BlockSpec((1, D, BLKV), lambda i, v: (i + i0 + HF, 0, v)),
        ],
        out_specs=pl.BlockSpec((BLKV, DP), lambda i, v: (i * NBV + v, 0)),
        out_shape=jax.ShapeDtypeStruct((ni * VP, DP), jnp.float32),
    )(tables_t, tables_t)


def _sc_gather_sum(flat_idx, tabp, npair):
    nfg = 2 * npair
    idxc = SUPER * nfg
    nstr = 2 if idxc <= 256 else 4
    slen = idxc // nstr
    assert slen <= 128 and slen % 8 == 0
    mesh = plsc.VectorSubcoreMesh(core_axis_name="c", subcore_axis_name="s")

    @functools.partial(
        pl.kernel,
        mesh=mesh,
        out_type=jax.ShapeDtypeStruct((B, DP), jnp.float32),
        scratch_types=[
            pltpu.VMEM((idxc,), jnp.int32),
            pltpu.VMEM((idxc,), jnp.int32),
            pltpu.VMEM((idxc, DP), jnp.float32),
            pltpu.VMEM((idxc, DP), jnp.float32),
            pltpu.VMEM((SUPER, DP), jnp.float32),
            pltpu.VMEM((SUPER, DP), jnp.float32),
            pltpu.SemaphoreType.DMA,
            pltpu.SemaphoreType.DMA,
            pltpu.SemaphoreType.DMA,
            pltpu.SemaphoreType.DMA,
            pltpu.SemaphoreType.DMA,
            pltpu.SemaphoreType.DMA,
        ],
    )
    def k(idx_hbm, tab_hbm, out_hbm,
          i0, i1, g0, g1, o0, o1, si0, si1, sg0, sg1, so0, so1):
        wid = lax.axis_index("s") * NC + lax.axis_index("c")
        wbase = wid * (NSUP * idxc)
        rbase = wid * ROWS_PER_W
        ibufs, gbufs, obufs = (i0, i1), (g0, g1), (o0, o1)
        sis, sgs, sos = (si0, si1), (sg0, sg1), (so0, so1)

        def idx_start(s, buf, sem):
            pltpu.async_copy(idx_hbm.at[pl.ds(wbase + s * idxc, idxc)],
                             buf, sem)

        def idx_wait(s, buf, sem):
            pltpu.make_async_copy(
                idx_hbm.at[pl.ds(wbase + s * idxc, idxc)], buf, sem).wait()

        def gathers_start(ibuf, gbuf, sem):
            for t in range(nstr):
                pltpu.async_copy(
                    tab_hbm.at[ibuf.at[pl.ds(t * slen, slen)]],
                    gbuf.at[pl.ds(t * slen, slen)], sem)

        def gathers_wait(ibuf, gbuf, sem):
            for t in range(nstr):
                pltpu.make_async_copy(
                    tab_hbm.at[ibuf.at[pl.ds(t * slen, slen)]],
                    gbuf.at[pl.ds(t * slen, slen)], sem).wait()

        def out_start(s, obuf, sem):
            pltpu.async_copy(obuf,
                             out_hbm.at[pl.ds(rbase + s * SUPER, SUPER)], sem)

        def out_wait(s, obuf, sem):
            pltpu.make_async_copy(
                obuf, out_hbm.at[pl.ds(rbase + s * SUPER, SUPER)], sem).wait()

        def reduce_step(gbuf, obuf):
            def red_row(r, c):
                qb = r * nfg
                accs = [jnp.zeros((16,), jnp.float32)
                        for _ in range(D // 16)]
                for f in range(nfg):
                    q = qb + f
                    off = 0 if f < npair else D
                    for j in range(D // 16):
                        accs[j] = accs[j] + gbuf[q, pl.ds(off + j * 16, 16)]
                for j in range(D // 16):
                    obuf[r, pl.ds(j * 16, 16)] = accs[j]
                return c
            lax.fori_loop(0, SUPER, red_row, 0)

        pltpu.sync_copy(idx_hbm.at[pl.ds(wbase, idxc)], i0)
        gathers_start(i0, g0, sg0)
        idx_start(1, i1, si1)

        def body2(h, c):
            for par in range(2):
                s = h * 2 + par
                ib, gb, ob = ibufs[par], gbufs[par], obufs[par]
                gathers_wait(ib, gb, sgs[par])

                @pl.when(s + 1 < NSUP)
                def _():
                    idx_wait(s + 1, ibufs[1 - par], sis[1 - par])
                    gathers_start(ibufs[1 - par], gbufs[1 - par],
                                  sgs[1 - par])

                @pl.when(s + 2 < NSUP)
                def _():
                    idx_start(s + 2, ib, sis[par])

                @pl.when(s >= 2)
                def _():
                    out_wait(s - 2, ob, sos[par])

                reduce_step(gb, ob)
                out_start(s, ob, sos[par])
            return c

        lax.fori_loop(0, NSUP // 2, body2, 0)
        out_wait(NSUP - 2, o0, so0)
        out_wait(NSUP - 1, o1, so1)

    return k(flat_idx, tabp)


def _tc_proj(sa, sb, W, b2):
    TILE = 2048

    def body(sa_ref, sb_ref, w_ref, b_ref, o_ref):
        s = sa_ref[:, :D] + sb_ref[:, :D]
        x = jnp.dot(s, w_ref[...],
                    preferred_element_type=jnp.float32) + b_ref[...]
        o_ref[...] = 0.5 * x * (1.0 + lax.erf(x * (1.0 / math.sqrt(2.0))))

    return pl.pallas_call(
        body,
        grid=(B // TILE,),
        in_specs=[
            pl.BlockSpec((TILE, DP), lambda i: (i, 0)),
            pl.BlockSpec((TILE, DP), lambda i: (i, 0)),
            pl.BlockSpec((D, H), lambda i: (0, 0)),
            pl.BlockSpec((1, H), lambda i: (0, 0)),
        ],
        out_specs=pl.BlockSpec((TILE, H), lambda i: (i, 0)),
        out_shape=jax.ShapeDtypeStruct((B, H), jnp.float32),
    )(sa, sb, W, b2)


def _group_idx(e, lo, ni):
    ew = jnp.concatenate([e[:, lo:lo + ni], e[:, lo + HF:lo + HF + ni]],
                         axis=1)
    foffs = jnp.concatenate([jnp.arange(ni, dtype=jnp.int32)] * 2) * VP
    return (ew + foffs[None, :]).reshape(B * 2 * ni)


def kernel(e, tables, W, b):
    tables_t = jnp.transpose(tables, (0, 2, 1))
    idx_a = _group_idx(e, 0, GA)
    idx_b = _group_idx(e, GA, GB)
    tab_a = _pack_table(tables_t, 0, GA)
    sa = _sc_gather_sum(idx_a, tab_a, GA)
    tab_b = _pack_table(tables_t, GA, GB)
    sb = _sc_gather_sum(idx_b, tab_b, GB)
    return _tc_proj(sa, sb, W, b.reshape(1, H))

# --- scband reference (transcript-rebuilt; emitter-appended) ---
"""Pipeline reference for scband-edge-encoder-37349035606231 (READ-ONLY COPY).

The authoritative reference and input builder live on the scoring server;
editing this copy changes nothing except your own understanding.
"""

import jax, jax.numpy as jnp
import numpy as np

B = 16384
NF = 26
V = 100000
D = 48
H = 128

def setup_inputs(seed: int = 0) -> dict:
    key = jax.random.key(seed)
    k1, k2, k3, k4 = jax.random.split(key, 4)
    e = jax.random.randint(k1, (B, NF), 0, V, dtype=jnp.int32)
    tables = jax.random.normal(k2, (NF, V, D), dtype=jnp.float32) * 0.02
    W = jax.random.normal(k3, (D, H), dtype=jnp.float32) * 0.05
    b = jnp.zeros((H,), dtype=jnp.float32)
    return {"e": e, "tables": tables, "W": W, "b": b}

def reference(e, tables, W, b):
    # sum of per-field embedding lookups
    s = jnp.zeros((e.shape[0], tables.shape[2]), dtype=tables.dtype)
    for i in range(tables.shape[0]):
        s = s + jnp.take(tables[i], e[:, i], axis=0)
    # proj: Linear -> GELU (exact, matching torch default) -> Dropout(p=0.0) is identity
    out = jax.nn.gelu(s @ W + b, approximate=False)
    return out

if __name__ == "__main__":
    import jax
    _d = setup_inputs()
    print(jax.jit(kernel)(*tuple(_d.values())))

</pallas_src>

<mosaic_0001>
#map = affine_map<(d0, d1) -> (0)>
#map1 = affine_map<(d0, d1) -> (0, 0)>
module attributes {stable_mosaic.version = 14 : i64} {
  func.func @k(%arg0: i32, %arg1: i32, %arg2: memref<327680xi32, #tpu.memory_space<hbm>>, %arg3: memref<1000960x128xf32, #tpu.memory_space<hbm>>, %arg4: memref<16384x128xf32, #tpu.memory_space<hbm>>, %arg5: memref<320xi32, #tpu.memory_space<vmem>>, %arg6: memref<320xi32, #tpu.memory_space<vmem>>, %arg7: memref<320x128xf32, #tpu.memory_space<vmem>>, %arg8: memref<320x128xf32, #tpu.memory_space<vmem>>, %arg9: memref<16x128xf32, #tpu.memory_space<vmem>>, %arg10: memref<16x128xf32, #tpu.memory_space<vmem>>, %arg11: memref<!tpu.dma_semaphore, #tpu.memory_space<semaphore_mem>>, %arg12: memref<!tpu.dma_semaphore, #tpu.memory_space<semaphore_mem>>, %arg13: memref<!tpu.dma_semaphore, #tpu.memory_space<semaphore_mem>>, %arg14: memref<!tpu.dma_semaphore, #tpu.memory_space<semaphore_mem>>, %arg15: memref<!tpu.dma_semaphore, #tpu.memory_space<semaphore_mem>>, %arg16: memref<!tpu.dma_semaphore, #tpu.memory_space<semaphore_mem>>) attributes {dimension_semantics = [#tpu.dimension_semantics<core_parallel>, #tpu.dimension_semantics<subcore_parallel>], iteration_bounds = array<i64: 2, 16>, scalar_prefetch = 0 : i64, scratch_operands = 12 : i64, tpu.core_type = #tpu.core_type<sc_vector_subcore>, window_params = [{transform_indices = #map}, {transform_indices = #map1}, {transform_indices = #map1}]} {
    %mul3A = arith.constant 2 : i32
    %mul3A_0 = arith.muli %arg1, %mul3A : i32
    %add3A = arith.addi %mul3A_0, %arg0 : i32
    %mul3A_1 = arith.constant 10240 : i32
    %mul3A_2 = arith.muli %add3A, %mul3A_1 : i32
    %mul3A_3 = arith.constant 512 : i32
    %mul3A_4 = arith.muli %add3A, %mul3A_3 : i32
    "tpu.region"() ({
      %run_scoped3A = tpu.sem_alloc : memref<!tpu.dma_semaphore, #tpu.memory_space<semaphore_mem>>
      %dma_start3A_56 = tpu.memref_slice %arg2[%mul3A_2] : memref<327680xi32, #tpu.memory_space<hbm>> -> memref<320xi32, #tpu.memory_space<hbm>>
      %dma_start3A_57 = tpu.memref_slice %arg2[%mul3A_2] : memref<327680xi32, #tpu.memory_space<hbm>> -> memref<320xi32, #tpu.memory_space<hbm>>
      tpu.enqueue_dma source(%dma_start3A_57 : memref<320xi32, #tpu.memory_space<hbm>>) target(%arg5 : memref<320xi32, #tpu.memory_space<vmem>>) target_semaphore(%run_scoped3A : memref<!tpu.dma_semaphore, #tpu.memory_space<semaphore_mem>>)
      %dma_wait3A_58 = tpu.memref_slice %arg2[%mul3A_2] : memref<327680xi32, #tpu.memory_space<hbm>> -> memref<320xi32, #tpu.memory_space<hbm>>
      %dma_wait3A_59 = tpu.memref_slice %arg2[%mul3A_2] : memref<327680xi32, #tpu.memory_space<hbm>> -> memref<320xi32, #tpu.memory_space<hbm>>
      tpu.wait_dma2 semaphore(%run_scoped3A : memref<!tpu.dma_semaphore, #tpu.memory_space<semaphore_mem>>) src(%dma_wait3A_59 : memref<320xi32, #tpu.memory_space<hbm>>) dst(%arg5 : memref<320xi32, #tpu.memory_space<vmem>>)
      tpu.yield
    }) : () -> ()
    %dma_start3A = arith.constant 0 : i32
    %dma_start3A_5 = arith.constant 0 : i32
    %dma_start3A_6 = tpu.memref_slice %arg7[%dma_start3A, %dma_start3A_5] : memref<320x128xf32, #tpu.memory_space<vmem>> -> memref<80x128xf32, #tpu.memory_space<vmem>>
    %dma_start3A_7 = arith.constant 0 : i32
    %dma_start3A_8 = tpu.memref_slice %arg5[%dma_start3A_7] : memref<320xi32, #tpu.memory_space<vmem>> -> memref<80xi32, #tpu.memory_space<vmem>>
    %dma_start3A_9 = arith.constant 0 : i32
    %dma_start3A_10 = arith.constant 0 : i32
    %dma_start3A_11 = tpu.memref_slice %arg3[%dma_start3A_9, %dma_start3A_10] : memref<1000960x128xf32, #tpu.memory_space<hbm>> -> memref<1000960x128xf32, #tpu.memory_space<hbm>>
    tpu.enqueue_indirect_dma source(%dma_start3A_11 : memref<1000960x128xf32, #tpu.memory_space<hbm>>) target(%dma_start3A_6 : memref<80x128xf32, #tpu.memory_space<vmem>>) offsets(%dma_start3A_8 : memref<80xi32, #tpu.memory_space<vmem>>) semaphore(%arg13 : memref<!tpu.dma_semaphore, #tpu.memory_space<semaphore_mem>>)
    %dma_start3A_12 = arith.constant 80 : i32
    %dma_start3A_13 = arith.constant 0 : i32
    %dma_start3A_14 = tpu.memref_slice %arg7[%dma_start3A_12, %dma_start3A_13] : memref<320x128xf32, #tpu.memory_space<vmem>> -> memref<80x128xf32, #tpu.memory_space<vmem>>
    %dma_start3A_15 = arith.constant 80 : i32
    %dma_start3A_16 = tpu.memref_slice %arg5[%dma_start3A_15] : memref<320xi32, #tpu.memory_space<vmem>> -> memref<80xi32, #tpu.memory_space<vmem>>
    %dma_start3A_17 = arith.constant 0 : i32
    %dma_start3A_18 = arith.constant 0 : i32
    %dma_start3A_19 = tpu.memref_slice %arg3[%dma_start3A_17, %dma_start3A_18] : memref<1000960x128xf32, #tpu.memory_space<hbm>> -> memref<1000960x128xf32, #tpu.memory_space<hbm>>
    tpu.enqueue_indirect_dma source(%dma_start3A_19 : memref<1000960x128xf32, #tpu.memory_space<hbm>>) target(%dma_start3A_14 : memref<80x128xf32, #tpu.memory_space<vmem>>) offsets(%dma_start3A_16 : memref<80xi32, #tpu.memory_space<vmem>>) semaphore(%arg13 : memref<!tpu.dma_semaphore, #tpu.memory_space<semaphore_mem>>)
    %dma_start3A_20 = arith.constant 160 : i32
    %dma_start3A_21 = arith.constant 0 : i32
    %dma_start3A_22 = tpu.memref_slice %arg7[%dma_start3A_20, %dma_start3A_21] : memref<320x128xf32, #tpu.memory_space<vmem>> -> memref<80x128xf32, #tpu.memory_space<vmem>>
    %dma_start3A_23 = arith.constant 160 : i32
    %dma_start3A_24 = tpu.memref_slice %arg5[%dma_start3A_23] : memref<320xi32, #tpu.memory_space<vmem>> -> memref<80xi32, #tpu.memory_space<vmem>>
    %dma_start3A_25 = arith.constant 0 : i32
    %dma_start3A_26 = arith.constant 0 : i32
    %dma_start3A_27 = tpu.memref_slice %arg3[%dma_start3A_25, %dma_start3A_26] : memref<1000960x128xf32, #tpu.memory_space<hbm>> -> memref<1000960x128xf32, #tpu.memory_space<hbm>>
    tpu.enqueue_indirect_dma source(%dma_start3A_27 : memref<1000960x128xf32, #tpu.memory_space<hbm>>) target(%dma_start3A_22 : memref<80x128xf32, #tpu.memory_space<vmem>>) offsets(%dma_start3A_24 : memref<80xi32, #tpu.memory_space<vmem>>) semaphore(%arg13 : memref<!tpu.dma_semaphore, #tpu.memory_space<semaphore_mem>>)
    %dma_start3A_28 = arith.constant 240 : i32
    %dma_start3A_29 = arith.constant 0 : i32
    %dma_start3A_30 = tpu.memref_slice %arg7[%dma_start3A_28, %dma_start3A_29] : memref<320x128xf32, #tpu.memory_space<vmem>> -> memref<80x128xf32, #tpu.memory_space<vmem>>
    %dma_start3A_31 = arith.constant 240 : i32
    %dma_start3A_32 = tpu.memref_slice %arg5[%dma_start3A_31] : memref<320xi32, #tpu.memory_space<vmem>> -> memref<80xi32, #tpu.memory_space<vmem>>
    %dma_start3A_33 = arith.constant 0 : i32
    %dma_start3A_34 = arith.constant 0 : i32
    %dma_start3A_35 = tpu.memref_slice %arg3[%dma_start3A_33, %dma_start3A_34] : memref<1000960x128xf32, #tpu.memory_space<hbm>> -> memref<1000960x128xf32, #tpu.memory_space<hbm>>
    tpu.enqueue_indirect_dma source(%dma_start3A_35 : memref<1000960x128xf32, #tpu.memory_space<hbm>>) target(%dma_start3A_30 : memref<80x128xf32, #tpu.memory_space<vmem>>) offsets(%dma_start3A_32 : memref<80xi32, #tpu.memory_space<vmem>>) semaphore(%arg13 : memref<!tpu.dma_semaphore, #tpu.memory_space<semaphore_mem>>)
    %add3A_36 = arith.constant 320 : i32
    %add3A_37 = arith.addi %mul3A_2, %add3A_36 : i32
    %dma_start3A_38 = tpu.memref_slice %arg2[%add3A_37] : memref<327680xi32, #tpu.memory_space<hbm>> -> memref<320xi32, #tpu.memory_space<hbm>>
    %dma_start3A_39 = tpu.memref_slice %arg2[%add3A_37] : memref<327680xi32, #tpu.memory_space<hbm>> -> memref<320xi32, #tpu.memory_space<hbm>>
    tpu.enqueue_dma source(%dma_start3A_39 : memref<320xi32, #tpu.memory_space<hbm>>) target(%arg6 : memref<320xi32, #tpu.memory_space<vmem>>) target_semaphore(%arg12 : memref<!tpu.dma_semaphore, #tpu.memory_space<semaphore_mem>>)
    %scan3A = arith.constant 0 : i32
    %scan3A_40 = arith.constant 0 : i32
    %scan3A_41 = arith.constant 16 : i32
    %scan3A_42 = arith.addi %scan3A_40, %scan3A_41 : i32
    %scan3A_43 = arith.constant 1 : i32
    scf.for %scan3A_56 = %scan3A_40 to %scan3A_42 step %scan3A_43  : i32 {
      %mul3A_57 = arith.constant 2 : i32
      %mul3A_58 = arith.muli %scan3A_56, %mul3A_57 : i32
      %add3A_59 = arith.constant 0 : i32
      %add3A_60 = arith.addi %mul3A_58, %add3A_59 : i32
      %dma_wait3A_61 = arith.constant 0 : i32
      %dma_wait3A_62 = arith.constant 0 : i32
      %dma_wait3A_63 = tpu.memref_slice %arg7[%dma_wait3A_61, %dma_wait3A_62] : memref<320x128xf32, #tpu.memory_space<vmem>> -> memref<80x128xf32, #tpu.memory_space<vmem>>
      %dma_wait3A_64 = arith.constant 0 : i32
      %dma_wait3A_65 = tpu.memref_slice %arg5[%dma_wait3A_64] : memref<320xi32, #tpu.memory_space<vmem>> -> memref<80xi32, #tpu.memory_space<vmem>>
      %dma_wait3A_66 = arith.constant 0 : i32
      %dma_wait3A_67 = arith.constant 0 : i32
      %dma_wait3A_68 = tpu.memref_slice %arg3[%dma_wait3A_66, %dma_wait3A_67] : memref<1000960x128xf32, #tpu.memory_space<hbm>> -> memref<1000960x128xf32, #tpu.memory_space<hbm>>
      tpu.wait_indirect_dma semaphore(%arg13 : memref<!tpu.dma_semaphore, #tpu.memory_space<semaphore_mem>>) src(%dma_wait3A_68 : memref<1000960x128xf32, #tpu.memory_space<hbm>>) dst(%dma_wait3A_63 : memref<80x128xf32, #tpu.memory_space<vmem>>)
      %dma_wait3A_69 = arith.constant 80 : i32
      %dma_wait3A_70 = arith.constant 0 : i32
      %dma_wait3A_71 = tpu.memref_slice %arg7[%dma_wait3A_69, %dma_wait3A_70] : memref<320x128xf32, #tpu.memory_space<vmem>> -> memref<80x128xf32, #tpu.memory_space<vmem>>
      %dma_wait3A_72 = arith.constant 80 : i32
      %dma_wait3A_73 = tpu.memref_slice %arg5[%dma_wait3A_72] : memref<320xi32, #tpu.memory_space<vmem>> -> memref<80xi32, #tpu.memory_space<vmem>>
      %dma_wait3A_74 = arith.constant 0 : i32
      %dma_wait3A_75 = arith.constant 0 : i32
      %dma_wait3A_76 = tpu.memref_slice %arg3[%dma_wait3A_74, %dma_wait3A_75] : memref<1000960x128xf32, #tpu.memory_space<hbm>> -> memref<1000960x128xf32, #tpu.memory_space<hbm>>
      tpu.wait_indirect_dma semaphore(%arg13 : memref<!tpu.dma_semaphore, #tpu.memory_space<semaphore_mem>>) src(%dma_wait3A_76 : memref<1000960x128xf32, #tpu.memory_space<hbm>>) dst(%dma_wait3A_71 : memref<80x128xf32, #tpu.memory_space<vmem>>)
      %dma_wait3A_77 = arith.constant 160 : i32
      %dma_wait3A_78 = arith.constant 0 : i32
      %dma_wait3A_79 = tpu.memref_slice %arg7[%dma_wait3A_77, %dma_wait3A_78] : memref<320x128xf32, #tpu.memory_space<vmem>> -> memref<80x128xf32, #tpu.memory_space<vmem>>
      %dma_wait3A_80 = arith.constant 160 : i32
      %dma_wait3A_81 = tpu.memref_slice %arg5[%dma_wait3A_80] : memref<320xi32, #tpu.memory_space<vmem>> -> memref<80xi32, #tpu.memory_space<vmem>>
      %dma_wait3A_82 = arith.constant 0 : i32
      %dma_wait3A_83 = arith.constant 0 : i32
      %dma_wait3A_84 = tpu.memref_slice %arg3[%dma_wait3A_82, %dma_wait3A_83] : memref<1000960x128xf32, #tpu.memory_space<hbm>> -> memref<1000960x128xf32, #tpu.memory_space<hbm>>
      tpu.wait_indirect_dma semaphore(%arg13 : memref<!tpu.dma_semaphore, #tpu.memory_space<semaphore_mem>>) src(%dma_wait3A_84 : memref<1000960x128xf32, #tpu.memory_space<hbm>>) dst(%dma_wait3A_79 : memref<80x128xf32, #tpu.memory_space<vmem>>)
      %dma_wait3A_85 = arith.constant 240 : i32
      %dma_wait3A_86 = arith.constant 0 : i32
      %dma_wait3A_87 = tpu.memref_slice %arg7[%dma_wait3A_85, %dma_wait3A_86] : memref<320x128xf32, #tpu.memory_space<vmem>> -> memref<80x128xf32, #tpu.memory_space<vmem>>
      %dma_wait3A_88 = arith.constant 240 : i32
      %dma_wait3A_89 = tpu.memref_slice %arg5[%dma_wait3A_88] : memref<320xi32, #tpu.memory_space<vmem>> -> memref<80xi32, #tpu.memory_space<vmem>>
      %dma_wait3A_90 = arith.constant 0 : i32
      %dma_wait3A_91 = arith.constant 0 : i32
      %dma_wait3A_92 = tpu.memref_slice %arg3[%dma_wait3A_90, %dma_wait3A_91] : memref<1000960x128xf32, #tpu.memory_space<hbm>> -> memref<1000960x128xf32, #tpu.memory_space<hbm>>
      tpu.wait_indirect_dma semaphore(%arg13 : memref<!tpu.dma_semaphore, #tpu.memory_space<semaphore_mem>>) src(%dma_wait3A_92 : memref<1000960x128xf32, #tpu.memory_space<hbm>>) dst(%dma_wait3A_87 : memref<80x128xf32, #tpu.memory_space<vmem>>)
      %add3A_93 = arith.constant 1 : i32
      %add3A_94 = arith.addi %add3A_60, %add3A_93 : i32
      %lt3A = arith.constant 32 : i32
      %lt3A_95 = arith.cmpi slt, %add3A_94, %lt3A : i32
      %convert_element_type3A = arith.extui %lt3A_95 : i1 to i32
      %cond3A = arith.constant 0 : i32
      %cond3A_96 = arith.cmpi ne, %convert_element_type3A, %cond3A : i32
      scf.if %cond3A_96 {
        %add3A_189 = arith.constant 1 : i32
        %add3A_190 = arith.addi %add3A_60, %add3A_189 : i32
        %mul3A_191 = arith.constant 320 : i32
        %mul3A_192 = arith.muli %add3A_190, %mul3A_191 : i32
        %add3A_193 = arith.addi %mul3A_2, %mul3A_192 : i32
        %dma_wait3A_194 = tpu.memref_slice %arg2[%add3A_193] : memref<327680xi32, #tpu.memory_space<hbm>> -> memref<320xi32, #tpu.memory_space<hbm>>
        %dma_wait3A_195 = tpu.memref_slice %arg2[%add3A_193] : memref<327680xi32, #tpu.memory_space<hbm>> -> memref<320xi32, #tpu.memory_space<hbm>>
        tpu.wait_dma2 semaphore(%arg12 : memref<!tpu.dma_semaphore, #tpu.memory_space<semaphore_mem>>) src(%dma_wait3A_195 : memref<320xi32, #tpu.memory_space<hbm>>) dst(%arg6 : memref<320xi32, #tpu.memory_space<vmem>>)
        %dma_start3A_196 = arith.constant 0 : i32
        %dma_start3A_197 = arith.constant 0 : i32
        %dma_start3A_198 = tpu.memref_slice %arg8[%dma_start3A_196, %dma_start3A_197] : memref<320x128xf32, #tpu.memory_space<vmem>> -> memref<80x128xf32, #tpu.memory_space<vmem>>
        %dma_start3A_199 = arith.constant 0 : i32
        %dma_start3A_200 = tpu.memref_slice %arg6[%dma_start3A_199] : memref<320xi32, #tpu.memory_space<vmem>> -> memref<80xi32, #tpu.memory_space<vmem>>
        %dma_start3A_201 = arith.constant 0 : i32
        %dma_start3A_202 = arith.constant 0 : i32
        %dma_start3A_203 = tpu.memref_slice %arg3[%dma_start3A_201, %dma_start3A_202] : memref<1000960x128xf32, #tpu.memory_space<hbm>> -> memref<1000960x128xf32, #tpu.memory_space<hbm>>
        tpu.enqueue_indirect_dma source(%dma_start3A_203 : memref<1000960x128xf32, #tpu.memory_space<hbm>>) target(%dma_start3A_198 : memref<80x128xf32, #tpu.memory_space<vmem>>) offsets(%dma_start3A_200 : memref<80xi32, #tpu.memory_space<vmem>>) semaphore(%arg14 : memref<!tpu.dma_semaphore, #tpu.memory_space<semaphore_mem>>)
        %dma_start3A_204 = arith.constant 80 : i32
        %dma_start3A_205 = arith.constant 0 : i32
        %dma_start3A_206 = tpu.memref_slice %arg8[%dma_start3A_204, %dma_start3A_205] : memref<320x128xf32, #tpu.memory_space<vmem>> -> memref<80x128xf32, #tpu.memory_space<vmem>>
        %dma_start3A_207 = arith.constant 80 : i32
        %dma_start3A_208 = tpu.memref_slice %arg6[%dma_start3A_207] : memref<320xi32, #tpu.memory_space<vmem>> -> memref<80xi32, #tpu.memory_space<vmem>>
        %dma_start3A_209 = arith.constant 0 : i32
        %dma_start3A_210 = arith.constant 0 : i32
        %dma_start3A_211 = tpu.memref_slice %arg3[%dma_start3A_209, %dma_start3A_210] : memref<1000960x128xf32, #tpu.memory_space<hbm>> -> memref<1000960x128xf32, #tpu.memory_space<hbm>>
        tpu.enqueue_indirect_dma source(%dma_start3A_211 : memref<1000960x128xf32, #tpu.memory_space<hbm>>) target(%dma_start3A_206 : memref<80x128xf32, #tpu.memory_space<vmem>>) offsets(%dma_start3A_208 : memref<80xi32, #tpu.memory_space<vmem>>) semaphore(%arg14 : memref<!tpu.dma_semaphore, #tpu.memory_space<semaphore_mem>>)
        %dma_start3A_212 = arith.constant 160 : i32
        %dma_start3A_213 = arith.constant 0 : i32
        %dma_start3A_214 = tpu.memref_slice %arg8[%dma_start3A_212, %dma_start3A_213] : memref<320x128xf32, #tpu.memory_space<vmem>> -> memref<80x128xf32, #tpu.memory_space<vmem>>
        %dma_start3A_215 = arith.constant 160 : i32
        %dma_start3A_216 = tpu.memref_slice %arg6[%dma_start3A_215] : memref<320xi32, #tpu.memory_space<vmem>> -> memref<80xi32, #tpu.memory_space<vmem>>
        %dma_start3A_217 = arith.constant 0 : i32
        %dma_start3A_218 = arith.constant 0 : i32
        %dma_start3A_219 = tpu.memref_slice %arg3[%dma_start3A_217, %dma_start3A_218] : memref<1000960x128xf32, #tpu.memory_space<hbm>> -> memref<1000960x128xf32, #tpu.memory_space<hbm>>
        tpu.enqueue_indirect_dma source(%dma_start3A_219 : memref<1000960x128xf32, #tpu.memory_space<hbm>>) target(%dma_start3A_214 : memref<80x128xf32, #tpu.memory_space<vmem>>) offsets(%dma_start3A_216 : memref<80xi32, #tpu.memory_space<vmem>>) semaphore(%arg14 : memref<!tpu.dma_semaphore, #tpu.memory_space<semaphore_mem>>)
        %dma_start3A_220 = arith.constant 240 : i32
        %dma_start3A_221 = arith.constant 0 : i32
        %dma_start3A_222 = tpu.memref_slice %arg8[%dma_start3A_220, %dma_start3A_221] : memref<320x128xf32, #tpu.memory_space<vmem>> -> memref<80x128xf32, #tpu.memory_space<vmem>>
        %dma_start3A_223 = arith.constant 240 : i32
        %dma_start3A_224 = tpu.memref_slice %arg6[%dma_start3A_223] : memref<320xi32, #tpu.memory_space<vmem>> -> memref<80xi32, #tpu.memory_space<vmem>>
        %dma_start3A_225 = arith.constant 0 : i32
        %dma_start3A_226 = arith.constant 0 : i32
        %dma_start3A_227 = tpu.memref_slice %arg3[%dma_start3A_225, %dma_start3A_226] : memref<1000960x128xf32, #tpu.memory_space<hbm>> -> memref<1000960x128xf32, #tpu.memory_space<hbm>>
        tpu.enqueue_indirect_dma source(%dma_start3A_227 : memref<1000960x128xf32, #tpu.memory_space<hbm>>) target(%dma_start3A_222 : memref<80x128xf32, #tpu.memory_space<vmem>>) offsets(%dma_start3A_224 : memref<80xi32, #tpu.memory_space<vmem>>) semaphore(%arg14 : memref<!tpu.dma_semaphore, #tpu.memory_space<semaphore_mem>>)
      } else {
      }
      %add3A_97 = arith.constant 2 : i32
      %add3A_98 = arith.addi %add3A_60, %add3A_97 : i32
      %lt3A_99 = arith.constant 32 : i32
      %lt3A_100 = arith.cmpi slt, %add3A_98, %lt3A_99 : i32
      %convert_element_type3A_101 = arith.extui %lt3A_100 : i1 to i32
      %cond3A_102 = arith.constant 0 : i32
      %cond3A_103 = arith.cmpi ne, %convert_element_type3A_101, %cond3A_102 : i32
      scf.if %cond3A_103 {
        %add3A_189 = arith.constant 2 : i32
        %add3A_190 = arith.addi %add3A_60, %add3A_189 : i32
        %mul3A_191 = arith.constant 320 : i32
        %mul3A_192 = arith.muli %add3A_190, %mul3A_191 : i32
        %add3A_193 = arith.addi %mul3A_2, %mul3A_192 : i32
        %dma_start3A_194 = tpu.memref_slice %arg2[%add3A_193] : memref<327680xi32, #tpu.memory_space<hbm>> -> memref<320xi32, #tpu.memory_space<hbm>>
        %dma_start3A_195 = tpu.memref_slice %arg2[%add3A_193] : memref<327680xi32, #tpu.memory_space<hbm>> -> memref<320xi32, #tpu.memory_space<hbm>>
        tpu.enqueue_dma source(%dma_start3A_195 : memref<320xi32, #tpu.memory_space<hbm>>) target(%arg5 : memref<320xi32, #tpu.memory_space<vmem>>) target_semaphore(%arg11 : memref<!tpu.dma_semaphore, #tpu.memory_space<semaphore_mem>>)
      } else {
      }
      %ge3A = arith.constant 2 : i32
      %ge3A_104 = arith.cmpi sge, %add3A_60, %ge3A : i32
      %convert_element_type3A_105 = arith.extui %ge3A_104 : i1 to i32
      %cond3A_106 = arith.constant 0 : i32
      %cond3A_107 = arith.cmpi ne, %convert_element_type3A_105, %cond3A_106 : i32
      scf.if %cond3A_107 {
        %sub3A = arith.constant 2 : i32
        %sub3A_189 = arith.subi %add3A_60, %sub3A : i32
        %mul3A_190 = arith.constant 16 : i32
        %mul3A_191 = arith.muli %sub3A_189, %mul3A_190 : i32
        %add3A_192 = arith.addi %mul3A_4, %mul3A_191 : i32
        %dma_wait3A_193 = arith.constant 0 : i32
        %dma_wait3A_194 = tpu.memref_slice %arg4[%add3A_192, %dma_wait3A_193] : memref<16384x128xf32, #tpu.memory_space<hbm>> -> memref<16x128xf32, #tpu.memory_space<hbm>>
        %dma_wait3A_195 = arith.constant 0 : i32
        %dma_wait3A_196 = tpu.memref_slice %arg4[%add3A_192, %dma_wait3A_195] : memref<16384x128xf32, #tpu.memory_space<hbm>> -> memref<16x128xf32, #tpu.memory_space<hbm>>
        tpu.wait_dma2 semaphore(%arg15 : memref<!tpu.dma_semaphore, #tpu.memory_space<semaphore_mem>>) src(%arg9 : memref<16x128xf32, #tpu.memory_space<vmem>>) dst(%dma_wait3A_196 : memref<16x128xf32, #tpu.memory_space<hbm>>)
      } else {
      }
      %scan3A_108 = arith.constant 0 : i32
      %scan3A_109 = arith.constant 0 : i32
      %scan3A_110 = arith.constant 16 : i32
      %scan3A_111 = arith.addi %scan3A_109, %scan3A_110 : i32
      %scan3A_112 = arith.constant 1 : i32
      scf.for %scan3A_189 = %scan3A_109 to %scan3A_111 step %scan3A_112  : i32 {
        %mul3A_190 = arith.constant 20 : i32
        %mul3A_191 = arith.muli %scan3A_189, %mul3A_190 : i32
        %broadcast_in_dim3A = arith.constant 0.000000e+00 : f32
        %broadcast_in_dim3A_192 = vector.broadcast %broadcast_in_dim3A : f32 to vector<16xf32>
        %broadcast_in_dim3A_193 = arith.constant 0.000000e+00 : f32
        %broadcast_in_dim3A_194 = vector.broadcast %broadcast_in_dim3A_193 : f32 to vector<16xf32>
        %broadcast_in_dim3A_195 = arith.constant 0.000000e+00 : f32
        %broadcast_in_dim3A_196 = vector.broadcast %broadcast_in_dim3A_195 : f32 to vector<16xf32>
        %add3A_197 = arith.constant 0 : i32
        %add3A_198 = arith.addi %mul3A_191, %add3A_197 : i32
        %get3A = arith.index_cast %add3A_198 : i32 to index
        %get3A_199 = arith.constant 0 : index
        %get3A_200 = tpu.vector_load %arg7[%get3A, %get3A_199] {strides = array<i32>} : memref<320x128xf32, #tpu.memory_space<vmem>>, vector<1x16xf32>,
        %get3A_201 = vector.shape_cast %get3A_200 : vector<1x16xf32> to vector<16xf32>
        %add3A_202 = arith.addf %broadcast_in_dim3A_192, %get3A_201 : vector<16xf32>
        %get3A_203 = arith.index_cast %add3A_198 : i32 to index
        %get3A_204 = arith.constant 16 : index
        %get3A_205 = tpu.vector_load %arg7[%get3A_203, %get3A_204] {strides = array<i32>} : memref<320x128xf32, #tpu.memory_space<vmem>>, vector<1x16xf32>,
        %get3A_206 = vector.shape_cast %get3A_205 : vector<1x16xf32> to vector<16xf32>
        %add3A_207 = arith.addf %broadcast_in_dim3A_194, %get3A_206 : vector<16xf32>
        %get3A_208 = arith.index_cast %add3A_198 : i32 to index
        %get3A_209 = arith.constant 32 : index
        %get3A_210 = tpu.vector_load %arg7[%get3A_208, %get3A_209] {strides = array<i32>} : memref<320x128xf32, #tpu.memory_space<vmem>>, vector<1x16xf32>,
        %get3A_211 = vector.shape_cast %get3A_210 : vector<1x16xf32> to vector<16xf32>
        %add3A_212 = arith.addf %broadcast_in_dim3A_196, %get3A_211 : vector<16xf32>
        %add3A_213 = arith.constant 1 : i32
        %add3A_214 = arith.addi %mul3A_191, %add3A_213 : i32
        %get3A_215 = arith.index_cast %add3A_214 : i32 to index
        %get3A_216 = arith.constant 0 : index
        %get3A_217 = tpu.vector_load %arg7[%get3A_215, %get3A_216] {strides = array<i32>} : memref<320x128xf32, #tpu.memory_space<vmem>>, vector<1x16xf32>,
        %get3A_218 = vector.shape_cast %get3A_217 : vector<1x16xf32> to vector<16xf32>
        %add3A_219 = arith.addf %add3A_202, %get3A_218 : vector<16xf32>
        %get3A_220 = arith.index_cast %add3A_214 : i32 to index
        %get3A_221 = arith.constant 16 : index
        %get3A_222 = tpu.vector_load %arg7[%get3A_220, %get3A_221] {strides = array<i32>} : memref<320x128xf32, #tpu.memory_space<vmem>>, vector<1x16xf32>,
        %get3A_223 = vector.shape_cast %get3A_222 : vector<1x16xf32> to vector<16xf32>
        %add3A_224 = arith.addf %add3A_207, %get3A_223 : vector<16xf32>
        %get3A_225 = arith.index_cast %add3A_214 : i32 to index
        %get3A_226 = arith.constant 32 : index
        %get3A_227 = tpu.vector_load %arg7[%get3A_225, %get3A_226] {strides = array<i32>} : memref<320x128xf32, #tpu.memory_space<vmem>>, vector<1x16xf32>,
        %get3A_228 = vector.shape_cast %get3A_227 : vector<1x16xf32> to vector<16xf32>
        %add3A_229 = arith.addf %add3A_212, %get3A_228 : vector<16xf32>
        %add3A_230 = arith.constant 2 : i32
        %add3A_231 = arith.addi %mul3A_191, %add3A_230 : i32
        %get3A_232 = arith.index_cast %add3A_231 : i32 to index
        %get3A_233 = arith.constant 0 : index
        %get3A_234 = tpu.vector_load %arg7[%get3A_232, %get3A_233] {strides = array<i32>} : memref<320x128xf32, #tpu.memory_space<vmem>>, vector<1x16xf32>,
        %get3A_235 = vector.shape_cast %get3A_234 : vector<1x16xf32> to vector<16xf32>
        %add3A_236 = arith.addf %add3A_219, %get3A_235 : vector<16xf32>
        %get3A_237 = arith.index_cast %add3A_231 : i32 to index
        %get3A_238 = arith.constant 16 : index
        %get3A_239 = tpu.vector_load %arg7[%get3A_237, %get3A_238] {strides = array<i32>} : memref<320x128xf32, #tpu.memory_space<vmem>>, vector<1x16xf32>,
        %get3A_240 = vector.shape_cast %get3A_239 : vector<1x16xf32> to vector<16xf32>
        %add3A_241 = arith.addf %add3A_224, %get3A_240 : vector<16xf32>
        %get3A_242 = arith.index_cast %add3A_231 : i32 to index
        %get3A_243 = arith.constant 32 : index
        %get3A_244 = tpu.vector_load %arg7[%get3A_242, %get3A_243] {strides = array<i32>} : memref<320x128xf32, #tpu.memory_space<vmem>>, vector<1x16xf32>,
        %get3A_245 = vector.shape_cast %get3A_244 : vector<1x16xf32> to vector<16xf32>
        %add3A_246 = arith.addf %add3A_229, %get3A_245 : vector<16xf32>
        %add3A_247 = arith.constant 3 : i32
        %add3A_248 = arith.addi %mul3A_191, %add3A_247 : i32
        %get3A_249 = arith.index_cast %add3A_248 : i32 to index
        %get3A_250 = arith.constant 0 : index
        %get3A_251 = tpu.vector_load %arg7[%get3A_249, %get3A_250] {strides = array<i32>} : memref<320x128xf32, #tpu.memory_space<vmem>>, vector<1x16xf32>,
        %get3A_252 = vector.shape_cast %get3A_251 : vector<1x16xf32> to vector<16xf32>
        %add3A_253 = arith.addf %add3A_236, %get3A_252 : vector<16xf32>
        %get3A_254 = arith.index_cast %add3A_248 : i32 to index
        %get3A_255 = arith.constant 16 : index
        %get3A_256 = tpu.vector_load %arg7[%get3A_254, %get3A_255] {strides = array<i32>} : memref<320x128xf32, #tpu.memory_space<vmem>>, vector<1x16xf32>,
        %get3A_257 = vector.shape_cast %get3A_256 : vector<1x16xf32> to vector<16xf32>
        %add3A_258 = arith.addf %add3A_241, %get3A_257 : vector<16xf32>
        %get3A_259 = arith.index_cast %add3A_248 : i32 to index
        %get3A_260 = arith.constant 32 : index
        %get3A_261 = tpu.vector_load %arg7[%get3A_259, %get3A_260] {strides = array<i32>} : memref<320x128xf32, #tpu.memory_space<vmem>>, vector<1x16xf32>,
        %get3A_262 = vector.shape_cast %get3A_261 : vector<1x16xf32> to vector<16xf32>
        %add3A_263 = arith.addf %add3A_246, %get3A_262 : vector<16xf32>
        %add3A_264 = arith.constant 4 : i32
        %add3A_265 = arith.addi %mul3A_191, %add3A_264 : i32
        %get3A_266 = arith.index_cast %add3A_265 : i32 to index
        %get3A_267 = arith.constant 0 : index
        %get3A_268 = tpu.vector_load %arg7[%get3A_266, %get3A_267] {strides = array<i32>} : memref<320x128xf32, #tpu.memory_space<vmem>>, vector<1x16xf32>,
        %get3A_269 = vector.shape_cast %get3A_268 : vector<1x16xf32> to vector<16xf32>
        %add3A_270 = arith.addf %add3A_253, %get3A_269 : vector<16xf32>
        %get3A_271 = arith.index_cast %add3A_265 : i32 to index
        %get3A_272 = arith.constant 16 : index
        %get3A_273 = tpu.vector_load %arg7[%get3A_271, %get3A_272] {strides = array<i32>} : memref<320x128xf32, #tpu.memory_space<vmem>>, vector<1x16xf32>,
        %get3A_274 = vector.shape_cast %get3A_273 : vector<1x16xf32> to vector<16xf32>
        %add3A_275 = arith.addf %add3A_258, %get3A_274 : vector<16xf32>
        %get3A_276 = arith.index_cast %add3A_265 : i32 to index
        %get3A_277 = arith.constant 32 : index
        %get3A_278 = tpu.vector_load %arg7[%get3A_276, %get3A_277] {strides = array<i32>} : memref<320x128xf32, #tpu.memory_space<vmem>>, vector<1x16xf32>,
        %get3A_279 = vector.shape_cast %get3A_278 : vector<1x16xf32> to vector<16xf32>
        %add3A_280 = arith.addf %add3A_263, %get3A_279 : vector<16xf32>
        %add3A_281 = arith.constant 5 : i32
        %add3A_282 = arith.addi %mul3A_191, %add3A_281 : i32
        %get3A_283 = arith.index_cast %add3A_282 : i32 to index
        %get3A_284 = arith.constant 0 : index
        %get3A_285 = tpu.vector_load %arg7[%get3A_283, %get3A_284] {strides = array<i32>} : memref<320x128xf32, #tpu.memory_space<vmem>>, vector<1x16xf32>,
        %get3A_286 = vector.shape_cast %get3A_285 : vector<1x16xf32> to vector<16xf32>
        %add3A_287 = arith.addf %add3A_270, %get3A_286 : vector<16xf32>
        %get3A_288 = arith.index_cast %add3A_282 : i32 to index
        %get3A_289 = arith.constant 16 : index
        %get3A_290 = tpu.vector_load %arg7[%get3A_288, %get3A_289] {strides = array<i32>} : memref<320x128xf32, #tpu.memory_space<vmem>>, vector<1x16xf32>,
        %get3A_291 = vector.shape_cast %get3A_290 : vector<1x16xf32> to vector<16xf32>
        %add3A_292 = arith.addf %add3A_275, %get3A_291 : vector<16xf32>
        %get3A_293 = arith.index_cast %add3A_282 : i32 to index
        %get3A_294 = arith.constant 32 : index
        %get3A_295 = tpu.vector_load %arg7[%get3A_293, %get3A_294] {strides = array<i32>} : memref<320x128xf32, #tpu.memory_space<vmem>>, vector<1x16xf32>,
        %get3A_296 = vector.shape_cast %get3A_295 : vector<1x16xf32> to vector<16xf32>
        %add3A_297 = arith.addf %add3A_280, %get3A_296 : vector<16xf32>
        %add3A_298 = arith.constant 6 : i32
        %add3A_299 = arith.addi %mul3A_191, %add3A_298 : i32
        %get3A_300 = arith.index_cast %add3A_299 : i32 to index
        %get3A_301 = arith.constant 0 : index
        %get3A_302 = tpu.vector_load %arg7[%get3A_300, %get3A_301] {strides = array<i32>} : memref<320x128xf32, #tpu.memory_space<vmem>>, vector<1x16xf32>,
        %get3A_303 = vector.shape_cast %get3A_302 : vector<1x16xf32> to vector<16xf32>
        %add3A_304 = arith.addf %add3A_287, %get3A_303 : vector<16xf32>
        %get3A_305 = arith.index_cast %add3A_299 : i32 to index
        %get3A_306 = arith.constant 16 : index
        %get3A_307 = tpu.vector_load %arg7[%get3A_305, %get3A_306] {strides = array<i32>} : memref<320x128xf32, #tpu.memory_space<vmem>>, vector<1x16xf32>,
        %get3A_308 = vector.shape_cast %get3A_307 : vector<1x16xf32> to vector<16xf32>
        %add3A_309 = arith.addf %add3A_292, %get3A_308 : vector<16xf32>
        %get3A_310 = arith.index_cast %add3A_299 : i32 to index
        %get3A_311 = arith.constant 32 : index
        %get3A_312 = tpu.vector_load %arg7[%get3A_310, %get3A_311] {strides = array<i32>} : memref<320x128xf32, #tpu.memory_space<vmem>>, vector<1x16xf32>,
        %get3A_313 = vector.shape_cast %get3A_312 : vector<1x16xf32> to vector<16xf32>
        %add3A_314 = arith.addf %add3A_297, %get3A_313 : vector<16xf32>
        %add3A_315 = arith.constant 7 : i32
        %add3A_316 = arith.addi %mul3A_191, %add3A_315 : i32
        %get3A_317 = arith.index_cast %add3A_316 : i32 to index
        %get3A_318 = arith.constant 0 : index
        %get3A_319 = tpu.vector_load %arg7[%get3A_317, %get3A_318] {strides = array<i32>} : memref<320x128xf32, #tpu.memory_space<vmem>>, vector<1x16xf32>,
        %get3A_320 = vector.shape_cast %get3A_319 : vector<1x16xf32> to vector<16xf32>
        %add3A_321 = arith.addf %add3A_304, %get3A_320 : vector<16xf32>
        %get3A_322 = arith.index_cast %add3A_316 : i32 to index
        %get3A_323 = arith.constant 16 : index
        %get3A_324 = tpu.vector_load %arg7[%get3A_322, %get3A_323] {strides = array<i32>} : memref<320x128xf32, #tpu.memory_space<vmem>>, vector<1x16xf32>,
        %get3A_325 = vector.shape_cast %get3A_324 : vector<1x16xf32> to vector<16xf32>
        %add3A_326 = arith.addf %add3A_309, %get3A_325 : vector<16xf32>
        %get3A_327 = arith.index_cast %add3A_316 : i32 to index
        %get3A_328 = arith.constant 32 : index
        %get3A_329 = tpu.vector_load %arg7[%get3A_327, %get3A_328] {strides = array<i32>} : memref<320x128xf32, #tpu.memory_space<vmem>>, vector<1x16xf32>,
        %get3A_330 = vector.shape_cast %get3A_329 : vector<1x16xf32> to vector<16xf32>
        %add3A_331 = arith.addf %add3A_314, %get3A_330 : vector<16xf32>
        %add3A_332 = arith.constant 8 : i32
        %add3A_333 = arith.addi %mul3A_191, %add3A_332 : i32
        %get3A_334 = arith.index_cast %add3A_333 : i32 to index
        %get3A_335 = arith.constant 0 : index
        %get3A_336 = tpu.vector_load %arg7[%get3A_334, %get3A_335] {strides = array<i32>} : memref<320x128xf32, #tpu.memory_space<vmem>>, vector<1x16xf32>,
        %get3A_337 = vector.shape_cast %get3A_336 : vector<1x16xf32> to vector<16xf32>
        %add3A_338 = arith.addf %add3A_321, %get3A_337 : vector<16xf32>
        %get3A_339 = arith.index_cast %add3A_333 : i32 to index
        %get3A_340 = arith.constant 16 : index
        %get3A_341 = tpu.vector_load %arg7[%get3A_339, %get3A_340] {strides = array<i32>} : memref<320x128xf32, #tpu.memory_space<vmem>>, vector<1x16xf32>,
        %get3A_342 = vector.shape_cast %get3A_341 : vector<1x16xf32> to vector<16xf32>
        %add3A_343 = arith.addf %add3A_326, %get3A_342 : vector<16xf32>
        %get3A_344 = arith.index_cast %add3A_333 : i32 to index
        %get3A_345 = arith.constant 32 : index
        %get3A_346 = tpu.vector_load %arg7[%get3A_344, %get3A_345] {strides = array<i32>} : memref<320x128xf32, #tpu.memory_space<vmem>>, vector<1x16xf32>,
        %get3A_347 = vector.shape_cast %get3A_346 : vector<1x16xf32> to vector<16xf32>
        %add3A_348 = arith.addf %add3A_331, %get3A_347 : vector<16xf32>
        %add3A_349 = arith.constant 9 : i32
        %add3A_350 = arith.addi %mul3A_191, %add3A_349 : i32
        %get3A_351 = arith.index_cast %add3A_350 : i32 to index
        %get3A_352 = arith.constant 0 : index
        %get3A_353 = tpu.vector_load %arg7[%get3A_351, %get3A_352] {strides = array<i32>} : memref<320x128xf32, #tpu.memory_space<vmem>>, vector<1x16xf32>,
        %get3A_354 = vector.shape_cast %get3A_353 : vector<1x16xf32> to vector<16xf32>
        %add3A_355 = arith.addf %add3A_338, %get3A_354 : vector<16xf32>
        %get3A_356 = arith.index_cast %add3A_350 : i32 to index
        %get3A_357 = arith.constant 16 : index
        %get3A_358 = tpu.vector_load %arg7[%get3A_356, %get3A_357] {strides = array<i32>} : memref<320x128xf32, #tpu.memory_space<vmem>>, vector<1x16xf32>,
        %get3A_359 = vector.shape_cast %get3A_358 : vector<1x16xf32> to vector<16xf32>
        %add3A_360 = arith.addf %add3A_343, %get3A_359 : vector<16xf32>
        %get3A_361 = arith.index_cast %add3A_350 : i32 to index
        %get3A_362 = arith.constant 32 : index
        %get3A_363 = tpu.vector_load %arg7[%get3A_361, %get3A_362] {strides = array<i32>} : memref<320x128xf32, #tpu.memory_space<vmem>>, vector<1x16xf32>,
        %get3A_364 = vector.shape_cast %get3A_363 : vector<1x16xf32> to vector<16xf32>
        %add3A_365 = arith.addf %add3A_348, %get3A_364 : vector<16xf32>
        %add3A_366 = arith.constant 10 : i32
        %add3A_367 = arith.addi %mul3A_191, %add3A_366 : i32
        %get3A_368 = arith.index_cast %add3A_367 : i32 to index
        %get3A_369 = arith.constant 48 : index
        %get3A_370 = tpu.vector_load %arg7[%get3A_368, %get3A_369] {strides = array<i32>} : memref<320x128xf32, #tpu.memory_space<vmem>>, vector<1x16xf32>,
        %get3A_371 = vector.shape_cast %get3A_370 : vector<1x16xf32> to vector<16xf32>
        %add3A_372 = arith.addf %add3A_355, %get3A_371 : vector<16xf32>
        %get3A_373 = arith.index_cast %add3A_367 : i32 to index
        %get3A_374 = arith.constant 64 : index
        %get3A_375 = tpu.vector_load %arg7[%get3A_373, %get3A_374] {strides = array<i32>} : memref<320x128xf32, #tpu.memory_space<vmem>>, vector<1x16xf32>,
        %get3A_376 = vector.shape_cast %get3A_375 : vector<1x16xf32> to vector<16xf32>
        %add3A_377 = arith.addf %add3A_360, %get3A_376 : vector<16xf32>
        %get3A_378 = arith.index_cast %add3A_367 : i32 to index
        %get3A_379 = arith.constant 80 : index
        %get3A_380 = tpu.vector_load %arg7[%get3A_378, %get3A_379] {strides = array<i32>} : memref<320x128xf32, #tpu.memory_space<vmem>>, vector<1x16xf32>,
        %get3A_381 = vector.shape_cast %get3A_380 : vector<1x16xf32> to vector<16xf32>
        %add3A_382 = arith.addf %add3A_365, %get3A_381 : vector<16xf32>
        %add3A_383 = arith.constant 11 : i32
        %add3A_384 = arith.addi %mul3A_191, %add3A_383 : i32
        %get3A_385 = arith.index_cast %add3A_384 : i32 to index
        %get3A_386 = arith.constant 48 : index
        %get3A_387 = tpu.vector_load %arg7[%get3A_385, %get3A_386] {strides = array<i32>} : memref<320x128xf32, #tpu.memory_space<vmem>>, vector<1x16xf32>,
        %get3A_388 = vector.shape_cast %get3A_387 : vector<1x16xf32> to vector<16xf32>
        %add3A_389 = arith.addf %add3A_372, %get3A_388 : vector<16xf32>
        %get3A_390 = arith.index_cast %add3A_384 : i32 to index
        %get3A_391 = arith.constant 64 : index
        %get3A_392 = tpu.vector_load %arg7[%get3A_390, %get3A_391] {strides = array<i32>} : memref<320x128xf32, #tpu.memory_space<vmem>>, vector<1x16xf32>,
        %get3A_393 = vector.shape_cast %get3A_392 : vector<1x16xf32> to vector<16xf32>
        %add3A_394 = arith.addf %add3A_377, %get3A_393 : vector<16xf32>
        %get3A_395 = arith.index_cast %add3A_384 : i32 to index
        %get3A_396 = arith.constant 80 : index
        %get3A_397 = tpu.vector_load %arg7[%get3A_395, %get3A_396] {strides = array<i32>} : memref<320x128xf32, #tpu.memory_space<vmem>>, vector<1x16xf32>,
        %get3A_398 = vector.shape_cast %get3A_397 : vector<1x16xf32> to vector<16xf32>
        %add3A_399 = arith.addf %add3A_382, %get3A_398 : vector<16xf32>
        %add3A_400 = arith.constant 12 : i32
        %add3A_401 = arith.addi %mul3A_191, %add3A_400 : i32
        %get3A_402 = arith.index_cast %add3A_401 : i32 to index
        %get3A_403 = arith.constant 48 : index
        %get3A_404 = tpu.vector_load %arg7[%get3A_402, %get3A_403] {strides = array<i32>} : memref<320x128xf32, #tpu.memory_space<vmem>>, vector<1x16xf32>,
        %get3A_405 = vector.shape_cast %get3A_404 : vector<1x16xf32> to vector<16xf32>
        %add3A_406 = arith.addf %add3A_389, %get3A_405 : vector<16xf32>
        %get3A_407 = arith.index_cast %add3A_401 : i32 to index
        %get3A_408 = arith.constant 64 : index
        %get3A_409 = tpu.vector_load %arg7[%get3A_407, %get3A_408] {strides = array<i32>} : memref<320x128xf32, #tpu.memory_space<vmem>>, vector<1x16xf32>,
        %get3A_410 = vector.shape_cast %get3A_409 : vector<1x16xf32> to vector<16xf32>
        %add3A_411 = arith.addf %add3A_394, %get3A_410 : vector<16xf32>
        %get3A_412 = arith.index_cast %add3A_401 : i32 to index
        %get3A_413 = arith.constant 80 : index
        %get3A_414 = tpu.vector_load %arg7[%get3A_412, %get3A_413] {strides = array<i32>} : memref<320x128xf32, #tpu.memory_space<vmem>>, vector<1x16xf32>,
        %get3A_415 = vector.shape_cast %get3A_414 : vector<1x16xf32> to vector<16xf32>
        %add3A_416 = arith.addf %add3A_399, %get3A_415 : vector<16xf32>
        %add3A_417 = arith.constant 13 : i32
        %add3A_418 = arith.addi %mul3A_191, %add3A_417 : i32
        %get3A_419 = arith.index_cast %add3A_418 : i32 to index
        %get3A_420 = arith.constant 48 : index
        %get3A_421 = tpu.vector_load %arg7[%get3A_419, %get3A_420] {strides = array<i32>} : memref<320x128xf32, #tpu.memory_space<vmem>>, vector<1x16xf32>,
        %get3A_422 = vector.shape_cast %get3A_421 : vector<1x16xf32> to vector<16xf32>
        %add3A_423 = arith.addf %add3A_406, %get3A_422 : vector<16xf32>
        %get3A_424 = arith.index_cast %add3A_418 : i32 to index
        %get3A_425 = arith.constant 64 : index
        %get3A_426 = tpu.vector_load %arg7[%get3A_424, %get3A_425] {strides = array<i32>} : memref<320x128xf32, #tpu.memory_space<vmem>>, vector<1x16xf32>,
        %get3A_427 = vector.shape_cast %get3A_426 : vector<1x16xf32> to vector<16xf32>
        %add3A_428 = arith.addf %add3A_411, %get3A_427 : vector<16xf32>
        %get3A_429 = arith.index_cast %add3A_418 : i32 to index
        %get3A_430 = arith.constant 80 : index
        %get3A_431 = tpu.vector_load %arg7[%get3A_429, %get3A_430] {strides = array<i32>} : memref<320x128xf32, #tpu.memory_space<vmem>>, vector<1x16xf32>,
        %get3A_432 = vector.shape_cast %get3A_431 : vector<1x16xf32> to vector<16xf32>
        %add3A_433 = arith.addf %add3A_416, %get3A_432 : vector<16xf32>
        %add3A_434 = arith.constant 14 : i32
        %add3A_435 = arith.addi %mul3A_191, %add3A_434 : i32
        %get3A_436 = arith.index_cast %add3A_435 : i32 to index
        %get3A_437 = arith.constant 48 : index
        %get3A_438 = tpu.vector_load %arg7[%get3A_436, %get3A_437] {strides = array<i32>} : memref<320x128xf32, #tpu.memory_space<vmem>>, vector<1x16xf32>,
        %get3A_439 = vector.shape_cast %get3A_438 : vector<1x16xf32> to vector<16xf32>
        %add3A_440 = arith.addf %add3A_423, %get3A_439 : vector<16xf32>
        %get3A_441 = arith.index_cast %add3A_435 : i32 to index
        %get3A_442 = arith.constant 64 : index
        %get3A_443 = tpu.vector_load %arg7[%get3A_441, %get3A_442] {strides = array<i32>} : memref<320x128xf32, #tpu.memory_space<vmem>>, vector<1x16xf32>,
        %get3A_444 = vector.shape_cast %get3A_443 : vector<1x16xf32> to vector<16xf32>
        %add3A_445 = arith.addf %add3A_428, %get3A_444 : vector<16xf32>
        %get3A_446 = arith.index_cast %add3A_435 : i32 to index
        %get3A_447 = arith.constant 80 : index
        %get3A_448 = tpu.vector_load %arg7[%get3A_446, %get3A_447] {strides = array<i32>} : memref<320x128xf32, #tpu.memory_space<vmem>>, vector<1x16xf32>,
        %get3A_449 = vector.shape_cast %get3A_448 : vector<1x16xf32> to vector<16xf32>
        %add3A_450 = arith.addf %add3A_433, %get3A_449 : vector<16xf32>
        %add3A_451 = arith.constant 15 : i32
        %add3A_452 = arith.addi %mul3A_191, %add3A_451 : i32
        %get3A_453 = arith.index_cast %add3A_452 : i32 to index
        %get3A_454 = arith.constant 48 : index
        %get3A_455 = tpu.vector_load %arg7[%get3A_453, %get3A_454] {strides = array<i32>} : memref<320x128xf32, #tpu.memory_space<vmem>>, vector<1x16xf32>,
        %get3A_456 = vector.shape_cast %get3A_455 : vector<1x16xf32> to vector<16xf32>
        %add3A_457 = arith.addf %add3A_440, %get3A_456 : vector<16xf32>
        %get3A_458 = arith.index_cast %add3A_452 : i32 to index
        %get3A_459 = arith.constant 64 : index
        %get3A_460 = tpu.vector_load %arg7[%get3A_458, %get3A_459] {strides = array<i32>} : memref<320x128xf32, #tpu.memory_space<vmem>>, vector<1x16xf32>,
        %get3A_461 = vector.shape_cast %get3A_460 : vector<1x16xf32> to vector<16xf32>
        %add3A_462 = arith.addf %add3A_445, %get3A_461 : vector<16xf32>
        %get3A_463 = arith.index_cast %add3A_452 : i32 to index
        %get3A_464 = arith.constant 80 : index
        %get3A_465 = tpu.vector_load %arg7[%get3A_463, %get3A_464] {strides = array<i32>} : memref<320x128xf32, #tpu.memory_space<vmem>>, vector<1x16xf32>,
        %get3A_466 = vector.shape_cast %get3A_465 : vector<1x16xf32> to vector<16xf32>
        %add3A_467 = arith.addf %add3A_450, %get3A_466 : vector<16xf32>
        %add3A_468 = arith.constant 16 : i32
        %add3A_469 = arith.addi %mul3A_191, %add3A_468 : i32
        %get3A_470 = arith.index_cast %add3A_469 : i32 to index
        %get3A_471 = arith.constant 48 : index
        %get3A_472 = tpu.vector_load %arg7[%get3A_470, %get3A_471] {strides = array<i32>} : memref<320x128xf32, #tpu.memory_space<vmem>>, vector<1x16xf32>,
        %get3A_473 = vector.shape_cast %get3A_472 : vector<1x16xf32> to vector<16xf32>
        %add3A_474 = arith.addf %add3A_457, %get3A_473 : vector<16xf32>
        %get3A_475 = arith.index_cast %add3A_469 : i32 to index
        %get3A_476 = arith.constant 64 : index
        %get3A_477 = tpu.vector_load %arg7[%get3A_475, %get3A_476] {strides = array<i32>} : memref<320x128xf32, #tpu.memory_space<vmem>>, vector<1x16xf32>,
        %get3A_478 = vector.shape_cast %get3A_477 : vector<1x16xf32> to vector<16xf32>
        %add3A_479 = arith.addf %add3A_462, %get3A_478 : vector<16xf32>
        %get3A_480 = arith.index_cast %add3A_469 : i32 to index
        %get3A_481 = arith.constant 80 : index
        %get3A_482 = tpu.vector_load %arg7[%get3A_480, %get3A_481] {strides = array<i32>} : memref<320x128xf32, #tpu.memory_space<vmem>>, vector<1x16xf32>,
        %get3A_483 = vector.shape_cast %get3A_482 : vector<1x16xf32> to vector<16xf32>
        %add3A_484 = arith.addf %add3A_467, %get3A_483 : vector<16xf32>
        %add3A_485 = arith.constant 17 : i32
        %add3A_486 = arith.addi %mul3A_191, %add3A_485 : i32
        %get3A_487 = arith.index_cast %add3A_486 : i32 to index
        %get3A_488 = arith.constant 48 : index
        %get3A_489 = tpu.vector_load %arg7[%get3A_487, %get3A_488] {strides = array<i32>} : memref<320x128xf32, #tpu.memory_space<vmem>>, vector<1x16xf32>,
        %get3A_490 = vector.shape_cast %get3A_489 : vector<1x16xf32> to vector<16xf32>
        %add3A_491 = arith.addf %add3A_474, %get3A_490 : vector<16xf32>
        %get3A_492 = arith.index_cast %add3A_486 : i32 to index
        %get3A_493 = arith.constant 64 : index
        %get3A_494 = tpu.vector_load %arg7[%get3A_492, %get3A_493] {strides = array<i32>} : memref<320x128xf32, #tpu.memory_space<vmem>>, vector<1x16xf32>,
        %get3A_495 = vector.shape_cast %get3A_494 : vector<1x16xf32> to vector<16xf32>
        %add3A_496 = arith.addf %add3A_479, %get3A_495 : vector<16xf32>
        %get3A_497 = arith.index_cast %add3A_486 : i32 to index
        %get3A_498 = arith.constant 80 : index
        %get3A_499 = tpu.vector_load %arg7[%get3A_497, %get3A_498] {strides = array<i32>} : memref<320x128xf32, #tpu.memory_space<vmem>>, vector<1x16xf32>,
        %get3A_500 = vector.shape_cast %get3A_499 : vector<1x16xf32> to vector<16xf32>
        %add3A_501 = arith.addf %add3A_484, %get3A_500 : vector<16xf32>
        %add3A_502 = arith.constant 18 : i32
        %add3A_503 = arith.addi %mul3A_191, %add3A_502 : i32
        %get3A_504 = arith.index_cast %add3A_503 : i32 to index
        %get3A_505 = arith.constant 48 : index
        %get3A_506 = tpu.vector_load %arg7[%get3A_504, %get3A_505] {strides = array<i32>} : memref<320x128xf32, #tpu.memory_space<vmem>>, vector<1x16xf32>,
        %get3A_507 = vector.shape_cast %get3A_506 : vector<1x16xf32> to vector<16xf32>
        %add3A_508 = arith.addf %add3A_491, %get3A_507 : vector<16xf32>
        %get3A_509 = arith.index_cast %add3A_503 : i32 to index
        %get3A_510 = arith.constant 64 : index
        %get3A_511 = tpu.vector_load %arg7[%get3A_509, %get3A_510] {strides = array<i32>} : memref<320x128xf32, #tpu.memory_space<vmem>>, vector<1x16xf32>,
        %get3A_512 = vector.shape_cast %get3A_511 : vector<1x16xf32> to vector<16xf32>
        %add3A_513 = arith.addf %add3A_496, %get3A_512 : vector<16xf32>
        %get3A_514 = arith.index_cast %add3A_503 : i32 to index
        %get3A_515 = arith.constant 80 : index
        %get3A_516 = tpu.vector_load %arg7[%get3A_514, %get3A_515] {strides = array<i32>} : memref<320x128xf32, #tpu.memory_space<vmem>>, vector<1x16xf32>,
        %get3A_517 = vector.shape_cast %get3A_516 : vector<1x16xf32> to vector<16xf32>
        %add3A_518 = arith.addf %add3A_501, %get3A_517 : vector<16xf32>
        %add3A_519 = arith.constant 19 : i32
        %add3A_520 = arith.addi %mul3A_191, %add3A_519 : i32
        %get3A_521 = arith.index_cast %add3A_520 : i32 to index
        %get3A_522 = arith.constant 48 : index
        %get3A_523 = tpu.vector_load %arg7[%get3A_521, %get3A_522] {strides = array<i32>} : memref<320x128xf32, #tpu.memory_space<vmem>>, vector<1x16xf32>,
        %get3A_524 = vector.shape_cast %get3A_523 : vector<1x16xf32> to vector<16xf32>
        %add3A_525 = arith.addf %add3A_508, %get3A_524 : vector<16xf32>
        %get3A_526 = arith.index_cast %add3A_520 : i32 to index
        %get3A_527 = arith.constant 64 : index
        %get3A_528 = tpu.vector_load %arg7[%get3A_526, %get3A_527] {strides = array<i32>} : memref<320x128xf32, #tpu.memory_space<vmem>>, vector<1x16xf32>,
        %get3A_529 = vector.shape_cast %get3A_528 : vector<1x16xf32> to vector<16xf32>
        %add3A_530 = arith.addf %add3A_513, %get3A_529 : vector<16xf32>
        %get3A_531 = arith.index_cast %add3A_520 : i32 to index
        %get3A_532 = arith.constant 80 : index
        %get3A_533 = tpu.vector_load %arg7[%get3A_531, %get3A_532] {strides = array<i32>} : memref<320x128xf32, #tpu.memory_space<vmem>>, vector<1x16xf32>,
        %get3A_534 = vector.shape_cast %get3A_533 : vector<1x16xf32> to vector<16xf32>
        %add3A_535 = arith.addf %add3A_518, %get3A_534 : vector<16xf32>
        %swap3A = arith.index_cast %scan3A_189 : i32 to index
        %swap3A_536 = arith.constant 0 : index
        %swap3A_537 = tpu.vector_load %arg9[%swap3A, %swap3A_536] {strides = array<i32>} : memref<16x128xf32, #tpu.memory_space<vmem>>, vector<1x16xf32>,
        %swap3A_538 = vector.shape_cast %swap3A_537 : vector<1x16xf32> to vector<16xf32>
        %swap3A_539 = vector.shape_cast %add3A_525 : vector<16xf32> to vector<1x16xf32>
        tpu.vector_store %arg9[%swap3A, %swap3A_536], %swap3A_539 {strides = array<i32>} : memref<16x128xf32, #tpu.memory_space<vmem>>, vector<1x16xf32>,
        %swap3A_540 = arith.index_cast %scan3A_189 : i32 to index
        %swap3A_541 = arith.constant 16 : index
        %swap3A_542 = tpu.vector_load %arg9[%swap3A_540, %swap3A_541] {strides = array<i32>} : memref<16x128xf32, #tpu.memory_space<vmem>>, vector<1x16xf32>,
        %swap3A_543 = vector.shape_cast %swap3A_542 : vector<1x16xf32> to vector<16xf32>
        %swap3A_544 = vector.shape_cast %add3A_530 : vector<16xf32> to vector<1x16xf32>
        tpu.vector_store %arg9[%swap3A_540, %swap3A_541], %swap3A_544 {strides = array<i32>} : memref<16x128xf32, #tpu.memory_space<vmem>>, vector<1x16xf32>,
        %swap3A_545 = arith.index_cast %scan3A_189 : i32 to index
        %swap3A_546 = arith.constant 32 : index
        %swap3A_547 = tpu.vector_load %arg9[%swap3A_545, %swap3A_546] {strides = array<i32>} : memref<16x128xf32, #tpu.memory_space<vmem>>, vector<1x16xf32>,
        %swap3A_548 = vector.shape_cast %swap3A_547 : vector<1x16xf32> to vector<16xf32>
        %swap3A_549 = vector.shape_cast %add3A_535 : vector<16xf32> to vector<1x16xf32>
        tpu.vector_store %arg9[%swap3A_545, %swap3A_546], %swap3A_549 {strides = array<i32>} : memref<16x128xf32, #tpu.memory_space<vmem>>, vector<1x16xf32>,
      }
      %scan3A_113 = arith.constant 16 : i32
      %mul3A_114 = arith.constant 16 : i32
      %mul3A_115 = arith.muli %add3A_60, %mul3A_114 : i32
      %add3A_116 = arith.addi %mul3A_4, %mul3A_115 : i32
      %dma_start3A_117 = arith.constant 0 : i32
      %dma_start3A_118 = tpu.memref_slice %arg4[%add3A_116, %dma_start3A_117] : memref<16384x128xf32, #tpu.memory_space<hbm>> -> memref<16x128xf32, #tpu.memory_space<hbm>>
      %dma_start3A_119 = arith.constant 0 : i32
      %dma_start3A_120 = tpu.memref_slice %arg4[%add3A_116, %dma_start3A_119] : memref<16384x128xf32, #tpu.memory_space<hbm>> -> memref<16x128xf32, #tpu.memory_space<hbm>>
      tpu.enqueue_dma source(%arg9 : memref<16x128xf32, #tpu.memory_space<vmem>>) target(%dma_start3A_120 : memref<16x128xf32, #tpu.memory_space<hbm>>) target_semaphore(%arg15 : memref<!tpu.dma_semaphore, #tpu.memory_space<semaphore_mem>>)
      %mul3A_121 = arith.constant 2 : i32
      %mul3A_122 = arith.muli %scan3A_56, %mul3A_121 : i32
      %add3A_123 = arith.constant 1 : i32
      %add3A_124 = arith.addi %mul3A_122, %add3A_123 : i32
      %dma_wait3A_125 = arith.constant 0 : i32
      %dma_wait3A_126 = arith.constant 0 : i32
      %dma_wait3A_127 = tpu.memref_slice %arg8[%dma_wait3A_125, %dma_wait3A_126] : memref<320x128xf32, #tpu.memory_space<vmem>> -> memref<80x128xf32, #tpu.memory_space<vmem>>
      %dma_wait3A_128 = arith.constant 0 : i32
      %dma_wait3A_129 = tpu.memref_slice %arg6[%dma_wait3A_128] : memref<320xi32, #tpu.memory_space<vmem>> -> memref<80xi32, #tpu.memory_space<vmem>>
      %dma_wait3A_130 = arith.constant 0 : i32
      %dma_wait3A_131 = arith.constant 0 : i32
      %dma_wait3A_132 = tpu.memref_slice %arg3[%dma_wait3A_130, %dma_wait3A_131] : memref<1000960x128xf32, #tpu.memory_space<hbm>> -> memref<1000960x128xf32, #tpu.memory_space<hbm>>
      tpu.wait_indirect_dma semaphore(%arg14 : memref<!tpu.dma_semaphore, #tpu.memory_space<semaphore_mem>>) src(%dma_wait3A_132 : memref<1000960x128xf32, #tpu.memory_space<hbm>>) dst(%dma_wait3A_127 : memref<80x128xf32, #tpu.memory_space<vmem>>)
      %dma_wait3A_133 = arith.constant 80 : i32
      %dma_wait3A_134 = arith.constant 0 : i32
      %dma_wait3A_135 = tpu.memref_slice %arg8[%dma_wait3A_133, %dma_wait3A_134] : memref<320x128xf32, #tpu.memory_space<vmem>> -> memref<80x128xf32, #tpu.memory_space<vmem>>
      %dma_wait3A_136 = arith.constant 80 : i32
      %dma_wait3A_137 = tpu.memref_slice %arg6[%dma_wait3A_136] : memref<320xi32, #tpu.memory_space<vmem>> -> memref<80xi32, #tpu.memory_space<vmem>>
      %dma_wait3A_138 = arith.constant 0 : i32
      %dma_wait3A_139 = arith.constant 0 : i32
      %dma_wait3A_140 = tpu.memref_slice %arg3[%dma_wait3A_138, %dma_wait3A_139] : memref<1000960x128xf32, #tpu.memory_space<hbm>> -> memref<1000960x128xf32, #tpu.memory_space<hbm>>
      tpu.wait_indirect_dma semaphore(%arg14 : memref<!tpu.dma_semaphore, #tpu.memory_space<semaphore_mem>>) src(%dma_wait3A_140 : memref<1000960x128xf32, #tpu.memory_space<hbm>>) dst(%dma_wait3A_135 : memref<80x128xf32, #tpu.memory_space<vmem>>)
      %dma_wait3A_141 = arith.constant 160 : i32
      %dma_wait3A_142 = arith.constant 0 : i32
      %dma_wait3A_143 = tpu.memref_slice %arg8[%dma_wait3A_141, %dma_wait3A_142] : memref<320x128xf32, #tpu.memory_space<vmem>> -> memref<80x128xf32, #tpu.memory_space<vmem>>
      %dma_wait3A_144 = arith.constant 160 : i32
      %dma_wait3A_145 = tpu.memref_slice %arg6[%dma_wait3A_144] : memref<320xi32, #tpu.memory_space<vmem>> -> memref<80xi32, #tpu.memory_space<vmem>>
      %dma_wait3A_146 = arith.constant 0 : i32
      %dma_wait3A_147 = arith.constant 0 : i32
      %dma_wait3A_148 = tpu.memref_slice %arg3[%dma_wait3A_146, %dma_wait3A_147] : memref<1000960x128xf32, #tpu.memory_space<hbm>> -> memref<1000960x128xf32, #tpu.memory_space<hbm>>
      tpu.wait_indirect_dma semaphore(%arg14 : memref<!tpu.dma_semaphore, #tpu.memory_space<semaphore_mem>>) src(%dma_wait3A_148 : memref<1000960x128xf32, #tpu.memory_space<hbm>>) dst(%dma_wait3A_143 : memref<80x128xf32, #tpu.memory_space<vmem>>)
      %dma_wait3A_149 = arith.constant 240 : i32
      %dma_wait3A_150 = arith.constant 0 : i32
      %dma_wait3A_151 = tpu.memref_slice %arg8[%dma_wait3A_149, %dma_wait3A_150] : memref<320x128xf32, #tpu.memory_space<vmem>> -> memref<80x128xf32, #tpu.memory_space<vmem>>
      %dma_wait3A_152 = arith.constant 240 : i32
      %dma_wait3A_153 = tpu.memref_slice %arg6[%dma_wait3A_152] : memref<320xi32, #tpu.memory_space<vmem>> -> memref<80xi32, #tpu.memory_space<vmem>>
      %dma_wait3A_154 = arith.constant 0 : i32
      %dma_wait3A_155 = arith.constant 0 : i32
      %dma_wait3A_156 = tpu.memref_slice %arg3[%dma_wait3A_154, %dma_wait3A_155] : memref<1000960x128xf32, #tpu.memory_space<hbm>> -> memref<1000960x128xf32, #tpu.memory_space<hbm>>
      tpu.wait_indirect_dma semaphore(%arg14 : memref<!tpu.dma_semaphore, #tpu.memory_space<semaphore_mem>>) src(%dma_wait3A_156 : memref<1000960x128xf32, #tpu.memory_space<hbm>>) dst(%dma_wait3A_151 : memref<80x128xf32, #tpu.memory_space<vmem>>)
      %add3A_157 = arith.constant 1 : i32
      %add3A_158 = arith.addi %add3A_124, %add3A_157 : i32
      %lt3A_159 = arith.constant 32 : i32
      %lt3A_160 = arith.cmpi slt, %add3A_158, %lt3A_159 : i32
      %convert_element_type3A_161 = arith.extui %lt3A_160 : i1 to i32
      %cond3A_162 = arith.constant 0 : i32
      %cond3A_163 = arith.cmpi ne, %convert_element_type3A_161, %cond3A_162 : i32
      scf.if %cond3A_163 {
        %add3A_189 = arith.constant 1 : i32
        %add3A_190 = arith.addi %add3A_124, %add3A_189 : i32
        %mul3A_191 = arith.constant 320 : i32
        %mul3A_192 = arith.muli %add3A_190, %mul3A_191 : i32
        %add3A_193 = arith.addi %mul3A_2, %mul3A_192 : i32
        %dma_wait3A_194 = tpu.memref_slice %arg2[%add3A_193] : memref<327680xi32, #tpu.memory_space<hbm>> -> memref<320xi32, #tpu.memory_space<hbm>>
        %dma_wait3A_195 = tpu.memref_slice %arg2[%add3A_193] : memref<327680xi32, #tpu.memory_space<hbm>> -> memref<320xi32, #tpu.memory_space<hbm>>
        tpu.wait_dma2 semaphore(%arg11 : memref<!tpu.dma_semaphore, #tpu.memory_space<semaphore_mem>>) src(%dma_wait3A_195 : memref<320xi32, #tpu.memory_space<hbm>>) dst(%arg5 : memref<320xi32, #tpu.memory_space<vmem>>)
        %dma_start3A_196 = arith.constant 0 : i32
        %dma_start3A_197 = arith.constant 0 : i32
        %dma_start3A_198 = tpu.memref_slice %arg7[%dma_start3A_196, %dma_start3A_197] : memref<320x128xf32, #tpu.memory_space<vmem>> -> memref<80x128xf32, #tpu.memory_space<vmem>>
        %dma_start3A_199 = arith.constant 0 : i32
        %dma_start3A_200 = tpu.memref_slice %arg5[%dma_start3A_199] : memref<320xi32, #tpu.memory_space<vmem>> -> memref<80xi32, #tpu.memory_space<vmem>>
        %dma_start3A_201 = arith.constant 0 : i32
        %dma_start3A_202 = arith.constant 0 : i32
        %dma_start3A_203 = tpu.memref_slice %arg3[%dma_start3A_201, %dma_start3A_202] : memref<1000960x128xf32, #tpu.memory_space<hbm>> -> memref<1000960x128xf32, #tpu.memory_space<hbm>>
        tpu.enqueue_indirect_dma source(%dma_start3A_203 : memref<1000960x128xf32, #tpu.memory_space<hbm>>) target(%dma_start3A_198 : memref<80x128xf32, #tpu.memory_space<vmem>>) offsets(%dma_start3A_200 : memref<80xi32, #tpu.memory_space<vmem>>) semaphore(%arg13 : memref<!tpu.dma_semaphore, #tpu.memory_space<semaphore_mem>>)
        %dma_start3A_204 = arith.constant 80 : i32
        %dma_start3A_205 = arith.constant 0 : i32
        %dma_start3A_206 = tpu.memref_slice %arg7[%dma_start3A_204, %dma_start3A_205] : memref<320x128xf32, #tpu.memory_space<vmem>> -> memref<80x128xf32, #tpu.memory_space<vmem>>
        %dma_start3A_207 = arith.constant 80 : i32
        %dma_start3A_208 = tpu.memref_slice %arg5[%dma_start3A_207] : memref<320xi32, #tpu.memory_space<vmem>> -> memref<80xi32, #tpu.memory_space<vmem>>
        %dma_start3A_209 = arith.constant 0 : i32
        %dma_start3A_210 = arith.constant 0 : i32
        %dma_start3A_211 = tpu.memref_slice %arg3[%dma_start3A_209, %dma_start3A_210] : memref<1000960x128xf32, #tpu.memory_space<hbm>> -> memref<1000960x128xf32, #tpu.memory_space<hbm>>
        tpu.enqueue_indirect_dma source(%dma_start3A_211 : memref<1000960x128xf32, #tpu.memory_space<hbm>>) target(%dma_start3A_206 : memref<80x128xf32, #tpu.memory_space<vmem>>) offsets(%dma_start3A_208 : memref<80xi32, #tpu.memory_space<vmem>>) semaphore(%arg13 : memref<!tpu.dma_semaphore, #tpu.memory_space<semaphore_mem>>)
        %dma_start3A_212 = arith.constant 160 : i32
        %dma_start3A_213 = arith.constant 0 : i32
        %dma_start3A_214 = tpu.memref_slice %arg7[%dma_start3A_212, %dma_start3A_213] : memref<320x128xf32, #tpu.memory_space<vmem>> -> memref<80x128xf32, #tpu.memory_space<vmem>>
        %dma_start3A_215 = arith.constant 160 : i32
        %dma_start3A_216 = tpu.memref_slice %arg5[%dma_start3A_215] : memref<320xi32, #tpu.memory_space<vmem>> -> memref<80xi32, #tpu.memory_space<vmem>>
        %dma_start3A_217 = arith.constant 0 : i32
        %dma_start3A_218 = arith.constant 0 : i32
        %dma_start3A_219 = tpu.memref_slice %arg3[%dma_start3A_217, %dma_start3A_218] : memref<1000960x128xf32, #tpu.memory_space<hbm>> -> memref<1000960x128xf32, #tpu.memory_space<hbm>>
        tpu.enqueue_indirect_dma source(%dma_start3A_219 : memref<1000960x128xf32, #tpu.memory_space<hbm>>) target(%dma_start3A_214 : memref<80x128xf32, #tpu.memory_space<vmem>>) offsets(%dma_start3A_216 : memref<80xi32, #tpu.memory_space<vmem>>) semaphore(%arg13 : memref<!tpu.dma_semaphore, #tpu.memory_space<semaphore_mem>>)
        %dma_start3A_220 = arith.constant 240 : i32
        %dma_start3A_221 = arith.constant 0 : i32
        %dma_start3A_222 = tpu.memref_slice %arg7[%dma_start3A_220, %dma_start3A_221] : memref<320x128xf32, #tpu.memory_space<vmem>> -> memref<80x128xf32, #tpu.memory_space<vmem>>
        %dma_start3A_223 = arith.constant 240 : i32
        %dma_start3A_224 = tpu.memref_slice %arg5[%dma_start3A_223] : memref<320xi32, #tpu.memory_space<vmem>> -> memref<80xi32, #tpu.memory_space<vmem>>
        %dma_start3A_225 = arith.constant 0 : i32
        %dma_start3A_226 = arith.constant 0 : i32
        %dma_start3A_227 = tpu.memref_slice %arg3[%dma_start3A_225, %dma_start3A_226] : memref<1000960x128xf32, #tpu.memory_space<hbm>> -> memref<1000960x128xf32, #tpu.memory_space<hbm>>
        tpu.enqueue_indirect_dma source(%dma_start3A_227 : memref<1000960x128xf32, #tpu.memory_space<hbm>>) target(%dma_start3A_222 : memref<80x128xf32, #tpu.memory_space<vmem>>) offsets(%dma_start3A_224 : memref<80xi32, #tpu.memory_space<vmem>>) semaphore(%arg13 : memref<!tpu.dma_semaphore, #tpu.memory_space<semaphore_mem>>)
      } else {
      }
      %add3A_164 = arith.constant 2 : i32
      %add3A_165 = arith.addi %add3A_124, %add3A_164 : i32
      %lt3A_166 = arith.constant 32 : i32
      %lt3A_167 = arith.cmpi slt, %add3A_165, %lt3A_166 : i32
      %convert_element_type3A_168 = arith.extui %lt3A_167 : i1 to i32
      %cond3A_169 = arith.constant 0 : i32
      %cond3A_170 = arith.cmpi ne, %convert_element_type3A_168, %cond3A_169 : i32
      scf.if %cond3A_170 {
        %add3A_189 = arith.constant 2 : i32
        %add3A_190 = arith.addi %add3A_124, %add3A_189 : i32
        %mul3A_191 = arith.constant 320 : i32
        %mul3A_192 = arith.muli %add3A_190, %mul3A_191 : i32
        %add3A_193 = arith.addi %mul3A_2, %mul3A_192 : i32
        %dma_start3A_194 = tpu.memref_slice %arg2[%add3A_193] : memref<327680xi32, #tpu.memory_space<hbm>> -> memref<320xi32, #tpu.memory_space<hbm>>
        %dma_start3A_195 = tpu.memref_slice %arg2[%add3A_193] : memref<327680xi32, #tpu.memory_space<hbm>> -> memref<320xi32, #tpu.memory_space<hbm>>
        tpu.enqueue_dma source(%dma_start3A_195 : memref<320xi32, #tpu.memory_space<hbm>>) target(%arg6 : memref<320xi32, #tpu.memory_space<vmem>>) target_semaphore(%arg12 : memref<!tpu.dma_semaphore, #tpu.memory_space<semaphore_mem>>)
      } else {
      }
      %ge3A_171 = arith.constant 2 : i32
      %ge3A_172 = arith.cmpi sge, %add3A_124, %ge3A_171 : i32
      %convert_element_type3A_173 = arith.extui %ge3A_172 : i1 to i32
      %cond3A_174 = arith.constant 0 : i32
      %cond3A_175 = arith.cmpi ne, %convert_element_type3A_173, %cond3A_174 : i32
      scf.if %cond3A_175 {
        %sub3A = arith.constant 2 : i32
        %sub3A_189 = arith.subi %add3A_124, %sub3A : i32
        %mul3A_190 = arith.constant 16 : i32
        %mul3A_191 = arith.muli %sub3A_189, %mul3A_190 : i32
        %add3A_192 = arith.addi %mul3A_4, %mul3A_191 : i32
        %dma_wait3A_193 = arith.constant 0 : i32
        %dma_wait3A_194 = tpu.memref_slice %arg4[%add3A_192, %dma_wait3A_193] : memref<16384x128xf32, #tpu.memory_space<hbm>> -> memref<16x128xf32, #tpu.memory_space<hbm>>
        %dma_wait3A_195 = arith.constant 0 : i32
        %dma_wait3A_196 = tpu.memref_slice %arg4[%add3A_192, %dma_wait3A_195] : memref<16384x128xf32, #tpu.memory_space<hbm>> -> memref<16x128xf32, #tpu.memory_space<hbm>>
        tpu.wait_dma2 semaphore(%arg16 : memref<!tpu.dma_semaphore, #tpu.memory_space<semaphore_mem>>) src(%arg10 : memref<16x128xf32, #tpu.memory_space<vmem>>) dst(%dma_wait3A_196 : memref<16x128xf32, #tpu.memory_space<hbm>>)
      } else {
      }
      %scan3A_176 = arith.constant 0 : i32
      %scan3A_177 = arith.constant 0 : i32
      %scan3A_178 = arith.constant 16 : i32
      %scan3A_179 = arith.addi %scan3A_177, %scan3A_178 : i32
      %scan3A_180 = arith.constant 1 : i32
      scf.for %scan3A_189 = %scan3A_177 to %scan3A_179 step %scan3A_180  : i32 {
        %mul3A_190 = arith.constant 20 : i32
        %mul3A_191 = arith.muli %scan3A_189, %mul3A_190 : i32
        %broadcast_in_dim3A = arith.constant 0.000000e+00 : f32
        %broadcast_in_dim3A_192 = vector.broadcast %broadcast_in_dim3A : f32 to vector<16xf32>
        %broadcast_in_dim3A_193 = arith.constant 0.000000e+00 : f32
        %broadcast_in_dim3A_194 = vector.broadcast %broadcast_in_dim3A_193 : f32 to vector<16xf32>
        %broadcast_in_dim3A_195 = arith.constant 0.000000e+00 : f32
        %broadcast_in_dim3A_196 = vector.broadcast %broadcast_in_dim3A_195 : f32 to vector<16xf32>
        %add3A_197 = arith.constant 0 : i32
        %add3A_198 = arith.addi %mul3A_191, %add3A_197 : i32
        %get3A = arith.index_cast %add3A_198 : i32 to index
        %get3A_199 = arith.constant 0 : index
        %get3A_200 = tpu.vector_load %arg8[%get3A, %get3A_199] {strides = array<i32>} : memref<320x128xf32, #tpu.memory_space<vmem>>, vector<1x16xf32>,
        %get3A_201 = vector.shape_cast %get3A_200 : vector<1x16xf32> to vector<16xf32>
        %add3A_202 = arith.addf %broadcast_in_dim3A_192, %get3A_201 : vector<16xf32>
        %get3A_203 = arith.index_cast %add3A_198 : i32 to index
        %get3A_204 = arith.constant 16 : index
        %get3A_205 = tpu.vector_load %arg8[%get3A_203, %get3A_204] {strides = array<i32>} : memref<320x128xf32, #tpu.memory_space<vmem>>, vector<1x16xf32>,
        %get3A_206 = vector.shape_cast %get3A_205 : vector<1x16xf32> to vector<16xf32>
        %add3A_207 = arith.addf %broadcast_in_dim3A_194, %get3A_206 : vector<16xf32>
        %get3A_208 = arith.index_cast %add3A_198 : i32 to index
        %get3A_209 = arith.constant 32 : index
        %get3A_210 = tpu.vector_load %arg8[%get3A_208, %get3A_209] {strides = array<i32>} : memref<320x128xf32, #tpu.memory_space<vmem>>, vector<1x16xf32>,
        %get3A_211 = vector.shape_cast %get3A_210 : vector<1x16xf32> to vector<16xf32>
        %add3A_212 = arith.addf %broadcast_in_dim3A_196, %get3A_211 : vector<16xf32>
        %add3A_213 = arith.constant 1 : i32
        %add3A_214 = arith.addi %mul3A_191, %add3A_213 : i32
        %get3A_215 = arith.index_cast %add3A_214 : i32 to index
        %get3A_216 = arith.constant 0 : index
        %get3A_217 = tpu.vector_load %arg8[%get3A_215, %get3A_216] {strides = array<i32>} : memref<320x128xf32, #tpu.memory_space<vmem>>, vector<1x16xf32>,
        %get3A_218 = vector.shape_cast %get3A_217 : vector<1x16xf32> to vector<16xf32>
        %add3A_219 = arith.addf %add3A_202, %get3A_218 : vector<16xf32>
        %get3A_220 = arith.index_cast %add3A_214 : i32 to index
        %get3A_221 = arith.constant 16 : index
        %get3A_222 = tpu.vector_load %arg8[%get3A_220, %get3A_221] {strides = array<i32>} : memref<320x128xf32, #tpu.memory_space<vmem>>, vector<1x16xf32>,
        %get3A_223 = vector.shape_cast %get3A_222 : vector<1x16xf32> to vector<16xf32>
        %add3A_224 = arith.addf %add3A_207, %get3A_223 : vector<16xf32>
        %get3A_225 = arith.index_cast %add3A_214 : i32 to index
        %get3A_226 = arith.constant 32 : index
        %get3A_227 = tpu.vector_load %arg8[%get3A_225, %get3A_226] {strides = array<i32>} : memref<320x128xf32, #tpu.memory_space<vmem>>, vector<1x16xf32>,
        %get3A_228 = vector.shape_cast %get3A_227 : vector<1x16xf32> to vector<16xf32>
        %add3A_229 = arith.addf %add3A_212, %get3A_228 : vector<16xf32>
        %add3A_230 = arith.constant 2 : i32
        %add3A_231 = arith.addi %mul3A_191, %add3A_230 : i32
        %get3A_232 = arith.index_cast %add3A_231 : i32 to index
        %get3A_233 = arith.constant 0 : index
        %get3A_234 = tpu.vector_load %arg8[%get3A_232, %get3A_233] {strides = array<i32>} : memref<320x128xf32, #tpu.memory_space<vmem>>, vector<1x16xf32>,
        %get3A_235 = vector.shape_cast %get3A_234 : vector<1x16xf32> to vector<16xf32>
        %add3A_236 = arith.addf %add3A_219, %get3A_235 : vector<16xf32>
        %get3A_237 = arith.index_cast %add3A_231 : i32 to index
        %get3A_238 = arith.constant 16 : index
        %get3A_239 = tpu.vector_load %arg8[%get3A_237, %get3A_238] {strides = array<i32>} : memref<320x128xf32, #tpu.memory_space<vmem>>, vector<1x16xf32>,
        %get3A_240 = vector.shape_cast %get3A_239 : vector<1x16xf32> to vector<16xf32>
        %add3A_241 = arith.addf %add3A_224, %get3A_240 : vector<16xf32>
        %get3A_242 = arith.index_cast %add3A_231 : i32 to index
        %get3A_243 = arith.constant 32 : index
        %get3A_244 = tpu.vector_load %arg8[%get3A_242, %get3A_243] {strides = array<i32>} : memref<320x128xf32, #tpu.memory_space<vmem>>, vector<1x16xf32>,
        %get3A_245 = vector.shape_cast %get3A_244 : vector<1x16xf32> to vector<16xf32>
        %add3A_246 = arith.addf %add3A_229, %get3A_245 : vector<16xf32>
        %add3A_247 = arith.constant 3 : i32
        %add3A_248 = arith.addi %mul3A_191, %add3A_247 : i32
        %get3A_249 = arith.index_cast %add3A_248 : i32 to index
        %get3A_250 = arith.constant 0 : index
        %get3A_251 = tpu.vector_load %arg8[%get3A_249, %get3A_250] {strides = array<i32>} : memref<320x128xf32, #tpu.memory_space<vmem>>, vector<1x16xf32>,
        %get3A_252 = vector.shape_cast %get3A_251 : vector<1x16xf32> to vector<16xf32>
        %add3A_253 = arith.addf %add3A_236, %get3A_252 : vector<16xf32>
        %get3A_254 = arith.index_cast %add3A_248 : i32 to index
        %get3A_255 = arith.constant 16 : index
        %get3A_256 = tpu.vector_load %arg8[%get3A_254, %get3A_255] {strides = array<i32>} : memref<320x128xf32, #tpu.memory_space<vmem>>, vector<1x16xf32>,
        %get3A_257 = vector.shape_cast %get3A_256 : vector<1x16xf32> to vector<16xf32>
        %add3A_258 = arith.addf %add3A_241, %get3A_257 : vector<16xf32>
        %get3A_259 = arith.index_cast %add3A_248 : i32 to index
        %get3A_260 = arith.constant 32 : index
        %get3A_261 = tpu.vector_load %arg8[%get3A_259, %get3A_260] {strides = array<i32>} : memref<320x128xf32, #tpu.memory_space<vmem>>, vector<1x16xf32>,
        %get3A_262 = vector.shape_cast %get3A_261 : vector<1x16xf32> to vector<16xf32>
        %add3A_263 = arith.addf %add3A_246, %get3A_262 : vector<16xf32>
        %add3A_264 = arith.constant 4 : i32
        %add3A_265 = arith.addi %mul3A_191, %add3A_264 : i32
        %get3A_266 = arith.index_cast %add3A_265 : i32 to index
        %get3A_267 = arith.constant 0 : index
        %get3A_268 = tpu.vector_load %arg8[%get3A_266, %get3A_267] {strides = array<i32>} : memref<320x128xf32, #tpu.memory_space<vmem>>, vector<1x16xf32>,
        %get3A_269 = vector.shape_cast %get3A_268 : vector<1x16xf32> to vector<16xf32>
        %add3A_270 = arith.addf %add3A_253, %get3A_269 : vector<16xf32>
        %get3A_271 = arith.index_cast %add3A_265 : i32 to index
        %get3A_272 = arith.constant 16 : index
        %get3A_273 = tpu.vector_load %arg8[%get3A_271, %get3A_272] {strides = array<i32>} : memref<320x128xf32, #tpu.memory_space<vmem>>, vector<1x16xf32>,
        %get3A_274 = vector.shape_cast %get3A_273 : vector<1x16xf32> to vector<16xf32>
        %add3A_275 = arith.addf %add3A_258, %get3A_274 : vector<16xf32>
        %get3A_276 = arith.index_cast %add3A_265 : i32 to index
        %get3A_277 = arith.constant 32 : index
        %get3A_278 = tpu.vector_load %arg8[%get3A_276, %get3A_277] {strides = array<i32>} : memref<320x128xf32, #tpu.memory_space<vmem>>, vector<1x16xf32>,
        %get3A_279 = vector.shape_cast %get3A_278 : vector<1x16xf32> to vector<16xf32>
        %add3A_280 = arith.addf %add3A_263, %get3A_279 : vector<16xf32>
        %add3A_281 = arith.constant 5 : i32
        %add3A_282 = arith.addi %mul3A_191, %add3A_281 : i32
        %get3A_283 = arith.index_cast %add3A_282 : i32 to index
        %get3A_284 = arith.constant 0 : index
        %get3A_285 = tpu.vector_load %arg8[%get3A_283, %get3A_284] {strides = array<i32>} : memref<320x128xf32, #tpu.memory_space<vmem>>, vector<1x16xf32>,
        %get3A_286 = vector.shape_cast %get3A_285 : vector<1x16xf32> to vector<16xf32>
        %add3A_287 = arith.addf %add3A_270, %get3A_286 : vector<16xf32>
        %get3A_288 = arith.index_cast %add3A_282 : i32 to index
        %get3A_289 = arith.constant 16 : index
        %get3A_290 = tpu.vector_load %arg8[%get3A_288, %get3A_289] {strides = array<i32>} : memref<320x128xf32, #tpu.memory_space<vmem>>, vector<1x16xf32>,
        %get3A_291 = vector.shape_cast %get3A_290 : vector<1x16xf32> to vector<16xf32>
        %add3A_292 = arith.addf %add3A_275, %get3A_291 : vector<16xf32>
        %get3A_293 = arith.index_cast %add3A_282 : i32 to index
        %get3A_294 = arith.constant 32 : index
        %get3A_295 = tpu.vector_load %arg8[%get3A_293, %get3A_294] {strides = array<i32>} : memref<320x128xf32, #tpu.memory_space<vmem>>, vector<1x16xf32>,
        %get3A_296 = vector.shape_cast %get3A_295 : vector<1x16xf32> to vector<16xf32>
        %add3A_297 = arith.addf %add3A_280, %get3A_296 : vector<16xf32>
        %add3A_298 = arith.constant 6 : i32
        %add3A_299 = arith.addi %mul3A_191, %add3A_298 : i32
        %get3A_300 = arith.index_cast %add3A_299 : i32 to index
        %get3A_301 = arith.constant 0 : index
        %get3A_302 = tpu.vector_load %arg8[%get3A_300, %get3A_301] {strides = array<i32>} : memref<320x128xf32, #tpu.memory_space<vmem>>, vector<1x16xf32>,
        %get3A_303 = vector.shape_cast %get3A_302 : vector<1x16xf32> to vector<16xf32>
        %add3A_304 = arith.addf %add3A_287, %get3A_303 : vector<16xf32>
        %get3A_305 = arith.index_cast %add3A_299 : i32 to index
        %get3A_306 = arith.constant 16 : index
        %get3A_307 = tpu.vector_load %arg8[%get3A_305, %get3A_306] {strides = array<i32>} : memref<320x128xf32, #tpu.memory_space<vmem>>, vector<1x16xf32>,
        %get3A_308 = vector.shape_cast %get3A_307 : vector<1x16xf32> to vector<16xf32>
        %add3A_309 = arith.addf %add3A_292, %get3A_308 : vector<16xf32>
        %get3A_310 = arith.index_cast %add3A_299 : i32 to index
        %get3A_311 = arith.constant 32 : index
        %get3A_312 = tpu.vector_load %arg8[%get3A_310, %get3A_311] {strides = array<i32>} : memref<320x128xf32, #tpu.memory_space<vmem>>, vector<1x16xf32>,
        %get3A_313 = vector.shape_cast %get3A_312 : vector<1x16xf32> to vector<16xf32>
        %add3A_314 = arith.addf %add3A_297, %get3A_313 : vector<16xf32>
        %add3A_315 = arith.constant 7 : i32
        %add3A_316 = arith.addi %mul3A_191, %add3A_315 : i32
        %get3A_317 = arith.index_cast %add3A_316 : i32 to index
        %get3A_318 = arith.constant 0 : index
        %get3A_319 = tpu.vector_load %arg8[%get3A_317, %get3A_318] {strides = array<i32>} : memref<320x128xf32, #tpu.memory_space<vmem>>, vector<1x16xf32>,
        %get3A_320 = vector.shape_cast %get3A_319 : vector<1x16xf32> to vector<16xf32>
        %add3A_321 = arith.addf %add3A_304, %get3A_320 : vector<16xf32>
        %get3A_322 = arith.index_cast %add3A_316 : i32 to index
        %get3A_323 = arith.constant 16 : index
        %get3A_324 = tpu.vector_load %arg8[%get3A_322, %get3A_323] {strides = array<i32>} : memref<320x128xf32, #tpu.memory_space<vmem>>, vector<1x16xf32>,
        %get3A_325 = vector.shape_cast %get3A_324 : vector<1x16xf32> to vector<16xf32>
        %add3A_326 = arith.addf %add3A_309, %get3A_325 : vector<16xf32>
        %get3A_327 = arith.index_cast %add3A_316 : i32 to index
        %get3A_328 = arith.constant 32 : index
        %get3A_329 = tpu.vector_load %arg8[%get3A_327, %get3A_328] {strides = array<i32>} : memref<320x128xf32, #tpu.memory_space<vmem>>, vector<1x16xf32>,
        %get3A_330 = vector.shape_cast %get3A_329 : vector<1x16xf32> to vector<16xf32>
        %add3A_331 = arith.addf %add3A_314, %get3A_330 : vector<16xf32>
        %add3A_332 = arith.constant 8 : i32
        %add3A_333 = arith.addi %mul3A_191, %add3A_332 : i32
        %get3A_334 = arith.index_cast %add3A_333 : i32 to index
        %get3A_335 = arith.constant 0 : index
        %get3A_336 = tpu.vector_load %arg8[%get3A_334, %get3A_335] {strides = array<i32>} : memref<320x128xf32, #tpu.memory_space<vmem>>, vector<1x16xf32>,
        %get3A_337 = vector.shape_cast %get3A_336 : vector<1x16xf32> to vector<16xf32>
        %add3A_338 = arith.addf %add3A_321, %get3A_337 : vector<16xf32>
        %get3A_339 = arith.index_cast %add3A_333 : i32 to index
        %get3A_340 = arith.constant 16 : index
        %get3A_341 = tpu.vector_load %arg8[%get3A_339, %get3A_340] {strides = array<i32>} : memref<320x128xf32, #tpu.memory_space<vmem>>, vector<1x16xf32>,
        %get3A_342 = vector.shape_cast %get3A_341 : vector<1x16xf32> to vector<16xf32>
        %add3A_343 = arith.addf %add3A_326, %get3A_342 : vector<16xf32>
        %get3A_344 = arith.index_cast %add3A_333 : i32 to index
        %get3A_345 = arith.constant 32 : index
        %get3A_346 = tpu.vector_load %arg8[%get3A_344, %get3A_345] {strides = array<i32>} : memref<320x128xf32, #tpu.memory_space<vmem>>, vector<1x16xf32>,
        %get3A_347 = vector.shape_cast %get3A_346 : vector<1x16xf32> to vector<16xf32>
        %add3A_348 = arith.addf %add3A_331, %get3A_347 : vector<16xf32>
        %add3A_349 = arith.constant 9 : i32
        %add3A_350 = arith.addi %mul3A_191, %add3A_349 : i32
        %get3A_351 = arith.index_cast %add3A_350 : i32 to index
        %get3A_352 = arith.constant 0 : index
        %get3A_353 = tpu.vector_load %arg8[%get3A_351, %get3A_352] {strides = array<i32>} : memref<320x128xf32, #tpu.memory_space<vmem>>, vector<1x16xf32>,
        %get3A_354 = vector.shape_cast %get3A_353 : vector<1x16xf32> to vector<16xf32>
        %add3A_355 = arith.addf %add3A_338, %get3A_354 : vector<16xf32>
        %get3A_356 = arith.index_cast %add3A_350 : i32 to index
        %get3A_357 = arith.constant 16 : index
        %get3A_358 = tpu.vector_load %arg8[%get3A_356, %get3A_357] {strides = array<i32>} : memref<320x128xf32, #tpu.memory_space<vmem>>, vector<1x16xf32>,
        %get3A_359 = vector.shape_cast %get3A_358 : vector<1x16xf32> to vector<16xf32>
        %add3A_360 = arith.addf %add3A_343, %get3A_359 : vector<16xf32>
        %get3A_361 = arith.index_cast %add3A_350 : i32 to index
        %get3A_362 = arith.constant 32 : index
        %get3A_363 = tpu.vector_load %arg8[%get3A_361, %get3A_362] {strides = array<i32>} : memref<320x128xf32, #tpu.memory_space<vmem>>, vector<1x16xf32>,
        %get3A_364 = vector.shape_cast %get3A_363 : vector<1x16xf32> to vector<16xf32>
        %add3A_365 = arith.addf %add3A_348, %get3A_364 : vector<16xf32>
        %add3A_366 = arith.constant 10 : i32
        %add3A_367 = arith.addi %mul3A_191, %add3A_366 : i32
        %get3A_368 = arith.index_cast %add3A_367 : i32 to index
        %get3A_369 = arith.constant 48 : index
        %get3A_370 = tpu.vector_load %arg8[%get3A_368, %get3A_369] {strides = array<i32>} : memref<320x128xf32, #tpu.memory_space<vmem>>, vector<1x16xf32>,
        %get3A_371 = vector.shape_cast %get3A_370 : vector<1x16xf32> to vector<16xf32>
        %add3A_372 = arith.addf %add3A_355, %get3A_371 : vector<16xf32>
        %get3A_373 = arith.index_cast %add3A_367 : i32 to index
        %get3A_374 = arith.constant 64 : index
        %get3A_375 = tpu.vector_load %arg8[%get3A_373, %get3A_374] {strides = array<i32>} : memref<320x128xf32, #tpu.memory_space<vmem>>, vector<1x16xf32>,
        %get3A_376 = vector.shape_cast %get3A_375 : vector<1x16xf32> to vector<16xf32>
        %add3A_377 = arith.addf %add3A_360, %get3A_376 : vector<16xf32>
        %get3A_378 = arith.index_cast %add3A_367 : i32 to index
        %get3A_379 = arith.constant 80 : index
        %get3A_380 = tpu.vector_load %arg8[%get3A_378, %get3A_379] {strides = array<i32>} : memref<320x128xf32, #tpu.memory_space<vmem>>, vector<1x16xf32>,
        %get3A_381 = vector.shape_cast %get3A_380 : vector<1x16xf32> to vector<16xf32>
        %add3A_382 = arith.addf %add3A_365, %get3A_381 : vector<16xf32>
        %add3A_383 = arith.constant 11 : i32
        %add3A_384 = arith.addi %mul3A_191, %add3A_383 : i32
        %get3A_385 = arith.index_cast %add3A_384 : i32 to index
        %get3A_386 = arith.constant 48 : index
        %get3A_387 = tpu.vector_load %arg8[%get3A_385, %get3A_386] {strides = array<i32>} : memref<320x128xf32, #tpu.memory_space<vmem>>, vector<1x16xf32>,
        %get3A_388 = vector.shape_cast %get3A_387 : vector<1x16xf32> to vector<16xf32>
        %add3A_389 = arith.addf %add3A_372, %get3A_388 : vector<16xf32>
        %get3A_390 = arith.index_cast %add3A_384 : i32 to index
        %get3A_391 = arith.constant 64 : index
        %get3A_392 = tpu.vector_load %arg8[%get3A_390, %get3A_391] {strides = array<i32>} : memref<320x128xf32, #tpu.memory_space<vmem>>, vector<1x16xf32>,
        %get3A_393 = vector.shape_cast %get3A_392 : vector<1x16xf32> to vector<16xf32>
        %add3A_394 = arith.addf %add3A_377, %get3A_393 : vector<16xf32>
        %get3A_395 = arith.index_cast %add3A_384 : i32 to index
        %get3A_396 = arith.constant 80 : index
        %get3A_397 = tpu.vector_load %arg8[%get3A_395, %get3A_396] {strides = array<i32>} : memref<320x128xf32, #tpu.memory_space<vmem>>, vector<1x16xf32>,
        %get3A_398 = vector.shape_cast %get3A_397 : vector<1x16xf32> to vector<16xf32>
        %add3A_399 = arith.addf %add3A_382, %get3A_398 : vector<16xf32>
        %add3A_400 = arith.constant 12 : i32
        %add3A_401 = arith.addi %mul3A_191, %add3A_400 : i32
        %get3A_402 = arith.index_cast %add3A_401 : i32 to index
        %get3A_403 = arith.constant 48 : index
        %get3A_404 = tpu.vector_load %arg8[%get3A_402, %get3A_403] {strides = array<i32>} : memref<320x128xf32, #tpu.memory_space<vmem>>, vector<1x16xf32>,
        %get3A_405 = vector.shape_cast %get3A_404 : vector<1x16xf32> to vector<16xf32>
        %add3A_406 = arith.addf %add3A_389, %get3A_405 : vector<16xf32>
        %get3A_407 = arith.index_cast %add3A_401 : i32 to index
        %get3A_408 = arith.constant 64 : index
        %get3A_409 = tpu.vector_load %arg8[%get3A_407, %get3A_408] {strides = array<i32>} : memref<320x128xf32, #tpu.memory_space<vmem>>, vector<1x16xf32>,
        %get3A_410 = vector.shape_cast %get3A_409 : vector<1x16xf32> to vector<16xf32>
        %add3A_411 = arith.addf %add3A_394, %get3A_410 : vector<16xf32>
        %get3A_412 = arith.index_cast %add3A_401 : i32 to index
        %get3A_413 = arith.constant 80 : index
        %get3A_414 = tpu.vector_load %arg8[%get3A_412, %get3A_413] {strides = array<i32>} : memref<320x128xf32, #tpu.memory_space<vmem>>, vector<1x16xf32>,
        %get3A_415 = vector.shape_cast %get3A_414 : vector<1x16xf32> to vector<16xf32>
        %add3A_416 = arith.addf %add3A_399, %get3A_415 : vector<16xf32>
        %add3A_417 = arith.constant 13 : i32
        %add3A_418 = arith.addi %mul3A_191, %add3A_417 : i32
        %get3A_419 = arith.index_cast %add3A_418 : i32 to index
        %get3A_420 = arith.constant 48 : index
        %get3A_421 = tpu.vector_load %arg8[%get3A_419, %get3A_420] {strides = array<i32>} : memref<320x128xf32, #tpu.memory_space<vmem>>, vector<1x16xf32>,
        %get3A_422 = vector.shape_cast %get3A_421 : vector<1x16xf32> to vector<16xf32>
        %add3A_423 = arith.addf %add3A_406, %get3A_422 : vector<16xf32>
        %get3A_424 = arith.index_cast %add3A_418 : i32 to index
        %get3A_425 = arith.constant 64 : index
        %get3A_426 = tpu.vector_load %arg8[%get3A_424, %get3A_425] {strides = array<i32>} : memref<320x128xf32, #tpu.memory_space<vmem>>, vector<1x16xf32>,
        %get3A_427 = vector.shape_cast %get3A_426 : vector<1x16xf32> to vector<16xf32>
        %add3A_428 = arith.addf %add3A_411, %get3A_427 : vector<16xf32>
        %get3A_429 = arith.index_cast %add3A_418 : i32 to index
        %get3A_430 = arith.constant 80 : index
        %get3A_431 = tpu.vector_load %arg8[%get3A_429, %get3A_430] {strides = array<i32>} : memref<320x128xf32, #tpu.memory_space<vmem>>, vector<1x16xf32>,
        %get3A_432 = vector.shape_cast %get3A_431 : vector<1x16xf32> to vector<16xf32>
        %add3A_433 = arith.addf %add3A_416, %get3A_432 : vector<16xf32>
        %add3A_434 = arith.constant 14 : i32
        %add3A_435 = arith.addi %mul3A_191, %add3A_434 : i32
        %get3A_436 = arith.index_cast %add3A_435 : i32 to index
        %get3A_437 = arith.constant 48 : index
        %get3A_438 = tpu.vector_load %arg8[%get3A_436, %get3A_437] {strides = array<i32>} : memref<320x128xf32, #tpu.memory_space<vmem>>, vector<1x16xf32>,
        %get3A_439 = vector.shape_cast %get3A_438 : vector<1x16xf32> to vector<16xf32>
        %add3A_440 = arith.addf %add3A_423, %get3A_439 : vector<16xf32>
        %get3A_441 = arith.index_cast %add3A_435 : i32 to index
        %get3A_442 = arith.constant 64 : index
        %get3A_443 = tpu.vector_load %arg8[%get3A_441, %get3A_442] {strides = array<i32>} : memref<320x128xf32, #tpu.memory_space<vmem>>, vector<1x16xf32>,
        %get3A_444 = vector.shape_cast %get3A_443 : vector<1x16xf32> to vector<16xf32>
        %add3A_445 = arith.addf %add3A_428, %get3A_444 : vector<16xf32>
        %get3A_446 = arith.index_cast %add3A_435 : i32 to index
        %get3A_447 = arith.constant 80 : index
        %get3A_448 = tpu.vector_load %arg8[%get3A_446, %get3A_447] {strides = array<i32>} : memref<320x128xf32, #tpu.memory_space<vmem>>, vector<1x16xf32>,
        %get3A_449 = vector.shape_cast %get3A_448 : vector<1x16xf32> to vector<16xf32>
        %add3A_450 = arith.addf %add3A_433, %get3A_449 : vector<16xf32>
        %add3A_451 = arith.constant 15 : i32
        %add3A_452 = arith.addi %mul3A_191, %add3A_451 : i32
        %get3A_453 = arith.index_cast %add3A_452 : i32 to index
        %get3A_454 = arith.constant 48 : index
        %get3A_455 = tpu.vector_load %arg8[%get3A_453, %get3A_454] {strides = array<i32>} : memref<320x128xf32, #tpu.memory_space<vmem>>, vector<1x16xf32>,
        %get3A_456 = vector.shape_cast %get3A_455 : vector<1x16xf32> to vector<16xf32>
        %add3A_457 = arith.addf %add3A_440, %get3A_456 : vector<16xf32>
        %get3A_458 = arith.index_cast %add3A_452 : i32 to index
        %get3A_459 = arith.constant 64 : index
        %get3A_460 = tpu.vector_load %arg8[%get3A_458, %get3A_459] {strides = array<i32>} : memref<320x128xf32, #tpu.memory_space<vmem>>, vector<1x16xf32>,
        %get3A_461 = vector.shape_cast %get3A_460 : vector<1x16xf32> to vector<16xf32>
        %add3A_462 = arith.addf %add3A_445, %get3A_461 : vector<16xf32>
        %get3A_463 = arith.index_cast %add3A_452 : i32 to index
        %get3A_464 = arith.constant 80 : index
        %get3A_465 = tpu.vector_load %arg8[%get3A_463, %get3A_464] {strides = array<i32>} : memref<320x128xf32, #tpu.memory_space<vmem>>, vector<1x16xf32>,
        %get3A_466 = vector.shape_cast %get3A_465 : vector<1x16xf32> to vector<16xf32>
        %add3A_467 = arith.addf %add3A_450, %get3A_466 : vector<16xf32>
        %add3A_468 = arith.constant 16 : i32
        %add3A_469 = arith.addi %mul3A_191, %add3A_468 : i32
        %get3A_470 = arith.index_cast %add3A_469 : i32 to index
        %get3A_471 = arith.constant 48 : index
        %get3A_472 = tpu.vector_load %arg8[%get3A_470, %get3A_471] {strides = array<i32>} : memref<320x128xf32, #tpu.memory_space<vmem>>, vector<1x16xf32>,
        %get3A_473 = vector.shape_cast %get3A_472 : vector<1x16xf32> to vector<16xf32>
        %add3A_474 = arith.addf %add3A_457, %get3A_473 : vector<16xf32>
        %get3A_475 = arith.index_cast %add3A_469 : i32 to index
        %get3A_476 = arith.constant 64 : index
        %get3A_477 = tpu.vector_load %arg8[%get3A_475, %get3A_476] {strides = array<i32>} : memref<320x128xf32, #tpu.memory_space<vmem>>, vector<1x16xf32>,
        %get3A_478 = vector.shape_cast %get3A_477 : vector<1x16xf32> to vector<16xf32>
        %add3A_479 = arith.addf %add3A_462, %get3A_478 : vector<16xf32>
        %get3A_480 = arith.index_cast %add3A_469 : i32 to index
        %get3A_481 = arith.constant 80 : index
        %get3A_482 = tpu.vector_load %arg8[%get3A_480, %get3A_481] {strides = array<i32>} : memref<320x128xf32, #tpu.memory_space<vmem>>, vector<1x16xf32>,
        %get3A_483 = vector.shape_cast %get3A_482 : vector<1x16xf32> to vector<16xf32>
        %add3A_484 = arith.addf %add3A_467, %get3A_483 : vector<16xf32>
        %add3A_485 = arith.constant 17 : i32
        %add3A_486 = arith.addi %mul3A_191, %add3A_485 : i32
        %get3A_487 = arith.index_cast %add3A_486 : i32 to index
        %get3A_488 = arith.constant 48 : index
        %get3A_489 = tpu.vector_load %arg8[%get3A_487, %get3A_488] {strides = array<i32>} : memref<320x128xf32, #tpu.memory_space<vmem>>, vector<1x16xf32>,
        %get3A_490 = vector.shape_cast %get3A_489 : vector<1x16xf32> to vector<16xf32>
        %add3A_491 = arith.addf %add3A_474, %get3A_490 : vector<16xf32>
        %get3A_492 = arith.index_cast %add3A_486 : i32 to index
        %get3A_493 = arith.constant 64 : index
        %get3A_494 = tpu.vector_load %arg8[%get3A_492, %get3A_493] {strides = array<i32>} : memref<320x128xf32, #tpu.memory_space<vmem>>, vector<1x16xf32>,
        %get3A_495 = vector.shape_cast %get3A_494 : vector<1x16xf32> to vector<16xf32>
        %add3A_496 = arith.addf %add3A_479, %get3A_495 : vector<16xf32>
        %get3A_497 = arith.index_cast %add3A_486 : i32 to index
        %get3A_498 = arith.constant 80 : index
        %get3A_499 = tpu.vector_load %arg8[%get3A_497, %get3A_498] {strides = array<i32>} : memref<320x128xf32, #tpu.memory_space<vmem>>, vector<1x16xf32>,
        %get3A_500 = vector.shape_cast %get3A_499 : vector<1x16xf32> to vector<16xf32>
        %add3A_501 = arith.addf %add3A_484, %get3A_500 : vector<16xf32>
        %add3A_502 = arith.constant 18 : i32
        %add3A_503 = arith.addi %mul3A_191, %add3A_502 : i32
        %get3A_504 = arith.index_cast %add3A_503 : i32 to index
        %get3A_505 = arith.constant 48 : index
        %get3A_506 = tpu.vector_load %arg8[%get3A_504, %get3A_505] {strides = array<i32>} : memref<320x128xf32, #tpu.memory_space<vmem>>, vector<1x16xf32>,
        %get3A_507 = vector.shape_cast %get3A_506 : vector<1x16xf32> to vector<16xf32>
        %add3A_508 = arith.addf %add3A_491, %get3A_507 : vector<16xf32>
        %get3A_509 = arith.index_cast %add3A_503 : i32 to index
        %get3A_510 = arith.constant 64 : index
        %get3A_511 = tpu.vector_load %arg8[%get3A_509, %get3A_510] {strides = array<i32>} : memref<320x128xf32, #tpu.memory_space<vmem>>, vector<1x16xf32>,
        %get3A_512 = vector.shape_cast %get3A_511 : vector<1x16xf32> to vector<16xf32>
        %add3A_513 = arith.addf %add3A_496, %get3A_512 : vector<16xf32>
        %get3A_514 = arith.index_cast %add3A_503 : i32 to index
        %get3A_515 = arith.constant 80 : index
        %get3A_516 = tpu.vector_load %arg8[%get3A_514, %get3A_515] {strides = array<i32>} : memref<320x128xf32, #tpu.memory_space<vmem>>, vector<1x16xf32>,
        %get3A_517 = vector.shape_cast %get3A_516 : vector<1x16xf32> to vector<16xf32>
        %add3A_518 = arith.addf %add3A_501, %get3A_517 : vector<16xf32>
        %add3A_519 = arith.constant 19 : i32
        %add3A_520 = arith.addi %mul3A_191, %add3A_519 : i32
        %get3A_521 = arith.index_cast %add3A_520 : i32 to index
        %get3A_522 = arith.constant 48 : index
        %get3A_523 = tpu.vector_load %arg8[%get3A_521, %get3A_522] {strides = array<i32>} : memref<320x128xf32, #tpu.memory_space<vmem>>, vector<1x16xf32>,
        %get3A_524 = vector.shape_cast %get3A_523 : vector<1x16xf32> to vector<16xf32>
        %add3A_525 = arith.addf %add3A_508, %get3A_524 : vector<16xf32>
        %get3A_526 = arith.index_cast %add3A_520 : i32 to index
        %get3A_527 = arith.constant 64 : index
        %get3A_528 = tpu.vector_load %arg8[%get3A_526, %get3A_527] {strides = array<i32>} : memref<320x128xf32, #tpu.memory_space<vmem>>, vector<1x16xf32>,
        %get3A_529 = vector.shape_cast %get3A_528 : vector<1x16xf32> to vector<16xf32>
        %add3A_530 = arith.addf %add3A_513, %get3A_529 : vector<16xf32>
        %get3A_531 = arith.index_cast %add3A_520 : i32 to index
        %get3A_532 = arith.constant 80 : index
        %get3A_533 = tpu.vector_load %arg8[%get3A_531, %get3A_532] {strides = array<i32>} : memref<320x128xf32, #tpu.memory_space<vmem>>, vector<1x16xf32>,
        %get3A_534 = vector.shape_cast %get3A_533 : vector<1x16xf32> to vector<16xf32>
        %add3A_535 = arith.addf %add3A_518, %get3A_534 : vector<16xf32>
        %swap3A = arith.index_cast %scan3A_189 : i32 to index
        %swap3A_536 = arith.constant 0 : index
        %swap3A_537 = tpu.vector_load %arg10[%swap3A, %swap3A_536] {strides = array<i32>} : memref<16x128xf32, #tpu.memory_space<vmem>>, vector<1x16xf32>,
        %swap3A_538 = vector.shape_cast %swap3A_537 : vector<1x16xf32> to vector<16xf32>
        %swap3A_539 = vector.shape_cast %add3A_525 : vector<16xf32> to vector<1x16xf32>
        tpu.vector_store %arg10[%swap3A, %swap3A_536], %swap3A_539 {strides = array<i32>} : memref<16x128xf32, #tpu.memory_space<vmem>>, vector<1x16xf32>,
        %swap3A_540 = arith.index_cast %scan3A_189 : i32 to index
        %swap3A_541 = arith.constant 16 : index
        %swap3A_542 = tpu.vector_load %arg10[%swap3A_540, %swap3A_541] {strides = array<i32>} : memref<16x128xf32, #tpu.memory_space<vmem>>, vector<1x16xf32>,
        %swap3A_543 = vector.shape_cast %swap3A_542 : vector<1x16xf32> to vector<16xf32>
        %swap3A_544 = vector.shape_cast %add3A_530 : vector<16xf32> to vector<1x16xf32>
        tpu.vector_store %arg10[%swap3A_540, %swap3A_541], %swap3A_544 {strides = array<i32>} : memref<16x128xf32, #tpu.memory_space<vmem>>, vector<1x16xf32>,
        %swap3A_545 = arith.index_cast %scan3A_189 : i32 to index
        %swap3A_546 = arith.constant 32 : index
        %swap3A_547 = tpu.vector_load %arg10[%swap3A_545, %swap3A_546] {strides = array<i32>} : memref<16x128xf32, #tpu.memory_space<vmem>>, vector<1x16xf32>,
        %swap3A_548 = vector.shape_cast %swap3A_547 : vector<1x16xf32> to vector<16xf32>
        %swap3A_549 = vector.shape_cast %add3A_535 : vector<16xf32> to vector<1x16xf32>
        tpu.vector_store %arg10[%swap3A_545, %swap3A_546], %swap3A_549 {strides = array<i32>} : memref<16x128xf32, #tpu.memory_space<vmem>>, vector<1x16xf32>,
      }
      %scan3A_181 = arith.constant 16 : i32
      %mul3A_182 = arith.constant 16 : i32
      %mul3A_183 = arith.muli %add3A_124, %mul3A_182 : i32
      %add3A_184 = arith.addi %mul3A_4, %mul3A_183 : i32
      %dma_start3A_185 = arith.constant 0 : i32
      %dma_start3A_186 = tpu.memref_slice %arg4[%add3A_184, %dma_start3A_185] : memref<16384x128xf32, #tpu.memory_space<hbm>> -> memref<16x128xf32, #tpu.memory_space<hbm>>
      %dma_start3A_187 = arith.constant 0 : i32
      %dma_start3A_188 = tpu.memref_slice %arg4[%add3A_184, %dma_start3A_187] : memref<16384x128xf32, #tpu.memory_space<hbm>> -> memref<16x128xf32, #tpu.memory_space<hbm>>
      tpu.enqueue_dma source(%arg10 : memref<16x128xf32, #tpu.memory_space<vmem>>) target(%dma_start3A_188 : memref<16x128xf32, #tpu.memory_space<hbm>>) target_semaphore(%arg16 : memref<!tpu.dma_semaphore, #tpu.memory_space<semaphore_mem>>)
    }
    %scan3A_44 = arith.constant 16 : i32
    %add3A_45 = arith.constant 480 : i32
    %add3A_46 = arith.addi %mul3A_4, %add3A_45 : i32
    %dma_wait3A = arith.constant 0 : i32
    %dma_wait3A_47 = tpu.memref_slice %arg4[%add3A_46, %dma_wait3A] : memref<16384x128xf32, #tpu.memory_space<hbm>> -> memref<16x128xf32, #tpu.memory_space<hbm>>
    %dma_wait3A_48 = arith.constant 0 : i32
    %dma_wait3A_49 = tpu.memref_slice %arg4[%add3A_46, %dma_wait3A_48] : memref<16384x128xf32, #tpu.memory_space<hbm>> -> memref<16x128xf32, #tpu.memory_space<hbm>>
    tpu.wait_dma2 semaphore(%arg15 : memref<!tpu.dma_semaphore, #tpu.memory_space<semaphore_mem>>) src(%arg9 : memref<16x128xf32, #tpu.memory_space<vmem>>) dst(%dma_wait3A_49 : memref<16x128xf32, #tpu.memory_space<hbm>>)
    %add3A_50 = arith.constant 496 : i32
    %add3A_51 = arith.addi %mul3A_4, %add3A_50 : i32
    %dma_wait3A_52 = arith.constant 0 : i32
    %dma_wait3A_53 = tpu.memref_slice %arg4[%add3A_51, %dma_wait3A_52] : memref<16384x128xf32, #tpu.memory_space<hbm>> -> memref<16x128xf32, #tpu.memory_space<hbm>>
    %dma_wait3A_54 = arith.constant 0 : i32
    %dma_wait3A_55 = tpu.memref_slice %arg4[%add3A_51, %dma_wait3A_54] : memref<16384x128xf32, #tpu.memory_space<hbm>> -> memref<16x128xf32, #tpu.memory_space<hbm>>
    tpu.wait_dma2 semaphore(%arg16 : memref<!tpu.dma_semaphore, #tpu.memory_space<semaphore_mem>>) src(%arg10 : memref<16x128xf32, #tpu.memory_space<vmem>>) dst(%dma_wait3A_55 : memref<16x128xf32, #tpu.memory_space<hbm>>)
    return
  }
}

#map = affine_map<(d0, d1) -> (0)>
#map1 = affine_map<(d0, d1) -> (0, 0)>
module attributes {stable_mosaic.version = 14 : i64} {
  func.func @k(%arg0: i32, %arg1: i32, %arg2: memref<98304xi32, #tpu.memory_space<hbm>>, %arg3: memref<300288x128xf32, #tpu.memory_space<hbm>>, %arg4: memref<16384x128xf32, #tpu.memory_space<hbm>>, %arg5: memref<96xi32, #tpu.memory_space<vmem>>, %arg6: memref<96xi32, #tpu.memory_space<vmem>>, %arg7: memref<96x128xf32, #tpu.memory_space<vmem>>, %arg8: memref<96x128xf32, #tpu.memory_space<vmem>>, %arg9: memref<16x128xf32, #tpu.memory_space<vmem>>, %arg10: memref<16x128xf32, #tpu.memory_space<vmem>>, %arg11: memref<!tpu.dma_semaphore, #tpu.memory_space<semaphore_mem>>, %arg12: memref<!tpu.dma_semaphore, #tpu.memory_space<semaphore_mem>>, %arg13: memref<!tpu.dma_semaphore, #tpu.memory_space<semaphore_mem>>, %arg14: memref<!tpu.dma_semaphore, #tpu.memory_space<semaphore_mem>>, %arg15: memref<!tpu.dma_semaphore, #tpu.memory_space<semaphore_mem>>, %arg16: memref<!tpu.dma_semaphore, #tpu.memory_space<semaphore_mem>>) attributes {dimension_semantics = [#tpu.dimension_semantics<core_parallel>, #tpu.dimension_semantics<subcore_parallel>], iteration_bounds = array<i64: 2, 16>, scalar_prefetch = 0 : i64, scratch_operands = 12 : i64, tpu.core_type = #tpu.core_type<sc_vector_subcore>, window_params = [{transform_indices = #map}, {transform_indices = #map1}, {transform_indices = #map1}]} {
    %mul3A = arith.constant 2 : i32
    %mul3A_0 = arith.muli %arg1, %mul3A : i32
    %add3A = arith.addi %mul3A_0, %arg0 : i32
    %mul3A_1 = arith.constant 3072 : i32
    %mul3A_2 = arith.muli %add3A, %mul3A_1 : i32
    %mul3A_3 = arith.constant 512 : i32
    %mul3A_4 = arith.muli %add3A, %mul3A_3 : i32
    "tpu.region"() ({
      %run_scoped3A = tpu.sem_alloc : memref<!tpu.dma_semaphore, #tpu.memory_space<semaphore_mem>>
      %dma_start3A_40 = tpu.memref_slice %arg2[%mul3A_2] : memref<98304xi32, #tpu.memory_space<hbm>> -> memref<96xi32, #tpu.memory_space<hbm>>
      %dma_start3A_41 = tpu.memref_slice %arg2[%mul3A_2] : memref<98304xi32, #tpu.memory_space<hbm>> -> memref<96xi32, #tpu.memory_space<hbm>>
      tpu.enqueue_dma source(%dma_start3A_41 : memref<96xi32, #tpu.memory_space<hbm>>) target(%arg5 : memref<96xi32, #tpu.memory_space<vmem>>) target_semaphore(%run_scoped3A : memref<!tpu.dma_semaphore, #tpu.memory_space<semaphore_mem>>)
      %dma_wait3A_42 = tpu.memref_slice %arg2[%mul3A_2] : memref<98304xi32, #tpu.memory_space<hbm>> -> memref<96xi32, #tpu.memory_space<hbm>>
      %dma_wait3A_43 = tpu.memref_slice %arg2[%mul3A_2] : memref<98304xi32, #tpu.memory_space<hbm>> -> memref<96xi32, #tpu.memory_space<hbm>>
      tpu.wait_dma2 semaphore(%run_scoped3A : memref<!tpu.dma_semaphore, #tpu.memory_space<semaphore_mem>>) src(%dma_wait3A_43 : memref<96xi32, #tpu.memory_space<hbm>>) dst(%arg5 : memref<96xi32, #tpu.memory_space<vmem>>)
      tpu.yield
    }) : () -> ()
    %dma_start3A = arith.constant 0 : i32
    %dma_start3A_5 = arith.constant 0 : i32
    %dma_start3A_6 = tpu.memref_slice %arg7[%dma_start3A, %dma_start3A_5] : memref<96x128xf32, #tpu.memory_space<vmem>> -> memref<48x128xf32, #tpu.memory_space<vmem>>
    %dma_start3A_7 = arith.constant 0 : i32
    %dma_start3A_8 = tpu.memref_slice %arg5[%dma_start3A_7] : memref<96xi32, #tpu.memory_space<vmem>> -> memref<48xi32, #tpu.memory_space<vmem>>
    %dma_start3A_9 = arith.constant 0 : i32
    %dma_start3A_10 = arith.constant 0 : i32
    %dma_start3A_11 = tpu.memref_slice %arg3[%dma_start3A_9, %dma_start3A_10] : memref<300288x128xf32, #tpu.memory_space<hbm>> -> memref<300288x128xf32, #tpu.memory_space<hbm>>
    tpu.enqueue_indirect_dma source(%dma_start3A_11 : memref<300288x128xf32, #tpu.memory_space<hbm>>) target(%dma_start3A_6 : memref<48x128xf32, #tpu.memory_space<vmem>>) offsets(%dma_start3A_8 : memref<48xi32, #tpu.memory_space<vmem>>) semaphore(%arg13 : memref<!tpu.dma_semaphore, #tpu.memory_space<semaphore_mem>>)
    %dma_start3A_12 = arith.constant 48 : i32
    %dma_start3A_13 = arith.constant 0 : i32
    %dma_start3A_14 = tpu.memref_slice %arg7[%dma_start3A_12, %dma_start3A_13] : memref<96x128xf32, #tpu.memory_space<vmem>> -> memref<48x128xf32, #tpu.memory_space<vmem>>
    %dma_start3A_15 = arith.constant 48 : i32
    %dma_start3A_16 = tpu.memref_slice %arg5[%dma_start3A_15] : memref<96xi32, #tpu.memory_space<vmem>> -> memref<48xi32, #tpu.memory_space<vmem>>
    %dma_start3A_17 = arith.constant 0 : i32
    %dma_start3A_18 = arith.constant 0 : i32
    %dma_start3A_19 = tpu.memref_slice %arg3[%dma_start3A_17, %dma_start3A_18] : memref<300288x128xf32, #tpu.memory_space<hbm>> -> memref<300288x128xf32, #tpu.memory_space<hbm>>
    tpu.enqueue_indirect_dma source(%dma_start3A_19 : memref<300288x128xf32, #tpu.memory_space<hbm>>) target(%dma_start3A_14 : memref<48x128xf32, #tpu.memory_space<vmem>>) offsets(%dma_start3A_16 : memref<48xi32, #tpu.memory_space<vmem>>) semaphore(%arg13 : memref<!tpu.dma_semaphore, #tpu.memory_space<semaphore_mem>>)
    %add3A_20 = arith.constant 96 : i32
    %add3A_21 = arith.addi %mul3A_2, %add3A_20 : i32
    %dma_start3A_22 = tpu.memref_slice %arg2[%add3A_21] : memref<98304xi32, #tpu.memory_space<hbm>> -> memref<96xi32, #tpu.memory_space<hbm>>
    %dma_start3A_23 = tpu.memref_slice %arg2[%add3A_21] : memref<98304xi32, #tpu.memory_space<hbm>> -> memref<96xi32, #tpu.memory_space<hbm>>
    tpu.enqueue_dma source(%dma_start3A_23 : memref<96xi32, #tpu.memory_space<hbm>>) target(%arg6 : memref<96xi32, #tpu.memory_space<vmem>>) target_semaphore(%arg12 : memref<!tpu.dma_semaphore, #tpu.memory_space<semaphore_mem>>)
    %scan3A = arith.constant 0 : i32
    %scan3A_24 = arith.constant 0 : i32
    %scan3A_25 = arith.constant 16 : i32
    %scan3A_26 = arith.addi %scan3A_24, %scan3A_25 : i32
    %scan3A_27 = arith.constant 1 : i32
    scf.for %scan3A_40 = %scan3A_24 to %scan3A_26 step %scan3A_27  : i32 {
      %mul3A_41 = arith.constant 2 : i32
      %mul3A_42 = arith.muli %scan3A_40, %mul3A_41 : i32
      %add3A_43 = arith.constant 0 : i32
      %add3A_44 = arith.addi %mul3A_42, %add3A_43 : i32
      %dma_wait3A_45 = arith.constant 0 : i32
      %dma_wait3A_46 = arith.constant 0 : i32
      %dma_wait3A_47 = tpu.memref_slice %arg7[%dma_wait3A_45, %dma_wait3A_46] : memref<96x128xf32, #tpu.memory_space<vmem>> -> memref<48x128xf32, #tpu.memory_space<vmem>>
      %dma_wait3A_48 = arith.constant 0 : i32
      %dma_wait3A_49 = tpu.memref_slice %arg5[%dma_wait3A_48] : memref<96xi32, #tpu.memory_space<vmem>> -> memref<48xi32, #tpu.memory_space<vmem>>
      %dma_wait3A_50 = arith.constant 0 : i32
      %dma_wait3A_51 = arith.constant 0 : i32
      %dma_wait3A_52 = tpu.memref_slice %arg3[%dma_wait3A_50, %dma_wait3A_51] : memref<300288x128xf32, #tpu.memory_space<hbm>> -> memref<300288x128xf32, #tpu.memory_space<hbm>>
      tpu.wait_indirect_dma semaphore(%arg13 : memref<!tpu.dma_semaphore, #tpu.memory_space<semaphore_mem>>) src(%dma_wait3A_52 : memref<300288x128xf32, #tpu.memory_space<hbm>>) dst(%dma_wait3A_47 : memref<48x128xf32, #tpu.memory_space<vmem>>)
      %dma_wait3A_53 = arith.constant 48 : i32
      %dma_wait3A_54 = arith.constant 0 : i32
      %dma_wait3A_55 = tpu.memref_slice %arg7[%dma_wait3A_53, %dma_wait3A_54] : memref<96x128xf32, #tpu.memory_space<vmem>> -> memref<48x128xf32, #tpu.memory_space<vmem>>
      %dma_wait3A_56 = arith.constant 48 : i32
      %dma_wait3A_57 = tpu.memref_slice %arg5[%dma_wait3A_56] : memref<96xi32, #tpu.memory_space<vmem>> -> memref<48xi32, #tpu.memory_space<vmem>>
      %dma_wait3A_58 = arith.constant 0 : i32
      %dma_wait3A_59 = arith.constant 0 : i32
      %dma_wait3A_60 = tpu.memref_slice %arg3[%dma_wait3A_58, %dma_wait3A_59] : memref<300288x128xf32, #tpu.memory_space<hbm>> -> memref<300288x128xf32, #tpu.memory_space<hbm>>
      tpu.wait_indirect_dma semaphore(%arg13 : memref<!tpu.dma_semaphore, #tpu.memory_space<semaphore_mem>>) src(%dma_wait3A_60 : memref<300288x128xf32, #tpu.memory_space<hbm>>) dst(%dma_wait3A_55 : memref<48x128xf32, #tpu.memory_space<vmem>>)
      %add3A_61 = arith.constant 1 : i32
      %add3A_62 = arith.addi %add3A_44, %add3A_61 : i32
      %lt3A = arith.constant 32 : i32
      %lt3A_63 = arith.cmpi slt, %add3A_62, %lt3A : i32
      %convert_element_type3A = arith.extui %lt3A_63 : i1 to i32
      %cond3A = arith.constant 0 : i32
      %cond3A_64 = arith.cmpi ne, %convert_element_type3A, %cond3A : i32
      scf.if %cond3A_64 {
        %add3A_141 = arith.constant 1 : i32
        %add3A_142 = arith.addi %add3A_44, %add3A_141 : i32
        %mul3A_143 = arith.constant 96 : i32
        %mul3A_144 = arith.muli %add3A_142, %mul3A_143 : i32
        %add3A_145 = arith.addi %mul3A_2, %mul3A_144 : i32
        %dma_wait3A_146 = tpu.memref_slice %arg2[%add3A_145] : memref<98304xi32, #tpu.memory_space<hbm>> -> memref<96xi32, #tpu.memory_space<hbm>>
        %dma_wait3A_147 = tpu.memref_slice %arg2[%add3A_145] : memref<98304xi32, #tpu.memory_space<hbm>> -> memref<96xi32, #tpu.memory_space<hbm>>
        tpu.wait_dma2 semaphore(%arg12 : memref<!tpu.dma_semaphore, #tpu.memory_space<semaphore_mem>>) src(%dma_wait3A_147 : memref<96xi32, #tpu.memory_space<hbm>>) dst(%arg6 : memref<96xi32, #tpu.memory_space<vmem>>)
        %dma_start3A_148 = arith.constant 0 : i32
        %dma_start3A_149 = arith.constant 0 : i32
        %dma_start3A_150 = tpu.memref_slice %arg8[%dma_start3A_148, %dma_start3A_149] : memref<96x128xf32, #tpu.memory_space<vmem>> -> memref<48x128xf32, #tpu.memory_space<vmem>>
        %dma_start3A_151 = arith.constant 0 : i32
        %dma_start3A_152 = tpu.memref_slice %arg6[%dma_start3A_151] : memref<96xi32, #tpu.memory_space<vmem>> -> memref<48xi32, #tpu.memory_space<vmem>>
        %dma_start3A_153 = arith.constant 0 : i32
        %dma_start3A_154 = arith.constant 0 : i32
        %dma_start3A_155 = tpu.memref_slice %arg3[%dma_start3A_153, %dma_start3A_154] : memref<300288x128xf32, #tpu.memory_space<hbm>> -> memref<300288x128xf32, #tpu.memory_space<hbm>>
        tpu.enqueue_indirect_dma source(%dma_start3A_155 : memref<300288x128xf32, #tpu.memory_space<hbm>>) target(%dma_start3A_150 : memref<48x128xf32, #tpu.memory_space<vmem>>) offsets(%dma_start3A_152 : memref<48xi32, #tpu.memory_space<vmem>>) semaphore(%arg14 : memref<!tpu.dma_semaphore, #tpu.memory_space<semaphore_mem>>)
        %dma_start3A_156 = arith.constant 48 : i32
        %dma_start3A_157 = arith.constant 0 : i32
        %dma_start3A_158 = tpu.memref_slice %arg8[%dma_start3A_156, %dma_start3A_157] : memref<96x128xf32, #tpu.memory_space<vmem>> -> memref<48x128xf32, #tpu.memory_space<vmem>>
        %dma_start3A_159 = arith.constant 48 : i32
        %dma_start3A_160 = tpu.memref_slice %arg6[%dma_start3A_159] : memref<96xi32, #tpu.memory_space<vmem>> -> memref<48xi32, #tpu.memory_space<vmem>>
        %dma_start3A_161 = arith.constant 0 : i32
        %dma_start3A_162 = arith.constant 0 : i32
        %dma_start3A_163 = tpu.memref_slice %arg3[%dma_start3A_161, %dma_start3A_162] : memref<300288x128xf32, #tpu.memory_space<hbm>> -> memref<300288x128xf32, #tpu.memory_space<hbm>>
        tpu.enqueue_indirect_dma source(%dma_start3A_163 : memref<300288x128xf32, #tpu.memory_space<hbm>>) target(%dma_start3A_158 : memref<48x128xf32, #tpu.memory_space<vmem>>) offsets(%dma_start3A_160 : memref<48xi32, #tpu.memory_space<vmem>>) semaphore(%arg14 : memref<!tpu.dma_semaphore, #tpu.memory_space<semaphore_mem>>)
      } else {
      }
      %add3A_65 = arith.constant 2 : i32
      %add3A_66 = arith.addi %add3A_44, %add3A_65 : i32
      %lt3A_67 = arith.constant 32 : i32
      %lt3A_68 = arith.cmpi slt, %add3A_66, %lt3A_67 : i32
      %convert_element_type3A_69 = arith.extui %lt3A_68 : i1 to i32
      %cond3A_70 = arith.constant 0 : i32
      %cond3A_71 = arith.cmpi ne, %convert_element_type3A_69, %cond3A_70 : i32
      scf.if %cond3A_71 {
        %add3A_141 = arith.constant 2 : i32
        %add3A_142 = arith.addi %add3A_44, %add3A_141 : i32
        %mul3A_143 = arith.constant 96 : i32
        %mul3A_144 = arith.muli %add3A_142, %mul3A_143 : i32
        %add3A_145 = arith.addi %mul3A_2, %mul3A_144 : i32
        %dma_start3A_146 = tpu.memref_slice %arg2[%add3A_145] : memref<98304xi32, #tpu.memory_space<hbm>> -> memref<96xi32, #tpu.memory_space<hbm>>
        %dma_start3A_147 = tpu.memref_slice %arg2[%add3A_145] : memref<98304xi32, #tpu.memory_space<hbm>> -> memref<96xi32, #tpu.memory_space<hbm>>
        tpu.enqueue_dma source(%dma_start3A_147 : memref<96xi32, #tpu.memory_space<hbm>>) target(%arg5 : memref<96xi32, #tpu.memory_space<vmem>>) target_semaphore(%arg11 : memref<!tpu.dma_semaphore, #tpu.memory_space<semaphore_mem>>)
      } else {
      }
      %ge3A = arith.constant 2 : i32
      %ge3A_72 = arith.cmpi sge, %add3A_44, %ge3A : i32
      %convert_element_type3A_73 = arith.extui %ge3A_72 : i1 to i32
      %cond3A_74 = arith.constant 0 : i32
      %cond3A_75 = arith.cmpi ne, %convert_element_type3A_73, %cond3A_74 : i32
      scf.if %cond3A_75 {
        %sub3A = arith.constant 2 : i32
        %sub3A_141 = arith.subi %add3A_44, %sub3A : i32
        %mul3A_142 = arith.constant 16 : i32
        %mul3A_143 = arith.muli %sub3A_141, %mul3A_142 : i32
        %add3A_144 = arith.addi %mul3A_4, %mul3A_143 : i32
        %dma_wait3A_145 = arith.constant 0 : i32
        %dma_wait3A_146 = tpu.memref_slice %arg4[%add3A_144, %dma_wait3A_145] : memref<16384x128xf32, #tpu.memory_space<hbm>> -> memref<16x128xf32, #tpu.memory_space<hbm>>
        %dma_wait3A_147 = arith.constant 0 : i32
        %dma_wait3A_148 = tpu.memref_slice %arg4[%add3A_144, %dma_wait3A_147] : memref<16384x128xf32, #tpu.memory_space<hbm>> -> memref<16x128xf32, #tpu.memory_space<hbm>>
        tpu.wait_dma2 semaphore(%arg15 : memref<!tpu.dma_semaphore, #tpu.memory_space<semaphore_mem>>) src(%arg9 : memref<16x128xf32, #tpu.memory_space<vmem>>) dst(%dma_wait3A_148 : memref<16x128xf32, #tpu.memory_space<hbm>>)
      } else {
      }
      %scan3A_76 = arith.constant 0 : i32
      %scan3A_77 = arith.constant 0 : i32
      %scan3A_78 = arith.constant 16 : i32
      %scan3A_79 = arith.addi %scan3A_77, %scan3A_78 : i32
      %scan3A_80 = arith.constant 1 : i32
      scf.for %scan3A_141 = %scan3A_77 to %scan3A_79 step %scan3A_80  : i32 {
        %mul3A_142 = arith.constant 6 : i32
        %mul3A_143 = arith.muli %scan3A_141, %mul3A_142 : i32
        %broadcast_in_dim3A = arith.constant 0.000000e+00 : f32
        %broadcast_in_dim3A_144 = vector.broadcast %broadcast_in_dim3A : f32 to vector<16xf32>
        %broadcast_in_dim3A_145 = arith.constant 0.000000e+00 : f32
        %broadcast_in_dim3A_146 = vector.broadcast %broadcast_in_dim3A_145 : f32 to vector<16xf32>
        %broadcast_in_dim3A_147 = arith.constant 0.000000e+00 : f32
        %broadcast_in_dim3A_148 = vector.broadcast %broadcast_in_dim3A_147 : f32 to vector<16xf32>
        %add3A_149 = arith.constant 0 : i32
        %add3A_150 = arith.addi %mul3A_143, %add3A_149 : i32
        %get3A = arith.index_cast %add3A_150 : i32 to index
        %get3A_151 = arith.constant 0 : index
        %get3A_152 = tpu.vector_load %arg7[%get3A, %get3A_151] {strides = array<i32>} : memref<96x128xf32, #tpu.memory_space<vmem>>, vector<1x16xf32>,
        %get3A_153 = vector.shape_cast %get3A_152 : vector<1x16xf32> to vector<16xf32>
        %add3A_154 = arith.addf %broadcast_in_dim3A_144, %get3A_153 : vector<16xf32>
        %get3A_155 = arith.index_cast %add3A_150 : i32 to index
        %get3A_156 = arith.constant 16 : index
        %get3A_157 = tpu.vector_load %arg7[%get3A_155, %get3A_156] {strides = array<i32>} : memref<96x128xf32, #tpu.memory_space<vmem>>, vector<1x16xf32>,
        %get3A_158 = vector.shape_cast %get3A_157 : vector<1x16xf32> to vector<16xf32>
        %add3A_159 = arith.addf %broadcast_in_dim3A_146, %get3A_158 : vector<16xf32>
        %get3A_160 = arith.index_cast %add3A_150 : i32 to index
        %get3A_161 = arith.constant 32 : index
        %get3A_162 = tpu.vector_load %arg7[%get3A_160, %get3A_161] {strides = array<i32>} : memref<96x128xf32, #tpu.memory_space<vmem>>, vector<1x16xf32>,
        %get3A_163 = vector.shape_cast %get3A_162 : vector<1x16xf32> to vector<16xf32>
        %add3A_164 = arith.addf %broadcast_in_dim3A_148, %get3A_163 : vector<16xf32>
        %add3A_165 = arith.constant 1 : i32
        %add3A_166 = arith.addi %mul3A_143, %add3A_165 : i32
        %get3A_167 = arith.index_cast %add3A_166 : i32 to index
        %get3A_168 = arith.constant 0 : index
        %get3A_169 = tpu.vector_load %arg7[%get3A_167, %get3A_168] {strides = array<i32>} : memref<96x128xf32, #tpu.memory_space<vmem>>, vector<1x16xf32>,
        %get3A_170 = vector.shape_cast %get3A_169 : vector<1x16xf32> to vector<16xf32>
        %add3A_171 = arith.addf %add3A_154, %get3A_170 : vector<16xf32>
        %get3A_172 = arith.index_cast %add3A_166 : i32 to index
        %get3A_173 = arith.constant 16 : index
        %get3A_174 = tpu.vector_load %arg7[%get3A_172, %get3A_173] {strides = array<i32>} : memref<96x128xf32, #tpu.memory_space<vmem>>, vector<1x16xf32>,
        %get3A_175 = vector.shape_cast %get3A_174 : vector<1x16xf32> to vector<16xf32>
        %add3A_176 = arith.addf %add3A_159, %get3A_175 : vector<16xf32>
        %get3A_177 = arith.index_cast %add3A_166 : i32 to index
        %get3A_178 = arith.constant 32 : index
        %get3A_179 = tpu.vector_load %arg7[%get3A_177, %get3A_178] {strides = array<i32>} : memref<96x128xf32, #tpu.memory_space<vmem>>, vector<1x16xf32>,
        %get3A_180 = vector.shape_cast %get3A_179 : vector<1x16xf32> to vector<16xf32>
        %add3A_181 = arith.addf %add3A_164, %get3A_180 : vector<16xf32>
        %add3A_182 = arith.constant 2 : i32
        %add3A_183 = arith.addi %mul3A_143, %add3A_182 : i32
        %get3A_184 = arith.index_cast %add3A_183 : i32 to index
        %get3A_185 = arith.constant 0 : index
        %get3A_186 = tpu.vector_load %arg7[%get3A_184, %get3A_185] {strides = array<i32>} : memref<96x128xf32, #tpu.memory_space<vmem>>, vector<1x16xf32>,
        %get3A_187 = vector.shape_cast %get3A_186 : vector<1x16xf32> to vector<16xf32>
        %add3A_188 = arith.addf %add3A_171, %get3A_187 : vector<16xf32>
        %get3A_189 = arith.index_cast %add3A_183 : i32 to index
        %get3A_190 = arith.constant 16 : index
        %get3A_191 = tpu.vector_load %arg7[%get3A_189, %get3A_190] {strides = array<i32>} : memref<96x128xf32, #tpu.memory_space<vmem>>, vector<1x16xf32>,
        %get3A_192 = vector.shape_cast %get3A_191 : vector<1x16xf32> to vector<16xf32>
        %add3A_193 = arith.addf %add3A_176, %get3A_192 : vector<16xf32>
        %get3A_194 = arith.index_cast %add3A_183 : i32 to index
        %get3A_195 = arith.constant 32 : index
        %get3A_196 = tpu.vector_load %arg7[%get3A_194, %get3A_195] {strides = array<i32>} : memref<96x128xf32, #tpu.memory_space<vmem>>, vector<1x16xf32>,
        %get3A_197 = vector.shape_cast %get3A_196 : vector<1x16xf32> to vector<16xf32>
        %add3A_198 = arith.addf %add3A_181, %get3A_197 : vector<16xf32>
        %add3A_199 = arith.constant 3 : i32
        %add3A_200 = arith.addi %mul3A_143, %add3A_199 : i32
        %get3A_201 = arith.index_cast %add3A_200 : i32 to index
        %get3A_202 = arith.constant 48 : index
        %get3A_203 = tpu.vector_load %arg7[%get3A_201, %get3A_202] {strides = array<i32>} : memref<96x128xf32, #tpu.memory_space<vmem>>, vector<1x16xf32>,
        %get3A_204 = vector.shape_cast %get3A_203 : vector<1x16xf32> to vector<16xf32>
        %add3A_205 = arith.addf %add3A_188, %get3A_204 : vector<16xf32>
        %get3A_206 = arith.index_cast %add3A_200 : i32 to index
        %get3A_207 = arith.constant 64 : index
        %get3A_208 = tpu.vector_load %arg7[%get3A_206, %get3A_207] {strides = array<i32>} : memref<96x128xf32, #tpu.memory_space<vmem>>, vector<1x16xf32>,
        %get3A_209 = vector.shape_cast %get3A_208 : vector<1x16xf32> to vector<16xf32>
        %add3A_210 = arith.addf %add3A_193, %get3A_209 : vector<16xf32>
        %get3A_211 = arith.index_cast %add3A_200 : i32 to index
        %get3A_212 = arith.constant 80 : index
        %get3A_213 = tpu.vector_load %arg7[%get3A_211, %get3A_212] {strides = array<i32>} : memref<96x128xf32, #tpu.memory_space<vmem>>, vector<1x16xf32>,
        %get3A_214 = vector.shape_cast %get3A_213 : vector<1x16xf32> to vector<16xf32>
        %add3A_215 = arith.addf %add3A_198, %get3A_214 : vector<16xf32>
        %add3A_216 = arith.constant 4 : i32
        %add3A_217 = arith.addi %mul3A_143, %add3A_216 : i32
        %get3A_218 = arith.index_cast %add3A_217 : i32 to index
        %get3A_219 = arith.constant 48 : index
        %get3A_220 = tpu.vector_load %arg7[%get3A_218, %get3A_219] {strides = array<i32>} : memref<96x128xf32, #tpu.memory_space<vmem>>, vector<1x16xf32>,
        %get3A_221 = vector.shape_cast %get3A_220 : vector<1x16xf32> to vector<16xf32>
        %add3A_222 = arith.addf %add3A_205, %get3A_221 : vector<16xf32>
        %get3A_223 = arith.index_cast %add3A_217 : i32 to index
        %get3A_224 = arith.constant 64 : index
        %get3A_225 = tpu.vector_load %arg7[%get3A_223, %get3A_224] {strides = array<i32>} : memref<96x128xf32, #tpu.memory_space<vmem>>, vector<1x16xf32>,
        %get3A_226 = vector.shape_cast %get3A_225 : vector<1x16xf32> to vector<16xf32>
        %add3A_227 = arith.addf %add3A_210, %get3A_226 : vector<16xf32>
        %get3A_228 = arith.index_cast %add3A_217 : i32 to index
        %get3A_229 = arith.constant 80 : index
        %get3A_230 = tpu.vector_load %arg7[%get3A_228, %get3A_229] {strides = array<i32>} : memref<96x128xf32, #tpu.memory_space<vmem>>, vector<1x16xf32>,
        %get3A_231 = vector.shape_cast %get3A_230 : vector<1x16xf32> to vector<16xf32>
        %add3A_232 = arith.addf %add3A_215, %get3A_231 : vector<16xf32>
        %add3A_233 = arith.constant 5 : i32
        %add3A_234 = arith.addi %mul3A_143, %add3A_233 : i32
        %get3A_235 = arith.index_cast %add3A_234 : i32 to index
        %get3A_236 = arith.constant 48 : index
        %get3A_237 = tpu.vector_load %arg7[%get3A_235, %get3A_236] {strides = array<i32>} : memref<96x128xf32, #tpu.memory_space<vmem>>, vector<1x16xf32>,
        %get3A_238 = vector.shape_cast %get3A_237 : vector<1x16xf32> to vector<16xf32>
        %add3A_239 = arith.addf %add3A_222, %get3A_238 : vector<16xf32>
        %get3A_240 = arith.index_cast %add3A_234 : i32 to index
        %get3A_241 = arith.constant 64 : index
        %get3A_242 = tpu.vector_load %arg7[%get3A_240, %get3A_241] {strides = array<i32>} : memref<96x128xf32, #tpu.memory_space<vmem>>, vector<1x16xf32>,
        %get3A_243 = vector.shape_cast %get3A_242 : vector<1x16xf32> to vector<16xf32>
        %add3A_244 = arith.addf %add3A_227, %get3A_243 : vector<16xf32>
        %get3A_245 = arith.index_cast %add3A_234 : i32 to index
        %get3A_246 = arith.constant 80 : index
        %get3A_247 = tpu.vector_load %arg7[%get3A_245, %get3A_246] {strides = array<i32>} : memref<96x128xf32, #tpu.memory_space<vmem>>, vector<1x16xf32>,
        %get3A_248 = vector.shape_cast %get3A_247 : vector<1x16xf32> to vector<16xf32>
        %add3A_249 = arith.addf %add3A_232, %get3A_248 : vector<16xf32>
        %swap3A = arith.index_cast %scan3A_141 : i32 to index
        %swap3A_250 = arith.constant 0 : index
        %swap3A_251 = tpu.vector_load %arg9[%swap3A, %swap3A_250] {strides = array<i32>} : memref<16x128xf32, #tpu.memory_space<vmem>>, vector<1x16xf32>,
        %swap3A_252 = vector.shape_cast %swap3A_251 : vector<1x16xf32> to vector<16xf32>
        %swap3A_253 = vector.shape_cast %add3A_239 : vector<16xf32> to vector<1x16xf32>
        tpu.vector_store %arg9[%swap3A, %swap3A_250], %swap3A_253 {strides = array<i32>} : memref<16x128xf32, #tpu.memory_space<vmem>>, vector<1x16xf32>,
        %swap3A_254 = arith.index_cast %scan3A_141 : i32 to index
        %swap3A_255 = arith.constant 16 : index
        %swap3A_256 = tpu.vector_load %arg9[%swap3A_254, %swap3A_255] {strides = array<i32>} : memref<16x128xf32, #tpu.memory_space<vmem>>, vector<1x16xf32>,
        %swap3A_257 = vector.shape_cast %swap3A_256 : vector<1x16xf32> to vector<16xf32>
        %swap3A_258 = vector.shape_cast %add3A_244 : vector<16xf32> to vector<1x16xf32>
        tpu.vector_store %arg9[%swap3A_254, %swap3A_255], %swap3A_258 {strides = array<i32>} : memref<16x128xf32, #tpu.memory_space<vmem>>, vector<1x16xf32>,
        %swap3A_259 = arith.index_cast %scan3A_141 : i32 to index
        %swap3A_260 = arith.constant 32 : index
        %swap3A_261 = tpu.vector_load %arg9[%swap3A_259, %swap3A_260] {strides = array<i32>} : memref<16x128xf32, #tpu.memory_space<vmem>>, vector<1x16xf32>,
        %swap3A_262 = vector.shape_cast %swap3A_261 : vector<1x16xf32> to vector<16xf32>
        %swap3A_263 = vector.shape_cast %add3A_249 : vector<16xf32> to vector<1x16xf32>
        tpu.vector_store %arg9[%swap3A_259, %swap3A_260], %swap3A_263 {strides = array<i32>} : memref<16x128xf32, #tpu.memory_space<vmem>>, vector<1x16xf32>,
      }
      %scan3A_81 = arith.constant 16 : i32
      %mul3A_82 = arith.constant 16 : i32
      %mul3A_83 = arith.muli %add3A_44, %mul3A_82 : i32
      %add3A_84 = arith.addi %mul3A_4, %mul3A_83 : i32
      %dma_start3A_85 = arith.constant 0 : i32
      %dma_start3A_86 = tpu.memref_slice %arg4[%add3A_84, %dma_start3A_85] : memref<16384x128xf32, #tpu.memory_space<hbm>> -> memref<16x128xf32, #tpu.memory_space<hbm>>
      %dma_start3A_87 = arith.constant 0 : i32
      %dma_start3A_88 = tpu.memref_slice %arg4[%add3A_84, %dma_start3A_87] : memref<16384x128xf32, #tpu.memory_space<hbm>> -> memref<16x128xf32, #tpu.memory_space<hbm>>
      tpu.enqueue_dma source(%arg9 : memref<16x128xf32, #tpu.memory_space<vmem>>) target(%dma_start3A_88 : memref<16x128xf32, #tpu.memory_space<hbm>>) target_semaphore(%arg15 : memref<!tpu.dma_semaphore, #tpu.memory_space<semaphore_mem>>)
      %mul3A_89 = arith.constant 2 : i32
      %mul3A_90 = arith.muli %scan3A_40, %mul3A_89 : i32
      %add3A_91 = arith.constant 1 : i32
      %add3A_92 = arith.addi %mul3A_90, %add3A_91 : i32
      %dma_wait3A_93 = arith.constant 0 : i32
      %dma_wait3A_94 = arith.constant 0 : i32
      %dma_wait3A_95 = tpu.memref_slice %arg8[%dma_wait3A_93, %dma_wait3A_94] : memref<96x128xf32, #tpu.memory_space<vmem>> -> memref<48x128xf32, #tpu.memory_space<vmem>>
      %dma_wait3A_96 = arith.constant 0 : i32
      %dma_wait3A_97 = tpu.memref_slice %arg6[%dma_wait3A_96] : memref<96xi32, #tpu.memory_space<vmem>> -> memref<48xi32, #tpu.memory_space<vmem>>
      %dma_wait3A_98 = arith.constant 0 : i32
      %dma_wait3A_99 = arith.constant 0 : i32
      %dma_wait3A_100 = tpu.memref_slice %arg3[%dma_wait3A_98, %dma_wait3A_99] : memref<300288x128xf32, #tpu.memory_space<hbm>> -> memref<300288x128xf32, #tpu.memory_space<hbm>>
      tpu.wait_indirect_dma semaphore(%arg14 : memref<!tpu.dma_semaphore, #tpu.memory_space<semaphore_mem>>) src(%dma_wait3A_100 : memref<300288x128xf32, #tpu.memory_space<hbm>>) dst(%dma_wait3A_95 : memref<48x128xf32, #tpu.memory_space<vmem>>)
      %dma_wait3A_101 = arith.constant 48 : i32
      %dma_wait3A_102 = arith.constant 0 : i32
      %dma_wait3A_103 = tpu.memref_slice %arg8[%dma_wait3A_101, %dma_wait3A_102] : memref<96x128xf32, #tpu.memory_space<vmem>> -> memref<48x128xf32, #tpu.memory_space<vmem>>
      %dma_wait3A_104 = arith.constant 48 : i32
      %dma_wait3A_105 = tpu.memref_slice %arg6[%dma_wait3A_104] : memref<96xi32, #tpu.memory_space<vmem>> -> memref<48xi32, #tpu.memory_space<vmem>>
      %dma_wait3A_106 = arith.constant 0 : i32
      %dma_wait3A_107 = arith.constant 0 : i32
      %dma_wait3A_108 = tpu.memref_slice %arg3[%dma_wait3A_106, %dma_wait3A_107] : memref<300288x128xf32, #tpu.memory_space<hbm>> -> memref<300288x128xf32, #tpu.memory_space<hbm>>
      tpu.wait_indirect_dma semaphore(%arg14 : memref<!tpu.dma_semaphore, #tpu.memory_space<semaphore_mem>>) src(%dma_wait3A_108 : memref<300288x128xf32, #tpu.memory_space<hbm>>) dst(%dma_wait3A_103 : memref<48x128xf32, #tpu.memory_space<vmem>>)
      %add3A_109 = arith.constant 1 : i32
      %add3A_110 = arith.addi %add3A_92, %add3A_109 : i32
      %lt3A_111 = arith.constant 32 : i32
      %lt3A_112 = arith.cmpi slt, %add3A_110, %lt3A_111 : i32
      %convert_element_type3A_113 = arith.extui %lt3A_112 : i1 to i32
      %cond3A_114 = arith.constant 0 : i32
      %cond3A_115 = arith.cmpi ne, %convert_element_type3A_113, %cond3A_114 : i32
      scf.if %cond3A_115 {
        %add3A_141 = arith.constant 1 : i32
        %add3A_142 = arith.addi %add3A_92, %add3A_141 : i32
        %mul3A_143 = arith.constant 96 : i32
        %mul3A_144 = arith.muli %add3A_142, %mul3A_143 : i32
        %add3A_145 = arith.addi %mul3A_2, %mul3A_144 : i32
        %dma_wait3A_146 = tpu.memref_slice %arg2[%add3A_145] : memref<98304xi32, #tpu.memory_space<hbm>> -> memref<96xi32, #tpu.memory_space<hbm>>
        %dma_wait3A_147 = tpu.memref_slice %arg2[%add3A_145] : memref<98304xi32, #tpu.memory_space<hbm>> -> memref<96xi32, #tpu.memory_space<hbm>>
        tpu.wait_dma2 semaphore(%arg11 : memref<!tpu.dma_semaphore, #tpu.memory_space<semaphore_mem>>) src(%dma_wait3A_147 : memref<96xi32, #tpu.memory_space<hbm>>) dst(%arg5 : memref<96xi32, #tpu.memory_space<vmem>>)
        %dma_start3A_148 = arith.constant 0 : i32
        %dma_start3A_149 = arith.constant 0 : i32
        %dma_start3A_150 = tpu.memref_slice %arg7[%dma_start3A_148, %dma_start3A_149] : memref<96x128xf32, #tpu.memory_space<vmem>> -> memref<48x128xf32, #tpu.memory_space<vmem>>
        %dma_start3A_151 = arith.constant 0 : i32
        %dma_start3A_152 = tpu.memref_slice %arg5[%dma_start3A_151] : memref<96xi32, #tpu.memory_space<vmem>> -> memref<48xi32, #tpu.memory_space<vmem>>
        %dma_start3A_153 = arith.constant 0 : i32
        %dma_start3A_154 = arith.constant 0 : i32
        %dma_start3A_155 = tpu.memref_slice %arg3[%dma_start3A_153, %dma_start3A_154] : memref<300288x128xf32, #tpu.memory_space<hbm>> -> memref<300288x128xf32, #tpu.memory_space<hbm>>
        tpu.enqueue_indirect_dma source(%dma_start3A_155 : memref<300288x128xf32, #tpu.memory_space<hbm>>) target(%dma_start3A_150 : memref<48x128xf32, #tpu.memory_space<vmem>>) offsets(%dma_start3A_152 : memref<48xi32, #tpu.memory_space<vmem>>) semaphore(%arg13 : memref<!tpu.dma_semaphore, #tpu.memory_space<semaphore_mem>>)
        %dma_start3A_156 = arith.constant 48 : i32
        %dma_start3A_157 = arith.constant 0 : i32
        %dma_start3A_158 = tpu.memref_slice %arg7[%dma_start3A_156, %dma_start3A_157] : memref<96x128xf32, #tpu.memory_space<vmem>> -> memref<48x128xf32, #tpu.memory_space<vmem>>
        %dma_start3A_159 = arith.constant 48 : i32
        %dma_start3A_160 = tpu.memref_slice %arg5[%dma_start3A_159] : memref<96xi32, #tpu.memory_space<vmem>> -> memref<48xi32, #tpu.memory_space<vmem>>
        %dma_start3A_161 = arith.constant 0 : i32
        %dma_start3A_162 = arith.constant 0 : i32
        %dma_start3A_163 = tpu.memref_slice %arg3[%dma_start3A_161, %dma_start3A_162] : memref<300288x128xf32, #tpu.memory_space<hbm>> -> memref<300288x128xf32, #tpu.memory_space<hbm>>
        tpu.enqueue_indirect_dma source(%dma_start3A_163 : memref<300288x128xf32, #tpu.memory_space<hbm>>) target(%dma_start3A_158 : memref<48x128xf32, #tpu.memory_space<vmem>>) offsets(%dma_start3A_160 : memref<48xi32, #tpu.memory_space<vmem>>) semaphore(%arg13 : memref<!tpu.dma_semaphore, #tpu.memory_space<semaphore_mem>>)
      } else {
      }
      %add3A_116 = arith.constant 2 : i32
      %add3A_117 = arith.addi %add3A_92, %add3A_116 : i32
      %lt3A_118 = arith.constant 32 : i32
      %lt3A_119 = arith.cmpi slt, %add3A_117, %lt3A_118 : i32
      %convert_element_type3A_120 = arith.extui %lt3A_119 : i1 to i32
      %cond3A_121 = arith.constant 0 : i32
      %cond3A_122 = arith.cmpi ne, %convert_element_type3A_120, %cond3A_121 : i32
      scf.if %cond3A_122 {
        %add3A_141 = arith.constant 2 : i32
        %add3A_142 = arith.addi %add3A_92, %add3A_141 : i32
        %mul3A_143 = arith.constant 96 : i32
        %mul3A_144 = arith.muli %add3A_142, %mul3A_143 : i32
        %add3A_145 = arith.addi %mul3A_2, %mul3A_144 : i32
        %dma_start3A_146 = tpu.memref_slice %arg2[%add3A_145] : memref<98304xi32, #tpu.memory_space<hbm>> -> memref<96xi32, #tpu.memory_space<hbm>>
        %dma_start3A_147 = tpu.memref_slice %arg2[%add3A_145] : memref<98304xi32, #tpu.memory_space<hbm>> -> memref<96xi32, #tpu.memory_space<hbm>>
        tpu.enqueue_dma source(%dma_start3A_147 : memref<96xi32, #tpu.memory_space<hbm>>) target(%arg6 : memref<96xi32, #tpu.memory_space<vmem>>) target_semaphore(%arg12 : memref<!tpu.dma_semaphore, #tpu.memory_space<semaphore_mem>>)
      } else {
      }
      %ge3A_123 = arith.constant 2 : i32
      %ge3A_124 = arith.cmpi sge, %add3A_92, %ge3A_123 : i32
      %convert_element_type3A_125 = arith.extui %ge3A_124 : i1 to i32
      %cond3A_126 = arith.constant 0 : i32
      %cond3A_127 = arith.cmpi ne, %convert_element_type3A_125, %cond3A_126 : i32
      scf.if %cond3A_127 {
        %sub3A = arith.constant 2 : i32
        %sub3A_141 = arith.subi %add3A_92, %sub3A : i32
        %mul3A_142 = arith.constant 16 : i32
        %mul3A_143 = arith.muli %sub3A_141, %mul3A_142 : i32
        %add3A_144 = arith.addi %mul3A_4, %mul3A_143 : i32
        %dma_wait3A_145 = arith.constant 0 : i32
        %dma_wait3A_146 = tpu.memref_slice %arg4[%add3A_144, %dma_wait3A_145] : memref<16384x128xf32, #tpu.memory_space<hbm>> -> memref<16x128xf32, #tpu.memory_space<hbm>>
        %dma_wait3A_147 = arith.constant 0 : i32
        %dma_wait3A_148 = tpu.memref_slice %arg4[%add3A_144, %dma_wait3A_147] : memref<16384x128xf32, #tpu.memory_space<hbm>> -> memref<16x128xf32, #tpu.memory_space<hbm>>
        tpu.wait_dma2 semaphore(%arg16 : memref<!tpu.dma_semaphore, #tpu.memory_space<semaphore_mem>>) src(%arg10 : memref<16x128xf32, #tpu.memory_space<vmem>>) dst(%dma_wait3A_148 : memref<16x128xf32, #tpu.memory_space<hbm>>)
      } else {
      }
      %scan3A_128 = arith.constant 0 : i32
      %scan3A_129 = arith.constant 0 : i32
      %scan3A_130 = arith.constant 16 : i32
      %scan3A_131 = arith.addi %scan3A_129, %scan3A_130 : i32
      %scan3A_132 = arith.constant 1 : i32
      scf.for %scan3A_141 = %scan3A_129 to %scan3A_131 step %scan3A_132  : i32 {
        %mul3A_142 = arith.constant 6 : i32
        %mul3A_143 = arith.muli %scan3A_141, %mul3A_142 : i32
        %broadcast_in_dim3A = arith.constant 0.000000e+00 : f32
        %broadcast_in_dim3A_144 = vector.broadcast %broadcast_in_dim3A : f32 to vector<16xf32>
        %broadcast_in_dim3A_145 = arith.constant 0.000000e+00 : f32
        %broadcast_in_dim3A_146 = vector.broadcast %broadcast_in_dim3A_145 : f32 to vector<16xf32>
        %broadcast_in_dim3A_147 = arith.constant 0.000000e+00 : f32
        %broadcast_in_dim3A_148 = vector.broadcast %broadcast_in_dim3A_147 : f32 to vector<16xf32>
        %add3A_149 = arith.constant 0 : i32
        %add3A_150 = arith.addi %mul3A_143, %add3A_149 : i32
        %get3A = arith.index_cast %add3A_150 : i32 to index
        %get3A_151 = arith.constant 0 : index
        %get3A_152 = tpu.vector_load %arg8[%get3A, %get3A_151] {strides = array<i32>} : memref<96x128xf32, #tpu.memory_space<vmem>>, vector<1x16xf32>,
        %get3A_153 = vector.shape_cast %get3A_152 : vector<1x16xf32> to vector<16xf32>
        %add3A_154 = arith.addf %broadcast_in_dim3A_144, %get3A_153 : vector<16xf32>
        %get3A_155 = arith.index_cast %add3A_150 : i32 to index
        %get3A_156 = arith.constant 16 : index
        %get3A_157 = tpu.vector_load %arg8[%get3A_155, %get3A_156] {strides = array<i32>} : memref<96x128xf32, #tpu.memory_space<vmem>>, vector<1x16xf32>,
        %get3A_158 = vector.shape_cast %get3A_157 : vector<1x16xf32> to vector<16xf32>
        %add3A_159 = arith.addf %broadcast_in_dim3A_146, %get3A_158 : vector<16xf32>
        %get3A_160 = arith.index_cast %add3A_150 : i32 to index
        %get3A_161 = arith.constant 32 : index
        %get3A_162 = tpu.vector_load %arg8[%get3A_160, %get3A_161] {strides = array<i32>} : memref<96x128xf32, #tpu.memory_space<vmem>>, vector<1x16xf32>,
        %get3A_163 = vector.shape_cast %get3A_162 : vector<1x16xf32> to vector<16xf32>
        %add3A_164 = arith.addf %broadcast_in_dim3A_148, %get3A_163 : vector<16xf32>
        %add3A_165 = arith.constant 1 : i32
        %add3A_166 = arith.addi %mul3A_143, %add3A_165 : i32
        %get3A_167 = arith.index_cast %add3A_166 : i32 to index
        %get3A_168 = arith.constant 0 : index
        %get3A_169 = tpu.vector_load %arg8[%get3A_167, %get3A_168] {strides = array<i32>} : memref<96x128xf32, #tpu.memory_space<vmem>>, vector<1x16xf32>,
        %get3A_170 = vector.shape_cast %get3A_169 : vector<1x16xf32> to vector<16xf32>
        %add3A_171 = arith.addf %add3A_154, %get3A_170 : vector<16xf32>
        %get3A_172 = arith.index_cast %add3A_166 : i32 to index
        %get3A_173 = arith.constant 16 : index
        %get3A_174 = tpu.vector_load %arg8[%get3A_172, %get3A_173] {strides = array<i32>} : memref<96x128xf32, #tpu.memory_space<vmem>>, vector<1x16xf32>,
        %get3A_175 = vector.shape_cast %get3A_174 : vector<1x16xf32> to vector<16xf32>
        %add3A_176 = arith.addf %add3A_159, %get3A_175 : vector<16xf32>
        %get3A_177 = arith.index_cast %add3A_166 : i32 to index
        %get3A_178 = arith.constant 32 : index
        %get3A_179 = tpu.vector_load %arg8[%get3A_177, %get3A_178] {strides = array<i32>} : memref<96x128xf32, #tpu.memory_space<vmem>>, vector<1x16xf32>,
        %get3A_180 = vector.shape_cast %get3A_179 : vector<1x16xf32> to vector<16xf32>
        %add3A_181 = arith.addf %add3A_164, %get3A_180 : vector<16xf32>
        %add3A_182 = arith.constant 2 : i32
        %add3A_183 = arith.addi %mul3A_143, %add3A_182 : i32
        %get3A_184 = arith.index_cast %add3A_183 : i32 to index
        %get3A_185 = arith.constant 0 : index
        %get3A_186 = tpu.vector_load %arg8[%get3A_184, %get3A_185] {strides = array<i32>} : memref<96x128xf32, #tpu.memory_space<vmem>>, vector<1x16xf32>,
        %get3A_187 = vector.shape_cast %get3A_186 : vector<1x16xf32> to vector<16xf32>
        %add3A_188 = arith.addf %add3A_171, %get3A_187 : vector<16xf32>
        %get3A_189 = arith.index_cast %add3A_183 : i32 to index
        %get3A_190 = arith.constant 16 : index
        %get3A_191 = tpu.vector_load %arg8[%get3A_189, %get3A_190] {strides = array<i32>} : memref<96x128xf32, #tpu.memory_space<vmem>>, vector<1x16xf32>,
        %get3A_192 = vector.shape_cast %get3A_191 : vector<1x16xf32> to vector<16xf32>
        %add3A_193 = arith.addf %add3A_176, %get3A_192 : vector<16xf32>
        %get3A_194 = arith.index_cast %add3A_183 : i32 to index
        %get3A_195 = arith.constant 32 : index
        %get3A_196 = tpu.vector_load %arg8[%get3A_194, %get3A_195] {strides = array<i32>} : memref<96x128xf32, #tpu.memory_space<vmem>>, vector<1x16xf32>,
        %get3A_197 = vector.shape_cast %get3A_196 : vector<1x16xf32> to vector<16xf32>
        %add3A_198 = arith.addf %add3A_181, %get3A_197 : vector<16xf32>
        %add3A_199 = arith.constant 3 : i32
        %add3A_200 = arith.addi %mul3A_143, %add3A_199 : i32
        %get3A_201 = arith.index_cast %add3A_200 : i32 to index
        %get3A_202 = arith.constant 48 : index
        %get3A_203 = tpu.vector_load %arg8[%get3A_201, %get3A_202] {strides = array<i32>} : memref<96x128xf32, #tpu.memory_space<vmem>>, vector<1x16xf32>,
        %get3A_204 = vector.shape_cast %get3A_203 : vector<1x16xf32> to vector<16xf32>
        %add3A_205 = arith.addf %add3A_188, %get3A_204 : vector<16xf32>
        %get3A_206 = arith.index_cast %add3A_200 : i32 to index
        %get3A_207 = arith.constant 64 : index
        %get3A_208 = tpu.vector_load %arg8[%get3A_206, %get3A_207] {strides = array<i32>} : memref<96x128xf32, #tpu.memory_space<vmem>>, vector<1x16xf32>,
        %get3A_209 = vector.shape_cast %get3A_208 : vector<1x16xf32> to vector<16xf32>
        %add3A_210 = arith.addf %add3A_193, %get3A_209 : vector<16xf32>
        %get3A_211 = arith.index_cast %add3A_200 : i32 to index
        %get3A_212 = arith.constant 80 : index
        %get3A_213 = tpu.vector_load %arg8[%get3A_211, %get3A_212] {strides = array<i32>} : memref<96x128xf32, #tpu.memory_space<vmem>>, vector<1x16xf32>,
        %get3A_214 = vector.shape_cast %get3A_213 : vector<1x16xf32> to vector<16xf32>
        %add3A_215 = arith.addf %add3A_198, %get3A_214 : vector<16xf32>
        %add3A_216 = arith.constant 4 : i32
        %add3A_217 = arith.addi %mul3A_143, %add3A_216 : i32
        %get3A_218 = arith.index_cast %add3A_217 : i32 to index
        %get3A_219 = arith.constant 48 : index
        %get3A_220 = tpu.vector_load %arg8[%get3A_218, %get3A_219] {strides = array<i32>} : memref<96x128xf32, #tpu.memory_space<vmem>>, vector<1x16xf32>,
        %get3A_221 = vector.shape_cast %get3A_220 : vector<1x16xf32> to vector<16xf32>
        %add3A_222 = arith.addf %add3A_205, %get3A_221 : vector<16xf32>
        %get3A_223 = arith.index_cast %add3A_217 : i32 to index
        %get3A_224 = arith.constant 64 : index
        %get3A_225 = tpu.vector_load %arg8[%get3A_223, %get3A_224] {strides = array<i32>} : memref<96x128xf32, #tpu.memory_space<vmem>>, vector<1x16xf32>,
        %get3A_226 = vector.shape_cast %get3A_225 : vector<1x16xf32> to vector<16xf32>
        %add3A_227 = arith.addf %add3A_210, %get3A_226 : vector<16xf32>
        %get3A_228 = arith.index_cast %add3A_217 : i32 to index
        %get3A_229 = arith.constant 80 : index
        %get3A_230 = tpu.vector_load %arg8[%get3A_228, %get3A_229] {strides = array<i32>} : memref<96x128xf32, #tpu.memory_space<vmem>>, vector<1x16xf32>,
        %get3A_231 = vector.shape_cast %get3A_230 : vector<1x16xf32> to vector<16xf32>
        %add3A_232 = arith.addf %add3A_215, %get3A_231 : vector<16xf32>
        %add3A_233 = arith.constant 5 : i32
        %add3A_234 = arith.addi %mul3A_143, %add3A_233 : i32
        %get3A_235 = arith.index_cast %add3A_234 : i32 to index
        %get3A_236 = arith.constant 48 : index
        %get3A_237 = tpu.vector_load %arg8[%get3A_235, %get3A_236] {strides = array<i32>} : memref<96x128xf32, #tpu.memory_space<vmem>>, vector<1x16xf32>,
        %get3A_238 = vector.shape_cast %get3A_237 : vector<1x16xf32> to vector<16xf32>
        %add3A_239 = arith.addf %add3A_222, %get3A_238 : vector<16xf32>
        %get3A_240 = arith.index_cast %add3A_234 : i32 to index
        %get3A_241 = arith.constant 64 : index
        %get3A_242 = tpu.vector_load %arg8[%get3A_240, %get3A_241] {strides = array<i32>} : memref<96x128xf32, #tpu.memory_space<vmem>>, vector<1x16xf32>,
        %get3A_243 = vector.shape_cast %get3A_242 : vector<1x16xf32> to vector<16xf32>
        %add3A_244 = arith.addf %add3A_227, %get3A_243 : vector<16xf32>
        %get3A_245 = arith.index_cast %add3A_234 : i32 to index
        %get3A_246 = arith.constant 80 : index
        %get3A_247 = tpu.vector_load %arg8[%get3A_245, %get3A_246] {strides = array<i32>} : memref<96x128xf32, #tpu.memory_space<vmem>>, vector<1x16xf32>,
        %get3A_248 = vector.shape_cast %get3A_247 : vector<1x16xf32> to vector<16xf32>
        %add3A_249 = arith.addf %add3A_232, %get3A_248 : vector<16xf32>
        %swap3A = arith.index_cast %scan3A_141 : i32 to index
        %swap3A_250 = arith.constant 0 : index
        %swap3A_251 = tpu.vector_load %arg10[%swap3A, %swap3A_250] {strides = array<i32>} : memref<16x128xf32, #tpu.memory_space<vmem>>, vector<1x16xf32>,
        %swap3A_252 = vector.shape_cast %swap3A_251 : vector<1x16xf32> to vector<16xf32>
        %swap3A_253 = vector.shape_cast %add3A_239 : vector<16xf32> to vector<1x16xf32>
        tpu.vector_store %arg10[%swap3A, %swap3A_250], %swap3A_253 {strides = array<i32>} : memref<16x128xf32, #tpu.memory_space<vmem>>, vector<1x16xf32>,
        %swap3A_254 = arith.index_cast %scan3A_141 : i32 to index
        %swap3A_255 = arith.constant 16 : index
        %swap3A_256 = tpu.vector_load %arg10[%swap3A_254, %swap3A_255] {strides = array<i32>} : memref<16x128xf32, #tpu.memory_space<vmem>>, vector<1x16xf32>,
        %swap3A_257 = vector.shape_cast %swap3A_256 : vector<1x16xf32> to vector<16xf32>
        %swap3A_258 = vector.shape_cast %add3A_244 : vector<16xf32> to vector<1x16xf32>
        tpu.vector_store %arg10[%swap3A_254, %swap3A_255], %swap3A_258 {strides = array<i32>} : memref<16x128xf32, #tpu.memory_space<vmem>>, vector<1x16xf32>,
        %swap3A_259 = arith.index_cast %scan3A_141 : i32 to index
        %swap3A_260 = arith.constant 32 : index
        %swap3A_261 = tpu.vector_load %arg10[%swap3A_259, %swap3A_260] {strides = array<i32>} : memref<16x128xf32, #tpu.memory_space<vmem>>, vector<1x16xf32>,
        %swap3A_262 = vector.shape_cast %swap3A_261 : vector<1x16xf32> to vector<16xf32>
        %swap3A_263 = vector.shape_cast %add3A_249 : vector<16xf32> to vector<1x16xf32>
        tpu.vector_store %arg10[%swap3A_259, %swap3A_260], %swap3A_263 {strides = array<i32>} : memref<16x128xf32, #tpu.memory_space<vmem>>, vector<1x16xf32>,
      }
      %scan3A_133 = arith.constant 16 : i32
      %mul3A_134 = arith.constant 16 : i32
      %mul3A_135 = arith.muli %add3A_92, %mul3A_134 : i32
      %add3A_136 = arith.addi %mul3A_4, %mul3A_135 : i32
      %dma_start3A_137 = arith.constant 0 : i32
      %dma_start3A_138 = tpu.memref_slice %arg4[%add3A_136, %dma_start3A_137] : memref<16384x128xf32, #tpu.memory_space<hbm>> -> memref<16x128xf32, #tpu.memory_space<hbm>>
      %dma_start3A_139 = arith.constant 0 : i32
      %dma_start3A_140 = tpu.memref_slice %arg4[%add3A_136, %dma_start3A_139] : memref<16384x128xf32, #tpu.memory_space<hbm>> -> memref<16x128xf32, #tpu.memory_space<hbm>>
      tpu.enqueue_dma source(%arg10 : memref<16x128xf32, #tpu.memory_space<vmem>>) target(%dma_start3A_140 : memref<16x128xf32, #tpu.memory_space<hbm>>) target_semaphore(%arg16 : memref<!tpu.dma_semaphore, #tpu.memory_space<semaphore_mem>>)
    }
    %scan3A_28 = arith.constant 16 : i32
    %add3A_29 = arith.constant 480 : i32
    %add3A_30 = arith.addi %mul3A_4, %add3A_29 : i32
    %dma_wait3A = arith.constant 0 : i32
    %dma_wait3A_31 = tpu.memref_slice %arg4[%add3A_30, %dma_wait3A] : memref<16384x128xf32, #tpu.memory_space<hbm>> -> memref<16x128xf32, #tpu.memory_space<hbm>>
    %dma_wait3A_32 = arith.constant 0 : i32
    %dma_wait3A_33 = tpu.memref_slice %arg4[%add3A_30, %dma_wait3A_32] : memref<16384x128xf32, #tpu.memory_space<hbm>> -> memref<16x128xf32, #tpu.memory_space<hbm>>
    tpu.wait_dma2 semaphore(%arg15 : memref<!tpu.dma_semaphore, #tpu.memory_space<semaphore_mem>>) src(%arg9 : memref<16x128xf32, #tpu.memory_space<vmem>>) dst(%dma_wait3A_33 : memref<16x128xf32, #tpu.memory_space<hbm>>)
    %add3A_34 = arith.constant 496 : i32
    %add3A_35 = arith.addi %mul3A_4, %add3A_34 : i32
    %dma_wait3A_36 = arith.constant 0 : i32
    %dma_wait3A_37 = tpu.memref_slice %arg4[%add3A_35, %dma_wait3A_36] : memref<16384x128xf32, #tpu.memory_space<hbm>> -> memref<16x128xf32, #tpu.memory_space<hbm>>
    %dma_wait3A_38 = arith.constant 0 : i32
    %dma_wait3A_39 = tpu.memref_slice %arg4[%add3A_35, %dma_wait3A_38] : memref<16384x128xf32, #tpu.memory_space<hbm>> -> memref<16x128xf32, #tpu.memory_space<hbm>>
    tpu.wait_dma2 semaphore(%arg16 : memref<!tpu.dma_semaphore, #tpu.memory_space<semaphore_mem>>) src(%arg10 : memref<16x128xf32, #tpu.memory_space<vmem>>) dst(%dma_wait3A_39 : memref<16x128xf32, #tpu.memory_space<hbm>>)
    return
  }
}

module attributes {stable_mosaic.version = 14 : i64} {
  func.func @body(%arg0: i32, %arg1: i32, %arg2: memref<1x48x5888xf32, #tpu.memory_space<vmem>>, %arg3: memref<1x48x5888xf32, #tpu.memory_space<vmem>>, %arg4: memref<5888x128xf32, #tpu.memory_space<vmem>>) attributes {dimension_semantics = [#tpu.dimension_semantics<arbitrary>, #tpu.dimension_semantics<arbitrary>], iteration_bounds = array<i64: 10, 17>, scalar_prefetch = 0 : i64, scratch_operands = 0 : i64, tpu.core_type = #tpu.core_type<tc>, window_params = [{transform_indices = @transform_0, window_bounds = array<i64: 1, 48, 5888>}, {transform_indices = @transform_1, window_bounds = array<i64: 1, 48, 5888>}, {transform_indices = @transform_2, window_bounds = array<i64: 5888, 128>}]} {
    %get3A = arith.constant 0 : index
    %get3A_0 = arith.constant 0 : index
    %get3A_1 = arith.constant 0 : index
    %get3A_2 = vector.load %arg2[%get3A, %get3A_0, %get3A_1] : memref<1x48x5888xf32, #tpu.memory_space<vmem>>, vector<1x48x5888xf32>
    %get3A_3 = vector.shape_cast %get3A_2 : vector<1x48x5888xf32> to vector<48x5888xf32>
    %transpose3A = tpu.transpose %get3A_3, [1, 0] : vector<48x5888xf32> -> vector<5888x48xf32>
    %swap3A = arith.constant 0 : index
    %swap3A_4 = arith.constant 0 : index
    %swap3A_5 = vector.load %arg4[%swap3A, %swap3A_4] : memref<5888x128xf32, #tpu.memory_space<vmem>>, vector<5888x48xf32>
    tpu.vector_store %arg4[%swap3A, %swap3A_4], %transpose3A {strides = array<i32>} : memref<5888x128xf32, #tpu.memory_space<vmem>>, vector<5888x48xf32>,
    %get3A_6 = arith.constant 0 : index
    %get3A_7 = arith.constant 0 : index
    %get3A_8 = arith.constant 0 : index
    %get3A_9 = vector.load %arg3[%get3A_6, %get3A_7, %get3A_8] : memref<1x48x5888xf32, #tpu.memory_space<vmem>>, vector<1x48x5888xf32>
    %get3A_10 = vector.shape_cast %get3A_9 : vector<1x48x5888xf32> to vector<48x5888xf32>
    %transpose3A_11 = tpu.transpose %get3A_10, [1, 0] : vector<48x5888xf32> -> vector<5888x48xf32>
    %swap3A_12 = arith.constant 0 : index
    %swap3A_13 = arith.constant 48 : index
    %swap3A_14 = vector.load %arg4[%swap3A_12, %swap3A_13] : memref<5888x128xf32, #tpu.memory_space<vmem>>, vector<5888x48xf32>
    tpu.vector_store %arg4[%swap3A_12, %swap3A_13], %transpose3A_11 {strides = array<i32>} : memref<5888x128xf32, #tpu.memory_space<vmem>>, vector<5888x48xf32>,
    return
  }
  func.func @transform_0(%arg0: i32, %arg1: i32) -> (i32, i32, i32) {
    %add3A = arith.constant 0 : i32
    %add3A_0 = arith.addi %arg0, %add3A : i32
    %c0_i32 = arith.constant 0 : i32
    %c0_i32_1 = arith.constant 0 : i32
    return %add3A_0, %c0_i32, %arg1 : i32, i32, i32
  }
  func.func @transform_1(%arg0: i32, %arg1: i32) -> (i32, i32, i32) {
    %add3A = arith.constant 0 : i32
    %add3A_0 = arith.addi %arg0, %add3A : i32
    %add3A_1 = arith.constant 13 : i32
    %add3A_2 = arith.addi %add3A_0, %add3A_1 : i32
    %c0_i32 = arith.constant 0 : i32
    %c0_i32_3 = arith.constant 0 : i32
    return %add3A_2, %c0_i32, %arg1 : i32, i32, i32
  }
  func.func @transform_2(%arg0: i32, %arg1: i32) -> (i32, i32) {
    %mul3A = arith.constant 17 : i32
    %mul3A_0 = arith.muli %arg0, %mul3A : i32
    %add3A = arith.addi %mul3A_0, %arg1 : i32
    %c0_i32 = arith.constant 0 : i32
    %c0_i32_1 = arith.constant 0 : i32
    return %add3A, %c0_i32 : i32, i32
  }
}

module attributes {stable_mosaic.version = 14 : i64} {
  func.func @body(%arg0: i32, %arg1: i32, %arg2: memref<1x48x5888xf32, #tpu.memory_space<vmem>>, %arg3: memref<1x48x5888xf32, #tpu.memory_space<vmem>>, %arg4: memref<5888x128xf32, #tpu.memory_space<vmem>>) attributes {dimension_semantics = [#tpu.dimension_semantics<arbitrary>, #tpu.dimension_semantics<arbitrary>], iteration_bounds = array<i64: 3, 17>, scalar_prefetch = 0 : i64, scratch_operands = 0 : i64, tpu.core_type = #tpu.core_type<tc>, window_params = [{transform_indices = @transform_0, window_bounds = array<i64: 1, 48, 5888>}, {transform_indices = @transform_1, window_bounds = array<i64: 1, 48, 5888>}, {transform_indices = @transform_2, window_bounds = array<i64: 5888, 128>}]} {
    %get3A = arith.constant 0 : index
    %get3A_0 = arith.constant 0 : index
    %get3A_1 = arith.constant 0 : index
    %get3A_2 = vector.load %arg2[%get3A, %get3A_0, %get3A_1] : memref<1x48x5888xf32, #tpu.memory_space<vmem>>, vector<1x48x5888xf32>
    %get3A_3 = vector.shape_cast %get3A_2 : vector<1x48x5888xf32> to vector<48x5888xf32>
    %transpose3A = tpu.transpose %get3A_3, [1, 0] : vector<48x5888xf32> -> vector<5888x48xf32>
    %swap3A = arith.constant 0 : index
    %swap3A_4 = arith.constant 0 : index
    %swap3A_5 = vector.load %arg4[%swap3A, %swap3A_4] : memref<5888x128xf32, #tpu.memory_space<vmem>>, vector<5888x48xf32>
    tpu.vector_store %arg4[%swap3A, %swap3A_4], %transpose3A {strides = array<i32>} : memref<5888x128xf32, #tpu.memory_space<vmem>>, vector<5888x48xf32>,
    %get3A_6 = arith.constant 0 : index
    %get3A_7 = arith.constant 0 : index
    %get3A_8 = arith.constant 0 : index
    %get3A_9 = vector.load %arg3[%get3A_6, %get3A_7, %get3A_8] : memref<1x48x5888xf32, #tpu.memory_space<vmem>>, vector<1x48x5888xf32>
    %get3A_10 = vector.shape_cast %get3A_9 : vector<1x48x5888xf32> to vector<48x5888xf32>
    %transpose3A_11 = tpu.transpose %get3A_10, [1, 0] : vector<48x5888xf32> -> vector<5888x48xf32>
    %swap3A_12 = arith.constant 0 : index
    %swap3A_13 = arith.constant 48 : index
    %swap3A_14 = vector.load %arg4[%swap3A_12, %swap3A_13] : memref<5888x128xf32, #tpu.memory_space<vmem>>, vector<5888x48xf32>
    tpu.vector_store %arg4[%swap3A_12, %swap3A_13], %transpose3A_11 {strides = array<i32>} : memref<5888x128xf32, #tpu.memory_space<vmem>>, vector<5888x48xf32>,
    return
  }
  func.func @transform_0(%arg0: i32, %arg1: i32) -> (i32, i32, i32) {
    %add3A = arith.constant 10 : i32
    %add3A_0 = arith.addi %arg0, %add3A : i32
    %c0_i32 = arith.constant 0 : i32
    %c0_i32_1 = arith.constant 0 : i32
    return %add3A_0, %c0_i32, %arg1 : i32, i32, i32
  }
  func.func @transform_1(%arg0: i32, %arg1: i32) -> (i32, i32, i32) {
    %add3A = arith.constant 10 : i32
    %add3A_0 = arith.addi %arg0, %add3A : i32
    %add3A_1 = arith.constant 13 : i32
    %add3A_2 = arith.addi %add3A_0, %add3A_1 : i32
    %c0_i32 = arith.constant 0 : i32
    %c0_i32_3 = arith.constant 0 : i32
    return %add3A_2, %c0_i32, %arg1 : i32, i32, i32
  }
  func.func @transform_2(%arg0: i32, %arg1: i32) -> (i32, i32) {
    %mul3A = arith.constant 17 : i32
    %mul3A_0 = arith.muli %arg0, %mul3A : i32
    %add3A = arith.addi %mul3A_0, %arg1 : i32
    %c0_i32 = arith.constant 0 : i32
    %c0_i32_1 = arith.constant 0 : i32
    return %add3A, %c0_i32 : i32, i32
  }
}

module attributes {stable_mosaic.version = 14 : i64} {
  func.func @body(%arg0: i32, %arg1: memref<2048x128xf32, #tpu.memory_space<vmem>>, %arg2: memref<2048x128xf32, #tpu.memory_space<vmem>>, %arg3: memref<48x128xf32, #tpu.memory_space<vmem>>, %arg4: memref<1x128xf32, #tpu.memory_space<vmem>>, %arg5: memref<2048x128xf32, #tpu.memory_space<vmem>>) attributes {dimension_semantics = [#tpu.dimension_semantics<arbitrary>], iteration_bounds = array<i64: 8>, scalar_prefetch = 0 : i64, scratch_operands = 0 : i64, tpu.core_type = #tpu.core_type<tc>, window_params = [{transform_indices = @transform_0, window_bounds = array<i64: 2048, 128>}, {transform_indices = @transform_1, window_bounds = array<i64: 2048, 128>}, {pipeline_mode = #tpu.pipeline_mode<synchronous>, transform_indices = @transform_2, window_bounds = array<i64: 48, 128>}, {pipeline_mode = #tpu.pipeline_mode<synchronous>, transform_indices = @transform_3, window_bounds = array<i64: 1, 128>}, {transform_indices = @transform_4, window_bounds = array<i64: 2048, 128>}]} {
    %get3A = arith.constant 0 : index
    %get3A_0 = arith.constant 0 : index
    %get3A_1 = vector.load %arg1[%get3A, %get3A_0] : memref<2048x128xf32, #tpu.memory_space<vmem>>, vector<2048x48xf32>
    %get3A_2 = arith.constant 0 : index
    %get3A_3 = arith.constant 0 : index
    %get3A_4 = vector.load %arg2[%get3A_2, %get3A_3] : memref<2048x128xf32, #tpu.memory_space<vmem>>, vector<2048x48xf32>
    %add3A = arith.addf %get3A_1, %get3A_4 : vector<2048x48xf32>
    %get3A_5 = arith.constant 0 : index
    %get3A_6 = arith.constant 0 : index
    %get3A_7 = vector.load %arg3[%get3A_5, %get3A_6] : memref<48x128xf32, #tpu.memory_space<vmem>>, vector<48x128xf32>
    %dot_general3A = arith.constant dense<0.000000e+00> : vector<2048x128xf32>
    %dot_general3A_8 = tpu.matmul %add3A, %get3A_7, %dot_general3A {dimension_numbers = #tpu.dot_dimension_numbers<[1], [0], [0], [1], [0, 0, 1, 1], [], []>, transpose_lhs_hint = false} : vector<2048x48xf32>, vector<48x128xf32>, vector<2048x128xf32> -> vector<2048x128xf32>
    %get3A_9 = arith.constant 0 : index
    %get3A_10 = arith.constant 0 : index
    %get3A_11 = vector.load %arg4[%get3A_9, %get3A_10] : memref<1x128xf32, #tpu.memory_space<vmem>>, vector<1x128xf32>
    %add3A_12 = vector.broadcast %get3A_11 : vector<1x128xf32> to vector<2048x128xf32>
    %add3A_13 = arith.addf %dot_general3A_8, %add3A_12 : vector<2048x128xf32>
    %mul3A = arith.constant 5.000000e-01 : f32
    %mul3A_14 = vector.broadcast %mul3A : f32 to vector<2048x128xf32>
    %mul3A_15 = arith.mulf %mul3A_14, %add3A_13 : vector<2048x128xf32>
    %mul3A_16 = arith.constant 0.707106769 : f32
    %mul3A_17 = vector.broadcast %mul3A_16 : f32 to vector<2048x128xf32>
    %mul3A_18 = arith.mulf %add3A_13, %mul3A_17 : vector<2048x128xf32>
    %erf3A = math.erf %mul3A_18 : vector<2048x128xf32>
    %add3A_19 = arith.constant 1.000000e+00 : f32
    %add3A_20 = vector.broadcast %add3A_19 : f32 to vector<2048x128xf32>
    %add3A_21 = arith.addf %add3A_20, %erf3A : vector<2048x128xf32>
    %mul3A_22 = arith.mulf %mul3A_15, %add3A_21 : vector<2048x128xf32>
    %swap3A = arith.constant 0 : index
    %swap3A_23 = arith.constant 0 : index
    %swap3A_24 = vector.load %arg5[%swap3A, %swap3A_23] : memref<2048x128xf32, #tpu.memory_space<vmem>>, vector<2048x128xf32>
    tpu.vector_store %arg5[%swap3A, %swap3A_23], %mul3A_22 {strides = array<i32>} : memref<2048x128xf32, #tpu.memory_space<vmem>>, vector<2048x128xf32>,
    return
  }
  func.func @transform_0(%arg0: i32) -> (i32, i32) {
    %c0_i32 = arith.constant 0 : i32
    %c0_i32_0 = arith.constant 0 : i32
    return %arg0, %c0_i32 : i32, i32
  }
  func.func @transform_1(%arg0: i32) -> (i32, i32) {
    %c0_i32 = arith.constant 0 : i32
    %c0_i32_0 = arith.constant 0 : i32
    return %arg0, %c0_i32 : i32, i32
  }
  func.func @transform_2(%arg0: i32) -> (i32, i32) {
    %c0_i32 = arith.constant 0 : i32
    %c0_i32_0 = arith.constant 0 : i32
    %c0_i32_1 = arith.constant 0 : i32
    return %c0_i32, %c0_i32_0 : i32, i32
  }
  func.func @transform_3(%arg0: i32) -> (i32, i32) {
    %c0_i32 = arith.constant 0 : i32
    %c0_i32_0 = arith.constant 0 : i32
    %c0_i32_1 = arith.constant 0 : i32
    return %c0_i32, %c0_i32_0 : i32, i32
  }
  func.func @transform_4(%arg0: i32) -> (i32, i32) {
    %c0_i32 = arith.constant 0 : i32
    %c0_i32_0 = arith.constant 0 : i32
    return %arg0, %c0_i32 : i32, i32
  }
}

</mosaic_0001>

<sc_bundles>
// kernel: kernel.10.cloned.1.call-start
scs
__scs_entry_jumppad:
0x0: {  	(pc) =	sbr.rel $0x88, $3  }
0x1: {  	(tag) =	ssettag $0x0;
	lr =	simm.s32 $0x1  }
0x2: {  	[smem:$0x3F9D] =	sst lr;
	_ =	strace $0xD0000000  }
0x3: {  	_ = 	snop  }
0x4: {  	_ = 	snop  }
0x5: {  	_ = 	snop  }
0x6: {  	_ = 	snop  }
0x7: {  	_ = 	snop  }
__scs_overlays_trampoline_lowered:
0x8: {  	[smem:$0x3FAC] =	sst s0  }
0x9: {  	[smem:$0x3FAD] =	sst s1  }
0xa: {  	[smem:$0x3FAE] =	sst s2  }
0xb: {  	[smem:$0x3FAF] =	sst s3  }
0xc: {  	[smem:$0x3FB0] =	sst s4  }
0xd: {  	[smem:$0x3FB1] =	sst s5  }
0xe: {  	[smem:$0x3FB2] =	sst s6  }
0xf: {  	[smem:$0x3FB3] =	sst s7  }
0x10: {  	[smem:$0x3FB4] =	sst s8  }
0x11: {  	[smem:$0x3FB5] =	sst s9;
	s0 =	simm.s32 @!p0 $0x0  }
0x12: {  	s1 =	sld [smem:$0x3F9B];
	s0 =	simm.s32 @p0 $0x1  }
0x13: {  	[smem:$0x3FB6] =	sst s0;
	s0 =	simm.s32 @!p1 $0x0  }
0x14: {  	s2 =	sld [smem:$0x3F9A];
	s0 =	simm.s32 @p1 $0x1  }
0x15: {  	[smem:$0x3FB7] =	sst s0;
	s0 =	simm.s32 @!p2 $0x0  }
0x16: {  	s3 =	sld [smem:$0x3FDB];
	s0 =	simm.s32 @p2 $0x1  }
0x17: {  	s4 =	simm.s32 $0x1BF5;
	[smem:$0x3FB9] =	sst s0  }
0x18: {  	s0 =	sld [smem:$0x3F9C];
	_ =	swait.ge [sflag:s4], $0x0  }
0x19: {  	s7 =	sld [smem:$0x3F9D]  }
0x1a: {  	s8 =	sadd.s32 $0xFFFFE003, lr  }
0x1b: {  	s9 =	sadd.s32 $0xFFFFFEF7, lr;
	s5 =	simm.s32 $0xFFFFFFFF;
	p2 =	slt.u32 s8, $0xFFFFF086  }
0x1c: {  	p1 =	slt.u32 s9, $0xF7A;
	s5 =	simm.s32 @!p2 $0x0  }
0x1d: {  	s5 =	simm.s32 @p1 $0x1;
	p0 =	seq.s32 s7, s2  }
0x1e: {  	s7 =	smul.u32 @!p0 $0xF7A, s2;
	p2 =	seq.s32 @!p0 s5, $0x0  }
0x1f: {  	s9 =	smul.u32 $0xF7A, s1;
	s8 =	simm.s32 @!p0 $0x1BF5;
	p2 =	por !p2, p0  }
0x20: {  	[sflag:s8] =	ssyncset.s32 @!p0 $0xFFFFF086;
	s6 =	sadd.s32 @!p0 s3, s7;
	s7 =	simm.s32 @!p0 $0x108  }
0x21: {  	s3 =	sadd.s32 s3, s9;
	s6 =	sadd.s32 @!p0 $0x88, s6;
	s7 =	simm.s32 @p2 $0x1082  }
0x22: {  	[simem:s7], [sflag:s8] =	dma.local @!p0 [hbm:s6], $0xF7A  }
0x23: {  	s9 =	sor.u32 $0xD0000000, s2;
	s6 =	simm.s32 $0x108;
	_ =	swait.ge @!p0 [sflag:s8], $0x0  }
0x24: {  	s3 =	sadd.s32 $0x88, s3;
	s6 =	simm.s32 @!p1 $0x1082;
	[sflag:s4] =	ssyncset.s32 $0xFFFFF086  }
0x25: {  	[simem:s6], [sflag:s4] =	dma.local [hbm:s3], $0xF7A  }
0x26: {  	[smem:$0x3F9D] =	sst s1;
	(tag) =	ssettag s2;
	_ =	strace s9  }
0x27: {  	s1 =	sld [smem:$0x3FAD]  }
0x28: {  	s2 =	sld [smem:$0x3FAE]  }
0x29: {  	s4 =	sld [smem:$0x3FB0]  }
0x2a: {  	p0 =	seq.s32 s5, $0x0;
	s5 =	sld [smem:$0x3FB1]  }
0x2b: {  	s6 =	sld [smem:$0x3FB2]  }
0x2c: {  	s7 =	sld [smem:$0x3FB3]  }
0x2d: {  	s3 =	simm.s32 $0x108;
	s8 =	sld [smem:$0x3FB4]  }
0x2e: {  	s3 =	simm.s32 @!p0 $0x1082;
	s9 =	sld [smem:$0x3FB5]  }
0x2f: {  	lr =	sadd.s32 s0, s3;
	s0 =	sld [smem:$0x3FAC]  }
0x30: {  	s3 =	sld [smem:$0x3FAF]  }
0x31: {  	[smem:$0x3FB8] =	sst s10  }
0x32: {  	s10 =	sld [smem:$0x3FB6];
	_ =	sdelay $0x3  }
0x33: {  	p0 =	seq.s32 s10, $0x1;
	s10 =	sld [smem:$0x3FB8];
	_ =	sdelay $0x3  }
0x34: {  	[smem:$0x3FB8] =	sst s10  }
0x35: {  	s10 =	sld [smem:$0x3FB7];
	_ =	sdelay $0x3  }
0x36: {  	p1 =	seq.s32 s10, $0x1;
	s10 =	sld [smem:$0x3FB8];
	_ =	sdelay $0x3  }
0x37: {  	[smem:$0x3FB8] =	sst s10  }
0x38: {  	s10 =	sld [smem:$0x3FB9]  }
0x39: {  	_ = 	snop;
	(pc) =	sbr.ind lr, $3  }
0x3a: {  	_ = 	snop  }
0x3b: {  	_ = 	snop  }
0x3c: {  	p2 =	seq.s32 s10, $0x1;
	s10 =	sld [smem:$0x3FB8]  }
0x3d: {  	_ =	shalt  }
0x3e: {  	_ =	shalt  }
0x3f: {  	_ =	shalt  }
0x40: {  	_ =	shalt  }
0x41: {  	_ =	shalt  }
0x42: {  	_ =	shalt  }
0x43: {  	_ =	shalt  }
0x44: {  	_ =	shalt  }
0x45: {  	_ =	shalt  }
0x46: {  	_ =	shalt  }
0x47: {  	_ =	shalt  }
0x48: {  	_ =	shalt  }
0x49: {  	_ =	shalt  }
0x4a: {  	_ =	shalt  }
0x4b: {  	_ =	shalt  }
0x4c: {  	_ =	shalt  }
0x4d: {  	_ =	shalt  }
0x4e: {  	_ =	shalt  }
0x4f: {  	_ =	shalt  }
0x50: {  	_ =	shalt  }
0x51: {  	_ =	shalt  }
0x52: {  	_ =	shalt  }
0x53: {  	_ =	shalt  }
0x54: {  	_ =	shalt  }
0x55: {  	_ =	shalt  }
0x56: {  	_ =	shalt  }
0x57: {  	_ =	shalt  }
0x58: {  	_ =	shalt  }
0x59: {  	_ =	shalt  }
0x5a: {  	_ =	shalt  }
0x5b: {  	_ =	shalt  }
0x5c: {  	_ =	shalt  }
0x5d: {  	_ =	shalt  }
0x5e: {  	_ =	shalt  }
0x5f: {  	_ =	shalt  }
0x60: {  	_ =	shalt  }
0x61: {  	_ =	shalt  }
0x62: {  	_ =	shalt  }
0x63: {  	_ =	shalt  }
0x64: {  	_ =	shalt  }
0x65: {  	_ =	shalt  }
0x66: {  	_ =	shalt  }
0x67: {  	_ =	shalt  }
0x68: {  	_ =	shalt  }
0x69: {  	_ =	shalt  }
0x6a: {  	_ =	shalt  }
0x6b: {  	_ =	shalt  }
0x6c: {  	_ =	shalt  }
0x6d: {  	_ =	shalt  }
0x6e: {  	_ =	shalt  }
0x6f: {  	_ =	shalt  }
0x70: {  	_ =	shalt  }
0x71: {  	_ =	shalt  }
0x72: {  	_ =	shalt  }
0x73: {  	_ =	shalt  }
0x74: {  	_ =	shalt  }
0x75: {  	_ =	shalt  }
0x76: {  	_ =	shalt  }
0x77: {  	_ =	shalt  }
0x78: {  	_ =	shalt  }
0x79: {  	_ =	shalt  }
0x7a: {  	_ =	shalt  }
0x7b: {  	_ =	shalt  }
0x7c: {  	_ =	shalt  }
0x7d: {  	_ =	shalt  }
0x7e: {  	_ =	shalt  }
0x7f: {  	_ =	shalt  }
0x80: {  	_ =	shalt  }
0x81: {  	_ =	shalt  }
0x82: {  	_ =	shalt  }
0x83: {  	_ =	shalt  }
0x84: {  	_ =	shalt  }
0x85: {  	_ =	shalt  }
0x86: {  	_ =	shalt  }
0x87: {  	_ =	shalt  }
.Lfunc_end0:
.L_simem_size_0:
called_computation.1_lowered:
.L_overlay_start_0:
0x88: {  	s2 =	sld [smem:$0x3FD9]  }
0x89: {  	s3 =	sld [smem:$0x3FFE];
	_ =	sdelay $0x1  }
0x8a: {  	s1 =	srdreg.scid  }
0x8b: {  	s0 =	sand.u32 $0x1, s1  }
0x8c: {  	s17 =	sshll.u32 s0, $0xA;
	s2 =	sadd.s32 s3, s2  }
0x8d: {  	s2 =	sadd.s32 s2, s17  }
0x8e: {  	[smem:$0x3FC4] =	sst s2  }
0x8f: {  	_ = 	snop  }
0x90: {  	s18 =	sld [smem:$0x3FD0];
	(tm) =	ssettm $0x1  }
0x91: {  	s19 =	sld [smem:$0x3FFB];
	_ =	sdelay $0x3  }
0x92: {  	_ =	strace s19  }
0x93: {  	s2 =	sld [smem:$0x3FFC];
	_ =	sdelay $0x3  }
0x94: {  	_ =	strace s2  }
0x95: {  	s2 =	sld [smem:$0x3FFD];
	_ =	sdelay $0x3  }
0x96: {  	_ =	strace s2  }
0x97: {  	_ =	strace $0x8FFFFFFF  }
0x98: {  	s20 =	sld [smem:$0x3FDB];
	_ =	sdelay $0x1  }
0x99: {  	s4 =	simm.s32 $_scs_section_size  }
0x9a: {  	s5 =	simm.s32 $_size__tile_overlayer_lowered;
	s6 =	simm.s32 $_tile_overlayer_lowered  }
0x9b: {  	s7 =	simm.s32 $0x1BFF;
	s21 =	sshll.u32 s6, $0x1;
	s4 =	sadd.s32 s4, s20  }
0x9c: {  	s22 =	simm.s32 $0x0;
	s5 =	sshll.u32 s5, $0x1;
	s6 =	sadd.s32 s21, s4  }
0x9d: {  	[timem:s22], [sflag:s7] =	dma.local [hbm:s6], s5  }
0x9e: {  	_ =	swait.ge [sflag:s7], s5  }
0x9f: {  	s5 =	ssub.s32 $0x0, s5;
	[sflag:s7] =	ssyncset.done $0x0  }
0xa0: {  	[sflag:s7] =	ssyncadd.s32 s5;
	_ =	sdelay $0x1  }
0xa1: {  	s23 =	simm.s32 $0x1B8B  }
0xa2: {  	_ =	swait.ge [sflag:s23], $0x1  }
0xa3: {  	[sflag:s23] =	ssyncset.done $0x0  }
0xa4: {  	[sflag:s23] =	ssyncadd.s32 $0xFFFFFFFF  }
0xa5: {  	s5 =	sld [smem:$0x0]  }
0xa6: {  	s6 =	sand.u32 $0xFFFFFFFE, s1  }
0xa7: {  	p0 =	sne.s32 s1, s6  }
0xa8: {  	s6 =	sshll.u32 @p0 s6, $0xE  }
0xa9: {  	s6 =	sadd.s32 @p0 $0x11B8D, s6;
	s7 =	sshll.u32 @p0 s5, $0x11  }
0xaa: {  	s6 =	sor.u32 @p0 s7, s6  }
0xab: {  	[sflag:s6] =	ssyncadd.remote.s32 @p0 $0x1;
	_ =	sdelay $0x1  }
0xac: {  	s6 =	simm.s32 @p0 $0x1B8D  }
0xad: {  	_ =	swait.eq @p0 [sflag:s6], $0x1  }
0xae: {  	[sflag:s6] =	ssyncadd.s32 @p0 $0xFFFFFFFF  }
0xaf: {  	s7 =	sshll.u32 @!p0 s1, $0xE  }
0xb0: {  	s7 =	sor.u32 @!p0 $0x4000, s7;
	s6 =	simm.s32 @!p0 $0x1B8D  }
0xb1: {  	s5 =	sshll.u32 @!p0 s5, $0x11;
	s7 =	sadd.s32 @!p0 $0x11B8D, s7;
	_ =	swait.eq @!p0 [sflag:s6], $0x1  }
0xb2: {  	s5 =	sor.u32 @!p0 s5, s7;
	[sflag:s6] =	ssyncadd.s32 @!p0 $0xFFFFFFFF  }
0xb3: {  	s25 =	simm.s32 $0x1B8E;
	s24 =	sld [smem:$0x3FFE];
	[sflag:s5] =	ssyncadd.remote.s32 @!p0 $0x1  }
0xb4: {  	s26 =	simm.s32 $execute0_lowered;
	[smem:$0x3FD2] =	sst s25  }
0xb5: {  	s6 =	sshll.u32 s26, $0x1;
	_ =	strace $0x80000049;
	[dreg:$0x1] =	wrdreg $0xFFFFFFFF  }
0xb6: {  	s28 =	simm.s32 $_size_execute0_lowered;
	s4 =	sadd.s32 s4, s6;
	[dreg:$0x0] =	wrdreg $0x0  }
0xb7: {  	s6 =	sshll.u32 s28, $0x1;
	[dreg:$0x2] =	wrdreg s4  }
0xb8: {  	[dreg:$0x3] =	wrdreg s6  }
0xb9: {  	[dreg:$0x4] =	wrdreg $0xC0  }
0xba: {  	_ =	task [dreg:s22], $0x5FFFF  }
0xbb: {  	[dreg:$0x1] =	wrdreg $0xFFFFFFFF  }
0xbc: {  	[dreg:$0x0] =	wrdreg $0x60  }
0xbd: {  	[dreg:$0x2] =	wrdreg s24  }
0xbe: {  	[dreg:$0x3] =	wrdreg s18  }
0xbf: {  	[dreg:$0x4] =	wrdreg $0xA  }
0xc0: {  	_ =	task.clear_ibuf [dreg:s22], $0x5FFFF;
	_ =	strace $0x90000049  }
0xc1: {  	s29 =	simm.s32 $0xA;
	_ =	strace $0x8000004B  }
0xc2: {  	_ =	swait.ge [sflag:s29], $0x1  }
0xc3: {  	[sflag:s29] =	ssyncadd.s32 $0xFFFFFFFF  }
0xc4: {  	_ =	strace $0x9000004B  }
0xc5: {  	_ =	sfence  }
0xc6: {  	s30 =	sld [smem:$0x0];
	_ =	sdelay $0x2  }
0xc7: {  	s31 =	sshll.u32 s1, $0xD;
	s1 =	sshrl.u32 s1, $0x2  }
0xc8: {  	s4 =	sand.u32 $0x4000, s31;
	s1 =	sadd.s32 s1, s30  }
0xc9: {  	s0 =	sor.u32 s4, s0;
	s1 =	sshll.u32 s1, $0x11  }
0xca: {  	s0 =	sor.u32 s1, s0  }
0xcb: {  	s0 =	sadd.s32 $0x8F2B, s0  }
0xcc: {  	[sflag:s0] =	ssyncadd.remote.s32 $0x1  }
0xcd: {  	_ =	sfence.sel $0xFFFF  }
0xce: {  	[dreg:$0x0] =	wrdreg $0xFFFFFFFF;
	(pc) =	sbr.abs _section_cstart, $3  }
0xcf: {  	[dreg:$0x1] =	wrdreg $0xFFFFFFFF  }
0xd0: {  	_ =	task.clear_ibuf [dreg:s22], $0x2FFFF;
	_ =	strace $0x9FFFFFFF  }
0xd1: {  	(tm) =	ssettm $0x7FFFFFFF  }
tec
execute0_lowered:
.L_overlay_start_1:
0x0: {  	(tag) =	ssettag $0x1  }
0x1: {  	s0 =	rddreg [dreg:$0x0]  }
0x2: {  	s1 =	srdreg.scid;
	s2 =	stileid.u32  }
0x3: {  	s8 =	rddreg [dreg:$0x1];
	s11 =	simm.s32 $0x7;
	s12 =	simm.s32 $0x30  }
0x4: {  	s14 =	simm.s32 $0x1900;
	s15 =	simm.s32 $0x80;
	s16 =	simm.s32 $0x3  }
0x5: {  	s17 =	simm.s32 $0x2;
	s18 =	simm.s32 $0x3100;
	s19 =	simm.s32 $0xB0  }
0x6: {  	s20 =	simm.s32 $0x4900;
	s21 =	simm.s32 $0x6100;
	s22 =	simm.s32 $0x4  }
0x7: {  	s23 =	simm.s32 $0x6900;
	s24 =	simm.s32 $0x5;
	s25 =	simm.s32 $0x6  }
0x8: {  	s26 =	simm.s32 $0x0;
	s1 =	sand.u32 $0x1, s1;
	s3 =	sshll.u32 s2, $0x1  }
0x9: {  	s2 =	simm.s32 $0x0;
	s4 =	sadd.s32 $0xF91400, s0;
	s5 =	sor.u32 s1, s3  }
0xa: {  	[smem:$0x7FF] =	sst s2;
	s1 =	ssub.s32 $0x2, s1;
	s9 =	smul.u32 $0xC00, s5  }
0xb: {  	s3 =	sadd.s32 $0x1426400, s0;
	_ =	strace $0x8000004A;
	s30 =	sshrl.u32 s1, $0x1  }
0xc: {  	s31 =	sshll.u32 s5, $0xD;
	s0 =	ssub.s32 s1, s30;
	s6 =	sshrl.u32 s9, $0x3  }
0xd: {  	s8 =	sadd.s32 s8, s31;
	s7 =	sor.u32 $0xC0, s9;
	s5 =	sadd.s32 s3, s6  }
0xe: {  	s9 =	sor.u32 $0x120, s9;
	s10 =	smax.u32 s0, $0x1;
	s6 =	sadd.s32 $0xC, s5  }
.LBB2_1:
0xf: {  	[tilespmem:s2], [sflag:$0x7] =	stream.linear.gather [hbm4b:s5+s2], $0x60, $0x38;
	[tilespmem:$0x7100] =	vst v63  }
0x10: {  	_ =	swait.ge [sflag:s11], $0x60  }
0x11: {  	[sflag:s11] =	ssyncset.done $0x0  }
0x12: {  	s0 =	simm.s32 $0x100;
	[sflag:s11] =	ssyncadd.s32 $0xFFFFFFA0  }
0x13: {  	[tilespmem:s0], [sflag:$0x3] =	stream.indirect.gather [hbm4b:s4+s12], $0x80, s2, s12, $0xb8;
	[tilespmem:$0x7100] =	vst v63  }
0x14: {  	_ = 	snop  }
0x15: {  	[tilespmem:s14], [sflag:$0x3] =	stream.indirect.gather [hbm4b:s4+s12], $0x80, s12, s12, $0xb8;
	[tilespmem:$0x7100] =	vst v63  }
0x16: {  	s28 =	simm.s32 $0x0  }
0x17: {  	[tilespmem:s15], [sflag:$0x2] =	stream.linear.gather [hbm4b:s6+s2], $0x60, $0x38;
	[tilespmem:$0x7100] =	vst v63  }
.LBB2_2:
0x18: {  	_ =	swait.ge [sflag:s16], $0x1800  }
0x19: {  	[sflag:s16] =	ssyncset.done $0x0  }
0x1a: {  	[sflag:s16] =	ssyncadd.s32 $0xFFFFE800  }
0x1b: {  	_ =	swait.ge [sflag:s16], $0x1800  }
0x1c: {  	[sflag:s16] =	ssyncset.done $0x0  }
0x1d: {  	[sflag:s16] =	ssyncadd.s32 $0xFFFFE800  }
0x1e: {  	p0 =	seq.s32 s28, $0xF;
	_ =	swait.ge [sflag:s17], $0x60  }
0x1f: {  	p1 =	seq.s32 @!p0 s28, $0x0;
	[sflag:s17] =	ssyncset.done $0x0  }
0x20: {  	s30 =	smul.u32 @!p0 $0xC0, s28;
	p1 =	por p0, !p1;
	[sflag:s17] =	ssyncadd.s32 $0xFFFFFFA0  }
0x21: {  	[tilespmem:s18], [sflag:$0x4] =	stream.indirect.gather [hbm4b:s4+s12], $0x80, s15, s12, $0xb8;
	[tilespmem:$0x7100] =	vst v63  }
.Ltmp0:
0x22: {  	s0 =	sadd.s32 @!p0 s30, s7;
	(pc) =	sbr.rel @!p1 .LBB2_3-.Ltmp0, $4  }
0x23: {  	s0 =	sshrl.u32 @!p0 s0, $0x3  }
0x24: {  	[tilespmem:s20], [sflag:$0x4] =	stream.indirect.gather [hbm4b:s4+s12], $0x80, s19, s12, $0xb8;
	[tilespmem:$0x7100] =	vst v63  }
0x25: {  	s1 =	simm.s32 @!p0 $0x0;
	s0 =	sadd.s32 @!p0 s3, s0  }
0x26: {  	[tilespmem:s1], [sflag:$0x1] =	stream.linear.gather @!p0 [hbm4b:s0+s1], $0x60, $0x38;
	[tilespmem:$0x7100] =	vst v63  }
.Ltmp1:
0x27: {  	(pc) =	sbr.rel .LBB2_5-.Ltmp1, $4  }
0x28: {  	_ = 	snop  }
0x29: {  	_ =	swait.ge [sflag:s24], $0x800  }
0x2a: {  	[sflag:s24] =	ssyncset.done $0x0  }
0x2b: {  	p1 =	por $0x0, $0x0;
	[sflag:s24] =	ssyncadd.s32 $0xFFFFF800  }
.LBB2_3:
0x2c: {  	p1 =	por @!p0 $0x1, $0x1  }
.LBB2_5:
0x2d: {  	s31 =	simm.s32 $0x2B0  }
0x2e: {  	v0 =	vld [tilespmem:s31+$0x0]  }
0x2f: {  	v1 =	vld [tilespmem:s31+$0xFFFFFF50]  }
0x30: {  	v2 =	vld [tilespmem:s31+$0xFFFFFF70]  }
0x31: {  	v3 =	vld [tilespmem:s31+$0xFFFFFED0]  }
0x32: {  	v4 =	vld [tilespmem:s31+$0xFFFFFEF0]  }
0x33: {  	v5 =	vld [tilespmem:s31+$0xFFFFFE50]  }
0x34: {  	v6 =	vld [tilespmem:s31+$0xFFFFFE70]  }
0x35: {  	v7 =	vld [tilespmem:s31+$0xFFFFFE60]  }
0x36: {  	v8 =	vld [tilespmem:s31+$0x20]  }
0x37: {  	v9 =	vld [tilespmem:s31+$0xFFFFFEE0]  }
0x38: {  	v10 =	vld [tilespmem:s31+$0xA0];
	v5 =	vadd.f32 $0.0e+00, v5  }
0x39: {  	v11 =	vld [tilespmem:s31+$0xFFFFFF60];
	v6 =	vadd.f32 $0.0e+00, v6  }
0x3a: {  	v59 =	vld [tilespmem:s31+$0x80];
	v3 =	vadd.f32 v3, v5  }
0x3b: {  	v60 =	vld [tilespmem:s31+$0x10];
	v7 =	vadd.f32 $0.0e+00, v7;
	v4 =	vadd.f32 v4, v6  }
0x3c: {  	v61 =	vld [tilespmem:s31+$0x90];
	v1 =	vadd.f32 v1, v3  }
0x3d: {  	v7 =	vadd.f32 v9, v7;
	v3 =	vld [tilespmem:s31+$0x100];
	v2 =	vadd.f32 v2, v4  }
0x3e: {  	v0 =	vadd.f32 v0, v1;
	v1 =	vld [tilespmem:s31+$0x120]  }
0x3f: {  	v7 =	vadd.f32 v11, v7;
	v2 =	vadd.f32 v8, v2  }
0x40: {  	v62 =	vld [tilespmem:s31+$0x110];
	v0 =	vadd.f32 v59, v0  }
0x41: {  	v63 =	vadd.f32 v60, v7;
	v2 =	vadd.f32 v10, v2  }
0x42: {  	v0 =	vadd.f32 v3, v0  }
0x43: {  	s13 =	simm.s32 $0x0;
	v3 =	vadd.f32 v61, v63;
	v1 =	vadd.f32 v1, v2  }
0x44: {  	s1 =	sshll.u32 s28, $0x9;
	[tilespmem:s13+$0x6100] =	vst v0  }
0x45: {  	s0 =	simm.s32 $0x200;
	s29 =	sor.u32 $0x100, s1;
	v0 =	vadd.f32 v62, v3;
	[tilespmem:s13+$0x6120] =	vst v1  }
.LBB2_6:
0x46: {  	p2 =	sne.s32 s0, $0x1E00  }
0x47: {  	[tilespmem:s13+$0x6110] =	vst v0;
	s31 =	sadd.s32 $0x300, s31;
	s13 =	smov.u32 s0;
	s0 =	sadd.s32 $0x200, s0  }
0x48: {  	v0 =	vld [tilespmem:s31+$0x0]  }
0x49: {  	v1 =	vld [tilespmem:s31+$0xFFFFFF50]  }
0x4a: {  	v2 =	vld [tilespmem:s31+$0xFFFFFF70]  }
0x4b: {  	v3 =	vld [tilespmem:s31+$0xFFFFFED0]  }
0x4c: {  	v4 =	vld [tilespmem:s31+$0xFFFFFEF0]  }
0x4d: {  	v5 =	vld [tilespmem:s31+$0xFFFFFE50]  }
0x4e: {  	v6 =	vld [tilespmem:s31+$0xFFFFFE70]  }
0x4f: {  	v7 =	vld [tilespmem:s31+$0xFFFFFE60]  }
0x50: {  	v8 =	vld [tilespmem:s31+$0x20]  }
0x51: {  	v9 =	vld [tilespmem:s31+$0xFFFFFEE0]  }
0x52: {  	v5 =	vadd.f32 $0.0e+00, v5;
	v10 =	vld [tilespmem:s31+$0xA0]  }
0x53: {  	v6 =	vadd.f32 $0.0e+00, v6;
	v11 =	vld [tilespmem:s31+$0xFFFFFF60]  }
0x54: {  	v7 =	vadd.f32 $0.0e+00, v7;
	v3 =	vadd.f32 v3, v5;
	v5 =	vld [tilespmem:s31+$0x80]  }
0x55: {  	v4 =	vadd.f32 v4, v6;
	v6 =	vld [tilespmem:s31+$0x10]  }
0x56: {  	v7 =	vadd.f32 v9, v7;
	v1 =	vadd.f32 v1, v3;
	v3 =	vld [tilespmem:s31+$0x100]  }
0x57: {  	v2 =	vadd.f32 v2, v4;
	v4 =	vld [tilespmem:s31+$0x90]  }
0x58: {  	v7 =	vadd.f32 v11, v7;
	v0 =	vadd.f32 v0, v1;
	v1 =	vld [tilespmem:s31+$0x120]  }
0x59: {  	v2 =	vadd.f32 v8, v2;
	v8 =	vld [tilespmem:s31+$0x110]  }
0x5a: {  	v6 =	vadd.f32 v6, v7;
	v0 =	vadd.f32 v5, v0  }
.Ltmp2:
0x5b: {  	v2 =	vadd.f32 v10, v2;
	(pc) =	sbr.rel @p2 .LBB2_6-.Ltmp2, $4  }
0x5c: {  	v4 =	vadd.f32 v4, v6;
	v3 =	vadd.f32 v3, v0  }
0x5d: {  	s13 =	sshra.s32 s13, $0x2;
	v1 =	vadd.f32 v1, v2  }
0x5e: {  	v0 =	vadd.f32 v8, v4;
	[tilespmem:s13+$0x6100] =	vst v3  }
0x5f: {  	[tilespmem:s13+$0x6120] =	vst v1  }
0x60: {  	[tilespmem:s13+$0x6110] =	vst v0;
	s0 =	sadd.s32 s1, s8  }
0x61: {  	[hbm4b:s0+s2] =	stream.linear.scatter [tilespmem:s21], [sflag:$0x5], $0x800, $0x38;
	[tilespmem:$0x7100] =	vst v63  }
0x62: {  	_ =	swait.ge [sflag:s22], $0x1800  }
0x63: {  	[sflag:s22] =	ssyncset.done $0x0  }
0x64: {  	[sflag:s22] =	ssyncadd.s32 $0xFFFFE800  }
0x65: {  	_ =	swait.ge [sflag:s22], $0x1800  }
0x66: {  	[sflag:s22] =	ssyncset.done $0x0  }
0x67: {  	s0 =	simm.s32 @!p0 $0x1;
	[sflag:s22] =	ssyncadd.s32 $0xFFFFE800  }
0x68: {  	_ =	swait.ge @!p0 [sflag:s0], $0x60  }
0x69: {  	s1 =	simm.s32 @!p0 $0x0;
	[sflag:s0] =	ssyncset.done @!p0 $0x0  }
0x6a: {  	s13 =	simm.s32 @!p0 $0x100;
	[sflag:s0] =	ssyncadd.s32 @!p0 $0xFFFFFFA0;
	s0 =	simm.s32 @!p0 $0x30  }
0x6b: {  	[tilespmem:s13], [sflag:$0x3] =	stream.indirect.gather @!p0 [hbm4b:s4+s0], $0x80, s1, s0, $0xb8;
	[tilespmem:$0x7100] =	vst v63  }
0x6c: {  	s13 =	simm.s32 @!p0 $0x1900  }
0x6d: {  	[tilespmem:s13], [sflag:$0x3] =	stream.indirect.gather @!p0 [hbm4b:s4+s0], $0x80, s0, s0, $0xb8;
	[tilespmem:$0x7100] =	vst v63  }
0x6e: {  	s0 =	sadd.s32 @!p0 s30, s9  }
0x6f: {  	s0 =	sshrl.u32 @!p0 s0, $0x3  }
0x70: {  	s13 =	simm.s32 @!p0 $0x80;
	s0 =	sadd.s32 @!p0 s3, s0  }
0x71: {  	[tilespmem:s13], [sflag:$0x2] =	stream.linear.gather @!p0 [hbm4b:s0+s1], $0x60, $0x38;
	[tilespmem:$0x7100] =	vst v63  }
0x72: {  	p0 =	por p0, !p1  }
0x73: {  	_ =	swait.ge @p0 [sflag:s25], $0x800  }
0x74: {  	[sflag:s25] =	ssyncset.done @p0 $0x0  }
0x75: {  	s30 =	simm.s32 $0x32B0;
	[sflag:s25] =	ssyncadd.s32 @p0 $0xFFFFF800  }
0x76: {  	v0 =	vld [tilespmem:s30+$0x0]  }
0x77: {  	v1 =	vld [tilespmem:s30+$0xFFFFFF50]  }
0x78: {  	v2 =	vld [tilespmem:s30+$0xFFFFFF70]  }
0x79: {  	v3 =	vld [tilespmem:s30+$0xFFFFFED0]  }
0x7a: {  	v4 =	vld [tilespmem:s30+$0xFFFFFEF0]  }
0x7b: {  	v5 =	vld [tilespmem:s30+$0xFFFFFE50]  }
0x7c: {  	v6 =	vld [tilespmem:s30+$0xFFFFFE70]  }
0x7d: {  	v7 =	vld [tilespmem:s30+$0xFFFFFE60]  }
0x7e: {  	v8 =	vld [tilespmem:s30+$0x20]  }
0x7f: {  	v9 =	vld [tilespmem:s30+$0xFFFFFEE0]  }
0x80: {  	v10 =	vld [tilespmem:s30+$0xA0];
	v5 =	vadd.f32 $0.0e+00, v5  }
0x81: {  	v11 =	vld [tilespmem:s30+$0xFFFFFF60];
	v6 =	vadd.f32 $0.0e+00, v6  }
0x82: {  	v59 =	vld [tilespmem:s30+$0x80];
	v3 =	vadd.f32 v3, v5  }
0x83: {  	v60 =	vld [tilespmem:s30+$0x10];
	v7 =	vadd.f32 $0.0e+00, v7;
	v4 =	vadd.f32 v4, v6  }
0x84: {  	v61 =	vld [tilespmem:s30+$0x90];
	v1 =	vadd.f32 v1, v3  }
0x85: {  	v7 =	vadd.f32 v9, v7;
	v3 =	vld [tilespmem:s30+$0x100];
	v2 =	vadd.f32 v2, v4  }
0x86: {  	v0 =	vadd.f32 v0, v1;
	v1 =	vld [tilespmem:s30+$0x120]  }
0x87: {  	v7 =	vadd.f32 v11, v7;
	v2 =	vadd.f32 v8, v2  }
0x88: {  	v62 =	vld [tilespmem:s30+$0x110];
	v0 =	vadd.f32 v59, v0  }
0x89: {  	v63 =	vadd.f32 v60, v7;
	v2 =	vadd.f32 v10, v2  }
0x8a: {  	v0 =	vadd.f32 v3, v0  }
0x8b: {  	s1 =	simm.s32 $0x0;
	v3 =	vadd.f32 v61, v63;
	v1 =	vadd.f32 v1, v2  }
0x8c: {  	[tilespmem:s1+$0x6900] =	vst v0  }
0x8d: {  	s0 =	simm.s32 $0x200;
	v0 =	vadd.f32 v62, v3;
	[tilespmem:s1+$0x6920] =	vst v1  }
.LBB2_8:
0x8e: {  	p0 =	sne.s32 s0, $0x1E00  }
0x8f: {  	[tilespmem:s1+$0x6910] =	vst v0;
	s30 =	sadd.s32 $0x300, s30;
	s1 =	smov.u32 s0;
	s0 =	sadd.s32 $0x200, s0  }
0x90: {  	v0 =	vld [tilespmem:s30+$0x0]  }
0x91: {  	v1 =	vld [tilespmem:s30+$0xFFFFFF50]  }
0x92: {  	v2 =	vld [tilespmem:s30+$0xFFFFFF70]  }
0x93: {  	v3 =	vld [tilespmem:s30+$0xFFFFFED0]  }
0x94: {  	v4 =	vld [tilespmem:s30+$0xFFFFFEF0]  }
0x95: {  	v5 =	vld [tilespmem:s30+$0xFFFFFE50]  }
0x96: {  	v6 =	vld [tilespmem:s30+$0xFFFFFE70]  }
0x97: {  	v7 =	vld [tilespmem:s30+$0xFFFFFE60]  }
0x98: {  	v8 =	vld [tilespmem:s30+$0x20]  }
0x99: {  	v9 =	vld [tilespmem:s30+$0xFFFFFEE0]  }
0x9a: {  	v5 =	vadd.f32 $0.0e+00, v5;
	v10 =	vld [tilespmem:s30+$0xA0]  }
0x9b: {  	v6 =	vadd.f32 $0.0e+00, v6;
	v11 =	vld [tilespmem:s30+$0xFFFFFF60]  }
0x9c: {  	v7 =	vadd.f32 $0.0e+00, v7;
	v3 =	vadd.f32 v3, v5;
	v5 =	vld [tilespmem:s30+$0x80]  }
0x9d: {  	v4 =	vadd.f32 v4, v6;
	v6 =	vld [tilespmem:s30+$0x10]  }
0x9e: {  	v7 =	vadd.f32 v9, v7;
	v1 =	vadd.f32 v1, v3;
	v3 =	vld [tilespmem:s30+$0x100]  }
0x9f: {  	v2 =	vadd.f32 v2, v4;
	v4 =	vld [tilespmem:s30+$0x90]  }
0xa0: {  	v7 =	vadd.f32 v11, v7;
	v0 =	vadd.f32 v0, v1;
	v1 =	vld [tilespmem:s30+$0x120]  }
0xa1: {  	v2 =	vadd.f32 v8, v2;
	v8 =	vld [tilespmem:s30+$0x110]  }
0xa2: {  	v6 =	vadd.f32 v6, v7;
	v0 =	vadd.f32 v5, v0  }
.Ltmp3:
0xa3: {  	v2 =	vadd.f32 v10, v2;
	(pc) =	sbr.rel @p0 .LBB2_8-.Ltmp3, $4  }
0xa4: {  	v4 =	vadd.f32 v4, v6;
	v3 =	vadd.f32 v3, v0  }
0xa5: {  	s1 =	sshra.s32 s1, $0x2;
	v1 =	vadd.f32 v1, v2  }
0xa6: {  	v0 =	vadd.f32 v8, v4;
	[tilespmem:s1+$0x6900] =	vst v3  }
0xa7: {  	[tilespmem:s1+$0x6920] =	vst v1  }
0xa8: {  	s28 =	sadd.s32 $0x1, s28  }
0xa9: {  	p0 =	sne.s32 s28, $0x10  }
.Ltmp4:
0xaa: {  	_ = 	snop;
	(pc) =	sbr.rel @p0 .LBB2_2-.Ltmp4, $3  }
0xab: {  	_ =	sdelay $0x1  }
0xac: {  	[tilespmem:s1+$0x6910] =	vst v0;
	s0 =	sadd.s32 s29, s8  }
0xad: {  	[hbm4b:s0+s2] =	stream.linear.scatter [tilespmem:s23], [sflag:$0x6], $0x800, $0x38;
	[tilespmem:$0x7100] =	vst v63  }
0xae: {  	s26 =	sadd.s32 $0x1, s26  }
0xaf: {  	_ =	swait.ge [sflag:s24], $0x800;
	p0 =	sne.s32 s26, s10  }
.Ltmp5:
0xb0: {  	[sflag:s24] =	ssyncset.done $0x0;
	(pc) =	sbr.rel @p0 .LBB2_1-.Ltmp5, $4  }
0xb1: {  	[sflag:s24] =	ssyncadd.s32 $0xFFFFF800  }
0xb2: {  	_ =	swait.ge [sflag:s25], $0x800  }
0xb3: {  	[sflag:s25] =	ssyncset.done $0x0  }
0xb4: {  	[sflag:s25] =	ssyncadd.s32 $0xFFFFF800  }
0xb5: {  	_ =	sfence.sel $0x180000  }
0xb6: {  	[bflag:$0x0] =	sbarrier.arrive $0xFFFF  }
0xb7: {  	_ =	strace $0x9000004A  }
0xb8: {  	s0 =	stileid.u32;
	[bflag:$0x2] =	sbarrier.arrive $0xFFFF  }
0xb9: {  	p0 =	sne.s32 s0, $0x0;
	s0 =	rddreg [dreg:$0x2]  }
0xba: {  	s0 =	sadd.s32 @!p0 $0x100000, s0  }
0xbb: {  	[sflag:s0] =	ssyncadd.tile.s32 @!p0 $0x1;
	_ =	shalt  }
.Lfunc_end2:
_tile_overlayer_lowered:
.L_overlay_start_2:
0xbc: {  	(tag) =	ssettag $0x2  }
0xbd: {  	s0 =	rddreg [dreg:$0x0];
	s2 =	stileid.u32  }
0xbe: {  	s1 =	rddreg [dreg:$0x1];
	p0 =	sne.s32 s2, $0x0  }
0xbf: {  	s3 =	rddreg [dreg:$0x2];
	[bflag:$0x3] =	sbarrier.arrive $0xFFFF;
	s2 =	simm.s32 @!p0 $0x1C07  }
0xc0: {  	[timem:s3], [sflag:s2] =	dma.local @!p0 [hbm:s0], s1  }
0xc1: {  	s0 =	simm.s32 @!p0 $0x7  }
0xc2: {  	_ =	swait.ge @!p0 [sflag:s0], s1  }
0xc3: {  	s1 =	ssub.s32 @!p0 $0x0, s1;
	[sflag:s0] =	ssyncset.done @!p0 $0x0  }
0xc4: {  	[sflag:s0] =	ssyncadd.s32 @!p0 s1  }
0xc5: {  	[bflag:$0x3] =	sbarrier.arrive $0xFFFF  }
0xc6: {  	_ =	shalt  }

// kernel: kernel.7.cloned.1.call-start
scs
__scs_entry_jumppad:
0x0: {  	(pc) =	sbr.rel $0x88, $3  }
0x1: {  	(tag) =	ssettag $0x0;
	lr =	simm.s32 $0x1  }
0x2: {  	[smem:$0x3F9D] =	sst lr;
	_ =	strace $0xD0000000  }
0x3: {  	_ = 	snop  }
0x4: {  	_ = 	snop  }
0x5: {  	_ = 	snop  }
0x6: {  	_ = 	snop  }
0x7: {  	_ = 	snop  }
__scs_overlays_trampoline_lowered:
0x8: {  	[smem:$0x3FAC] =	sst s0  }
0x9: {  	[smem:$0x3FAD] =	sst s1  }
0xa: {  	[smem:$0x3FAE] =	sst s2  }
0xb: {  	[smem:$0x3FAF] =	sst s3  }
0xc: {  	[smem:$0x3FB0] =	sst s4  }
0xd: {  	[smem:$0x3FB1] =	sst s5  }
0xe: {  	[smem:$0x3FB2] =	sst s6  }
0xf: {  	[smem:$0x3FB3] =	sst s7  }
0x10: {  	[smem:$0x3FB4] =	sst s8  }
0x11: {  	[smem:$0x3FB5] =	sst s9;
	s0 =	simm.s32 @!p0 $0x0  }
0x12: {  	s1 =	sld [smem:$0x3F9B];
	s0 =	simm.s32 @p0 $0x1  }
0x13: {  	[smem:$0x3FB6] =	sst s0;
	s0 =	simm.s32 @!p1 $0x0  }
0x14: {  	s2 =	sld [smem:$0x3F9A];
	s0 =	simm.s32 @p1 $0x1  }
0x15: {  	[smem:$0x3FB7] =	sst s0;
	s0 =	simm.s32 @!p2 $0x0  }
0x16: {  	s3 =	sld [smem:$0x3FDB];
	s0 =	simm.s32 @p2 $0x1  }
0x17: {  	s4 =	simm.s32 $0x1BF5;
	[smem:$0x3FB9] =	sst s0  }
0x18: {  	s0 =	sld [smem:$0x3F9C];
	_ =	swait.ge [sflag:s4], $0x0  }
0x19: {  	s7 =	sld [smem:$0x3F9D]  }
0x1a: {  	s8 =	sadd.s32 $0xFFFFE003, lr  }
0x1b: {  	s9 =	sadd.s32 $0xFFFFFEF7, lr;
	s5 =	simm.s32 $0xFFFFFFFF;
	p2 =	slt.u32 s8, $0xFFFFF086  }
0x1c: {  	p1 =	slt.u32 s9, $0xF7A;
	s5 =	simm.s32 @!p2 $0x0  }
0x1d: {  	s5 =	simm.s32 @p1 $0x1;
	p0 =	seq.s32 s7, s2  }
0x1e: {  	s7 =	smul.u32 @!p0 $0xF7A, s2;
	p2 =	seq.s32 @!p0 s5, $0x0  }
0x1f: {  	s9 =	smul.u32 $0xF7A, s1;
	s8 =	simm.s32 @!p0 $0x1BF5;
	p2 =	por !p2, p0  }
0x20: {  	[sflag:s8] =	ssyncset.s32 @!p0 $0xFFFFF086;
	s6 =	sadd.s32 @!p0 s3, s7;
	s7 =	simm.s32 @!p0 $0x108  }
0x21: {  	s3 =	sadd.s32 s3, s9;
	s6 =	sadd.s32 @!p0 $0x88, s6;
	s7 =	simm.s32 @p2 $0x1082  }
0x22: {  	[simem:s7], [sflag:s8] =	dma.local @!p0 [hbm:s6], $0xF7A  }
0x23: {  	s9 =	sor.u32 $0xD0000000, s2;
	s6 =	simm.s32 $0x108;
	_ =	swait.ge @!p0 [sflag:s8], $0x0  }
0x24: {  	s3 =	sadd.s32 $0x88, s3;
	s6 =	simm.s32 @!p1 $0x1082;
	[sflag:s4] =	ssyncset.s32 $0xFFFFF086  }
0x25: {  	[simem:s6], [sflag:s4] =	dma.local [hbm:s3], $0xF7A  }
0x26: {  	[smem:$0x3F9D] =	sst s1;
	(tag) =	ssettag s2;
	_ =	strace s9  }
0x27: {  	s1 =	sld [smem:$0x3FAD]  }
0x28: {  	s2 =	sld [smem:$0x3FAE]  }
0x29: {  	s4 =	sld [smem:$0x3FB0]  }
0x2a: {  	p0 =	seq.s32 s5, $0x0;
	s5 =	sld [smem:$0x3FB1]  }
0x2b: {  	s6 =	sld [smem:$0x3FB2]  }
0x2c: {  	s7 =	sld [smem:$0x3FB3]  }
0x2d: {  	s3 =	simm.s32 $0x108;
	s8 =	sld [smem:$0x3FB4]  }
0x2e: {  	s3 =	simm.s32 @!p0 $0x1082;
	s9 =	sld [smem:$0x3FB5]  }
0x2f: {  	lr =	sadd.s32 s0, s3;
	s0 =	sld [smem:$0x3FAC]  }
0x30: {  	s3 =	sld [smem:$0x3FAF]  }
0x31: {  	[smem:$0x3FB8] =	sst s10  }
0x32: {  	s10 =	sld [smem:$0x3FB6];
	_ =	sdelay $0x3  }
0x33: {  	p0 =	seq.s32 s10, $0x1;
	s10 =	sld [smem:$0x3FB8];
	_ =	sdelay $0x3  }
0x34: {  	[smem:$0x3FB8] =	sst s10  }
0x35: {  	s10 =	sld [smem:$0x3FB7];
	_ =	sdelay $0x3  }
0x36: {  	p1 =	seq.s32 s10, $0x1;
	s10 =	sld [smem:$0x3FB8];
	_ =	sdelay $0x3  }
0x37: {  	[smem:$0x3FB8] =	sst s10  }
0x38: {  	s10 =	sld [smem:$0x3FB9]  }
0x39: {  	_ = 	snop;
	(pc) =	sbr.ind lr, $3  }
0x3a: {  	_ = 	snop  }
0x3b: {  	_ = 	snop  }
0x3c: {  	p2 =	seq.s32 s10, $0x1;
	s10 =	sld [smem:$0x3FB8]  }
0x3d: {  	_ =	shalt  }
0x3e: {  	_ =	shalt  }
0x3f: {  	_ =	shalt  }
0x40: {  	_ =	shalt  }
0x41: {  	_ =	shalt  }
0x42: {  	_ =	shalt  }
0x43: {  	_ =	shalt  }
0x44: {  	_ =	shalt  }
0x45: {  	_ =	shalt  }
0x46: {  	_ =	shalt  }
0x47: {  	_ =	shalt  }
0x48: {  	_ =	shalt  }
0x49: {  	_ =	shalt  }
0x4a: {  	_ =	shalt  }
0x4b: {  	_ =	shalt  }
0x4c: {  	_ =	shalt  }
0x4d: {  	_ =	shalt  }
0x4e: {  	_ =	shalt  }
0x4f: {  	_ =	shalt  }
0x50: {  	_ =	shalt  }
0x51: {  	_ =	shalt  }
0x52: {  	_ =	shalt  }
0x53: {  	_ =	shalt  }
0x54: {  	_ =	shalt  }
0x55: {  	_ =	shalt  }
0x56: {  	_ =	shalt  }
0x57: {  	_ =	shalt  }
0x58: {  	_ =	shalt  }
0x59: {  	_ =	shalt  }
0x5a: {  	_ =	shalt  }
0x5b: {  	_ =	shalt  }
0x5c: {  	_ =	shalt  }
0x5d: {  	_ =	shalt  }
0x5e: {  	_ =	shalt  }
0x5f: {  	_ =	shalt  }
0x60: {  	_ =	shalt  }
0x61: {  	_ =	shalt  }
0x62: {  	_ =	shalt  }
0x63: {  	_ =	shalt  }
0x64: {  	_ =	shalt  }
0x65: {  	_ =	shalt  }
0x66: {  	_ =	shalt  }
0x67: {  	_ =	shalt  }
0x68: {  	_ =	shalt  }
0x69: {  	_ =	shalt  }
0x6a: {  	_ =	shalt  }
0x6b: {  	_ =	shalt  }
0x6c: {  	_ =	shalt  }
0x6d: {  	_ =	shalt  }
0x6e: {  	_ =	shalt  }
0x6f: {  	_ =	shalt  }
0x70: {  	_ =	shalt  }
0x71: {  	_ =	shalt  }
0x72: {  	_ =	shalt  }
0x73: {  	_ =	shalt  }
0x74: {  	_ =	shalt  }
0x75: {  	_ =	shalt  }
0x76: {  	_ =	shalt  }
0x77: {  	_ =	shalt  }
0x78: {  	_ =	shalt  }
0x79: {  	_ =	shalt  }
0x7a: {  	_ =	shalt  }
0x7b: {  	_ =	shalt  }
0x7c: {  	_ =	shalt  }
0x7d: {  	_ =	shalt  }
0x7e: {  	_ =	shalt  }
0x7f: {  	_ =	shalt  }
0x80: {  	_ =	shalt  }
0x81: {  	_ =	shalt  }
0x82: {  	_ =	shalt  }
0x83: {  	_ =	shalt  }
0x84: {  	_ =	shalt  }
0x85: {  	_ =	shalt  }
0x86: {  	_ =	shalt  }
0x87: {  	_ =	shalt  }
.Lfunc_end0:
.L_simem_size_0:
called_computation_lowered:
.L_overlay_start_0:
0x88: {  	s2 =	sld [smem:$0x3FD9]  }
0x89: {  	s3 =	sld [smem:$0x3FFE];
	_ =	sdelay $0x1  }
0x8a: {  	s1 =	srdreg.scid  }
0x8b: {  	s0 =	sand.u32 $0x1, s1  }
0x8c: {  	s16 =	sshll.u32 s0, $0xA;
	s2 =	sadd.s32 s3, s2  }
0x8d: {  	s2 =	sadd.s32 s2, s16  }
0x8e: {  	[smem:$0x3FC4] =	sst s2  }
0x8f: {  	_ = 	snop  }
0x90: {  	(tm) =	ssettm $0x1  }
0x91: {  	s17 =	sld [smem:$0x3FFB];
	_ =	sdelay $0x3  }
0x92: {  	_ =	strace s17  }
0x93: {  	s2 =	sld [smem:$0x3FFC];
	_ =	sdelay $0x3  }
0x94: {  	_ =	strace s2  }
0x95: {  	s2 =	sld [smem:$0x3FFD];
	_ =	sdelay $0x3  }
0x96: {  	_ =	strace s2  }
0x97: {  	_ =	strace $0x8FFFFFFF  }
0x98: {  	s18 =	sld [smem:$0x3FDB];
	_ =	sdelay $0x1  }
0x99: {  	s19 =	simm.s32 $_scs_section_size  }
0x9a: {  	s4 =	simm.s32 $_size__tile_overlayer_lowered;
	s5 =	simm.s32 $_tile_overlayer_lowered  }
0x9b: {  	s22 =	simm.s32 $0x1BFF;
	s21 =	sshll.u32 s5, $0x1;
	s2 =	sadd.s32 s19, s18  }
0x9c: {  	s6 =	simm.s32 $0x0;
	s20 =	sshll.u32 s4, $0x1;
	s4 =	sadd.s32 s21, s2  }
0x9d: {  	[timem:s6], [sflag:s22] =	dma.local [hbm:s4], s20  }
0x9e: {  	_ =	swait.ge [sflag:s22], s20  }
0x9f: {  	s3 =	ssub.s32 $0x0, s20;
	[sflag:s22] =	ssyncset.done $0x0  }
0xa0: {  	[sflag:s22] =	ssyncadd.s32 s3;
	_ =	sdelay $0x1  }
0xa1: {  	s23 =	simm.s32 $0x1B8B  }
0xa2: {  	_ =	swait.ge [sflag:s23], $0x1  }
0xa3: {  	[sflag:s23] =	ssyncset.done $0x0  }
0xa4: {  	s25 =	simm.s32 $0x1B8E;
	s24 =	sld [smem:$0x3FFE];
	[sflag:s23] =	ssyncadd.s32 $0xFFFFFFFF  }
0xa5: {  	s26 =	simm.s32 $execute0_lowered;
	[smem:$0x3FD2] =	sst s25  }
0xa6: {  	s4 =	sshll.u32 s26, $0x1;
	_ =	strace $0x80000046;
	[dreg:$0x1] =	wrdreg $0xFFFFFFFF  }
0xa7: {  	s28 =	simm.s32 $_size_execute0_lowered;
	s2 =	sadd.s32 s2, s4;
	[dreg:$0x0] =	wrdreg $0x0  }
0xa8: {  	s4 =	sshll.u32 s28, $0x1;
	[dreg:$0x2] =	wrdreg s2  }
0xa9: {  	[dreg:$0x3] =	wrdreg s4  }
0xaa: {  	[dreg:$0x4] =	wrdreg $0xC0  }
0xab: {  	_ =	task [dreg:s6], $0x5FFFF  }
0xac: {  	[dreg:$0x1] =	wrdreg $0xFFFFFFFF  }
0xad: {  	[dreg:$0x0] =	wrdreg $0x60  }
0xae: {  	[dreg:$0x2] =	wrdreg s24  }
0xaf: {  	[dreg:$0x3] =	wrdreg $0x9  }
0xb0: {  	_ =	task.clear_ibuf [dreg:s6], $0x4FFFF;
	_ =	strace $0x90000046  }
0xb1: {  	s29 =	simm.s32 $0x9;
	_ =	strace $0x80000048  }
0xb2: {  	_ =	swait.ge [sflag:s29], $0x1  }
0xb3: {  	[sflag:s29] =	ssyncadd.s32 $0xFFFFFFFF  }
0xb4: {  	_ =	strace $0x90000048  }
0xb5: {  	_ =	sfence  }
0xb6: {  	s30 =	sld [smem:$0x0];
	_ =	sdelay $0x2  }
0xb7: {  	s31 =	sshll.u32 s1, $0xD;
	s1 =	sshrl.u32 s1, $0x2  }
0xb8: {  	s3 =	sand.u32 $0x4000, s31;
	s1 =	sadd.s32 s1, s30  }
0xb9: {  	s0 =	sor.u32 s3, s0;
	s1 =	sshll.u32 s1, $0x11  }
0xba: {  	s0 =	sor.u32 s1, s0  }
0xbb: {  	s0 =	sadd.s32 $0x8F2B, s0  }
0xbc: {  	[sflag:s0] =	ssyncadd.remote.s32 $0x1  }
0xbd: {  	_ =	sfence.sel $0xFFFF  }
0xbe: {  	[dreg:$0x0] =	wrdreg $0xFFFFFFFF;
	(pc) =	sbr.abs _section_cstart, $3  }
0xbf: {  	[dreg:$0x1] =	wrdreg $0xFFFFFFFF  }
0xc0: {  	_ =	task.clear_ibuf [dreg:s6], $0x2FFFF;
	_ =	strace $0x9FFFFFFF  }
0xc1: {  	(tm) =	ssettm $0x7FFFFFFF  }
tec
execute0_lowered:
.L_overlay_start_1:
0x0: {  	(tag) =	ssettag $0x1  }
0x1: {  	s0 =	srdreg.scid  }
0x2: {  	s2 =	stileid.u32;
	s1 =	rddreg [dreg:$0x0]  }
0x3: {  	s11 =	simm.s32 $0x7;
	s12 =	simm.s32 $0x50;
	s19 =	simm.s32 $0x180  }
0x4: {  	s20 =	simm.s32 $0x3;
	s21 =	simm.s32 $0x2;
	s22 =	simm.s32 $0xA300  }
0x5: {  	s23 =	simm.s32 $0x1D0;
	s24 =	simm.s32 $0xCB00;
	s28 =	simm.s32 $0x270  }
0x6: {  	s29 =	simm.s32 $0x11B00;
	s30 =	simm.s32 $0x14300;
	s31 =	simm.s32 $0x4  }
0x7: {  	s13 =	simm.s32 $0x6;
	s14 =	simm.s32 $0x0;
	s0 =	sand.u32 $0x1, s0  }
0x8: {  	s3 =	sshll.u32 s2, $0x1;
	s2 =	simm.s32 $0x0;
	s4 =	sadd.s32 $0xB400, s1  }
0x9: {  	s5 =	sor.u32 s0, s3;
	[smem:$0x7FF] =	sst s2;
	s3 =	sadd.s32 $0x1400, s1  }
0xa: {  	s0 =	ssub.s32 $0x2, s0;
	s6 =	smul.u32 $0x2800, s5;
	s5 =	sshll.u32 s5, $0xD  }
0xb: {  	_ =	strace $0x80000047;
	s25 =	sshrl.u32 s0, $0x1;
	s1 =	sadd.s32 s5, s1  }
0xc: {  	s0 =	ssub.s32 s0, s25;
	s25 =	simm.s32 $0x220;
	s7 =	sshrl.u32 s6, $0x3  }
0xd: {  	s8 =	sadd.s32 $0xF51400, s1;
	s9 =	sor.u32 $0x3C0, s6;
	s0 =	smax.u32 s0, $0x1  }
0xe: {  	s1 =	simm.s32 $0x14B00;
	s7 =	sadd.s32 s3, s7;
	[dreg:$0x4] =	wrdreg s0  }
0xf: {  	s0 =	simm.s32 $0x5;
	[dreg:$0x2] =	wrdreg s7;
	s26 =	sadd.s32 $0x28, s7  }
0x10: {  	s7 =	sor.u32 $0x280, s6;
	[dreg:$0x3] =	wrdreg s26;
	s26 =	simm.s32 $0xF300  }
.LBB2_1:
0x11: {  	s5 =	rddreg [dreg:$0x2]  }
0x12: {  	[tilespmem:s2], [sflag:$0x7] =	stream.linear.gather [hbm4b:s5+s2], $0x140, $0x38;
	[tilespmem:$0x15300] =	vst v63  }
0x13: {  	_ =	swait.ge [sflag:s11], $0x140  }
0x14: {  	[sflag:s11] =	ssyncset.done $0x0  }
0x15: {  	s6 =	simm.s32 $0x300;
	[sflag:s11] =	ssyncadd.s32 $0xFFFFFEC0  }
0x16: {  	[tilespmem:s6], [sflag:$0x3] =	stream.indirect.gather [hbm4b:s4+s12], $0x80, s2, s12, $0xb8;
	[tilespmem:$0x15300] =	vst v63  }
0x17: {  	s10 =	simm.s32 $0x2B00  }
0x18: {  	[tilespmem:s10], [sflag:$0x3] =	stream.indirect.gather [hbm4b:s4+s12], $0x80, s12, s12, $0xb8;
	[tilespmem:$0x15300] =	vst v63  }
0x19: {  	s15 =	simm.s32 $0xA0;
	s6 =	simm.s32 $0x5300  }
0x1a: {  	[tilespmem:s6], [sflag:$0x3] =	stream.indirect.gather [hbm4b:s4+s12], $0x80, s15, s12, $0xb8;
	[tilespmem:$0x15300] =	vst v63  }
0x1b: {  	s16 =	simm.s32 $0xF0;
	s17 =	simm.s32 $0x7B00  }
0x1c: {  	[tilespmem:s17], [sflag:$0x3] =	stream.indirect.gather [hbm4b:s4+s12], $0x80, s16, s12, $0xb8;
	[tilespmem:$0x15300] =	vst v63  }
0x1d: {  	s18 =	rddreg [dreg:$0x3];
	s15 =	simm.s32 $0x0  }
0x1e: {  	[tilespmem:s19], [sflag:$0x2] =	stream.linear.gather [hbm4b:s18+s2], $0x140, $0x38;
	[tilespmem:$0x15300] =	vst v63  }
.LBB2_2:
0x1f: {  	_ =	swait.ge [sflag:s20], $0x2800  }
0x20: {  	[sflag:s20] =	ssyncset.done $0x0  }
0x21: {  	[sflag:s20] =	ssyncadd.s32 $0xFFFFD800  }
0x22: {  	_ =	swait.ge [sflag:s20], $0x2800  }
0x23: {  	[sflag:s20] =	ssyncset.done $0x0  }
0x24: {  	[sflag:s20] =	ssyncadd.s32 $0xFFFFD800  }
0x25: {  	_ =	swait.ge [sflag:s20], $0x2800  }
0x26: {  	[sflag:s20] =	ssyncset.done $0x0  }
0x27: {  	[sflag:s20] =	ssyncadd.s32 $0xFFFFD800  }
0x28: {  	_ =	swait.ge [sflag:s20], $0x2800  }
0x29: {  	[sflag:s20] =	ssyncset.done $0x0  }
0x2a: {  	[sflag:s20] =	ssyncadd.s32 $0xFFFFD800  }
0x2b: {  	_ =	swait.ge [sflag:s21], $0x140  }
0x2c: {  	[sflag:s21] =	ssyncset.done $0x0  }
0x2d: {  	p0 =	seq.s32 s15, $0xF;
	[sflag:s21] =	ssyncadd.s32 $0xFFFFFEC0  }
0x2e: {  	[tilespmem:s22], [sflag:$0x4] =	stream.indirect.gather [hbm4b:s4+s12], $0x80, s19, s12, $0xb8;
	[tilespmem:$0x15300] =	vst v63  }
0x2f: {  	p1 =	seq.s32 @!p0 s15, $0x0  }
0x30: {  	[tilespmem:s24], [sflag:$0x4] =	stream.indirect.gather [hbm4b:s4+s12], $0x80, s23, s12, $0xb8;
	[tilespmem:$0x15300] =	vst v63  }
0x31: {  	s17 =	smul.u32 @!p0 $0x280, s15;
	p1 =	por p0, !p1  }
0x32: {  	[tilespmem:s26], [sflag:$0x4] =	stream.indirect.gather [hbm4b:s4+s12], $0x80, s25, s12, $0xb8;
	[tilespmem:$0x15300] =	vst v63  }
.Ltmp0:
0x33: {  	s5 =	sadd.s32 @!p0 s17, s7;
	(pc) =	sbr.rel @!p1 .LBB2_3-.Ltmp0, $4  }
0x34: {  	s5 =	sshrl.u32 @!p0 s5, $0x3  }
0x35: {  	[tilespmem:s29], [sflag:$0x4] =	stream.indirect.gather [hbm4b:s4+s12], $0x80, s28, s12, $0xb8;
	[tilespmem:$0x15300] =	vst v63  }
0x36: {  	s6 =	simm.s32 @!p0 $0x0;
	s5 =	sadd.s32 @!p0 s3, s5  }
0x37: {  	[tilespmem:s6], [sflag:$0x1] =	stream.linear.gather @!p0 [hbm4b:s5+s6], $0x140, $0x38;
	[tilespmem:$0x15300] =	vst v63  }
.Ltmp1:
0x38: {  	(pc) =	sbr.rel .LBB2_5-.Ltmp1, $4  }
0x39: {  	_ = 	snop  }
0x3a: {  	_ =	swait.ge [sflag:s0], $0x800  }
0x3b: {  	[sflag:s0] =	ssyncset.done $0x0  }
0x3c: {  	p1 =	por $0x0, $0x0;
	[sflag:s0] =	ssyncadd.s32 $0xFFFFF800  }
.LBB2_3:
0x3d: {  	p1 =	por @!p0 $0x1, $0x1  }
.LBB2_5:
0x3e: {  	s18 =	simm.s32 $0x830  }
0x3f: {  	v0 =	vld [tilespmem:s18+$0xA0]  }
0x40: {  	v1 =	vld [tilespmem:s18+$0xFFFFFF70]  }
0x41: {  	v2 =	vld [tilespmem:s18+$0xFFFFFED0]  }
0x42: {  	v3 =	vld [tilespmem:s18+$0xFFFFFEF0]  }
0x43: {  	v4 =	vld [tilespmem:s18+$0xFFFFFE50]  }
0x44: {  	v5 =	vld [tilespmem:s18+$0xFFFFFE70]  }
0x45: {  	v6 =	vld [tilespmem:s18+$0xFFFFFDD0]  }
0x46: {  	v7 =	vld [tilespmem:s18+$0xFFFFFDF0]  }
0x47: {  	v8 =	vld [tilespmem:s18+$0xFFFFFD50]  }
0x48: {  	v9 =	vld [tilespmem:s18+$0xFFFFFD70]  }
0x49: {  	v10 =	vld [tilespmem:s18+$0xFFFFFCD0]  }
0x4a: {  	v11 =	vld [tilespmem:s18+$0xFFFFFCF0]  }
0x4b: {  	v12 =	vld [tilespmem:s18+$0xFFFFFC50]  }
0x4c: {  	v13 =	vld [tilespmem:s18+$0xFFFFFC70]  }
0x4d: {  	v14 =	vld [tilespmem:s18+$0xFFFFFBD0]  }
0x4e: {  	v15 =	vld [tilespmem:s18+$0xFFFFFBF0]  }
0x4f: {  	v16 =	vld [tilespmem:s18+$0xFFFFFB50]  }
0x50: {  	v17 =	vld [tilespmem:s18+$0xFFFFFB70]  }
0x51: {  	v18 =	vld [tilespmem:s18+$0xFFFFFAD0]  }
0x52: {  	v19 =	vld [tilespmem:s18+$0xFFFFFAF0]  }
0x53: {  	v20 =	vld [tilespmem:s18+$0x120]  }
0x54: {  	v21 =	vld [tilespmem:s18+$0x0]  }
0x55: {  	v22 =	vld [tilespmem:s18+$0xFFFFFAE0]  }
0x56: {  	v23 =	vld [tilespmem:s18+$0x80]  }
0x57: {  	v24 =	vld [tilespmem:s18+$0xFFFFFB60];
	v18 =	vadd.f32 $0.0e+00, v18  }
0x58: {  	v25 =	vld [tilespmem:s18+$0x100];
	v19 =	vadd.f32 $0.0e+00, v19  }
0x59: {  	v61 =	vld [tilespmem:s18+$0xFFFFFBE0];
	v16 =	vadd.f32 v16, v18  }
0x5a: {  	v63 =	vld [tilespmem:s18+$0x180];
	v62 =	vadd.f32 $0.0e+00, v22;
	v17 =	vadd.f32 v17, v19  }
0x5b: {  	v26 =	vld [tilespmem:s18+$0xFFFFFC60];
	v14 =	vadd.f32 v14, v16  }
0x5c: {  	v28 =	vld [tilespmem:s18+$0x200];
	v27 =	vadd.f32 v24, v62;
	v15 =	vadd.f32 v15, v17  }
0x5d: {  	v29 =	vld [tilespmem:s18+$0xFFFFFCE0];
	v12 =	vadd.f32 v12, v14  }
0x5e: {  	v31 =	vld [tilespmem:s18+$0xFFFFFF50];
	v30 =	vadd.f32 v61, v27;
	v13 =	vadd.f32 v13, v15  }
0x5f: {  	v32 =	vld [tilespmem:s18+$0xFFFFFD60];
	v10 =	vadd.f32 v10, v12  }
0x60: {  	v34 =	vld [tilespmem:s18+$0x20];
	v33 =	vadd.f32 v26, v30;
	v11 =	vadd.f32 v11, v13  }
0x61: {  	v35 =	vld [tilespmem:s18+$0xFFFFFDE0];
	v8 =	vadd.f32 v8, v10  }
0x62: {  	v37 =	vld [tilespmem:s18+$0x320];
	v36 =	vadd.f32 v29, v33;
	v9 =	vadd.f32 v9, v11  }
0x63: {  	v38 =	vld [tilespmem:s18+$0xFFFFFE60];
	v6 =	vadd.f32 v6, v8  }
0x64: {  	v40 =	vld [tilespmem:s18+$0x2A0];
	v39 =	vadd.f32 v32, v36;
	v7 =	vadd.f32 v7, v9  }
0x65: {  	v41 =	vld [tilespmem:s18+$0xFFFFFEE0];
	v4 =	vadd.f32 v4, v6  }
0x66: {  	v43 =	vld [tilespmem:s18+$0x1A0];
	v42 =	vadd.f32 v35, v39;
	v5 =	vadd.f32 v5, v7  }
0x67: {  	v44 =	vld [tilespmem:s18+$0xFFFFFF60];
	v2 =	vadd.f32 v2, v4  }
0x68: {  	v46 =	vld [tilespmem:s18+$0x220];
	v45 =	vadd.f32 v38, v42;
	v3 =	vadd.f32 v3, v5  }
0x69: {  	v47 =	vld [tilespmem:s18+$0x10];
	v2 =	vadd.f32 v31, v2  }
0x6a: {  	v48 =	vld [tilespmem:s18+$0x280];
	v1 =	vadd.f32 v1, v3;
	v3 =	vadd.f32 v41, v45  }
0x6b: {  	v49 =	vld [tilespmem:s18+$0x90];
	v2 =	vadd.f32 v21, v2  }
0x6c: {  	v50 =	vld [tilespmem:s18+$0x300];
	v1 =	vadd.f32 v34, v1;
	v3 =	vadd.f32 v44, v3  }
0x6d: {  	v51 =	vld [tilespmem:s18+$0x110];
	v2 =	vadd.f32 v23, v2  }
0x6e: {  	v52 =	vld [tilespmem:s18+$0x190];
	v0 =	vadd.f32 v0, v1;
	v1 =	vadd.f32 v47, v3  }
0x6f: {  	v53 =	vld [tilespmem:s18+$0x3A0];
	v2 =	vadd.f32 v25, v2  }
0x70: {  	v54 =	vld [tilespmem:s18+$0x210];
	v0 =	vadd.f32 v20, v0;
	v1 =	vadd.f32 v49, v1  }
0x71: {  	v55 =	vld [tilespmem:s18+$0x400];
	v2 =	vadd.f32 v63, v2  }
0x72: {  	v56 =	vld [tilespmem:s18+$0x290];
	v0 =	vadd.f32 v43, v0;
	v1 =	vadd.f32 v51, v1  }
0x73: {  	v57 =	vld [tilespmem:s18+$0x420];
	v2 =	vadd.f32 v28, v2  }
0x74: {  	v3 =	vld [tilespmem:s18+$0x380];
	v0 =	vadd.f32 v46, v0;
	v1 =	vadd.f32 v52, v1  }
0x75: {  	v58 =	vld [tilespmem:s18+$0x310];
	v2 =	vadd.f32 v48, v2  }
0x76: {  	v59 =	vld [tilespmem:s18+$0x480];
	v0 =	vadd.f32 v40, v0;
	v1 =	vadd.f32 v54, v1  }
0x77: {  	v60 =	vld [tilespmem:s18+$0x390];
	v2 =	vadd.f32 v50, v2  }
0x78: {  	v61 =	vld [tilespmem:s18+$0x4A0];
	v0 =	vadd.f32 v37, v0;
	v1 =	vadd.f32 v56, v1  }
0x79: {  	v2 =	vadd.f32 v3, v2;
	v3 =	vld [tilespmem:s18+$0x410]  }
0x7a: {  	v0 =	vadd.f32 v53, v0;
	v1 =	vadd.f32 v58, v1  }
0x7b: {  	v62 =	vld [tilespmem:s18+$0x490];
	v2 =	vadd.f32 v55, v2  }
0x7c: {  	v0 =	vadd.f32 v57, v0;
	v1 =	vadd.f32 v60, v1  }
0x7d: {  	v2 =	vadd.f32 v59, v2  }
0x7e: {  	s5 =	simm.s32 $0x0;
	v63 =	vadd.f32 v61, v0;
	v0 =	vadd.f32 v3, v1  }
0x7f: {  	s6 =	sshll.u32 s15, $0x9;
	[tilespmem:s5+$0x14300] =	vst v2  }
0x80: {  	s10 =	simm.s32 $0x200;
	s16 =	sor.u32 $0x100, s6;
	[tilespmem:s5+$0x14320] =	vst v63;
	v0 =	vadd.f32 v62, v0  }
.LBB2_6:
0x81: {  	p2 =	sne.s32 s10, $0x1E00  }
0x82: {  	s18 =	sadd.s32 $0xA00, s18;
	[tilespmem:s5+$0x14310] =	vst v0;
	s5 =	smov.u32 s10;
	s10 =	sadd.s32 $0x200, s10  }
0x83: {  	v0 =	vld [tilespmem:s18+$0xA0]  }
0x84: {  	v1 =	vld [tilespmem:s18+$0xFFFFFF70]  }
0x85: {  	v2 =	vld [tilespmem:s18+$0xFFFFFED0]  }
0x86: {  	v3 =	vld [tilespmem:s18+$0xFFFFFEF0]  }
0x87: {  	v4 =	vld [tilespmem:s18+$0xFFFFFE50]  }
0x88: {  	v5 =	vld [tilespmem:s18+$0xFFFFFE70]  }
0x89: {  	v6 =	vld [tilespmem:s18+$0xFFFFFDD0]  }
0x8a: {  	v7 =	vld [tilespmem:s18+$0xFFFFFDF0]  }
0x8b: {  	v8 =	vld [tilespmem:s18+$0xFFFFFD50]  }
0x8c: {  	v9 =	vld [tilespmem:s18+$0xFFFFFD70]  }
0x8d: {  	v10 =	vld [tilespmem:s18+$0xFFFFFCD0]  }
0x8e: {  	v11 =	vld [tilespmem:s18+$0xFFFFFCF0]  }
0x8f: {  	v12 =	vld [tilespmem:s18+$0xFFFFFC50]  }
0x90: {  	v13 =	vld [tilespmem:s18+$0xFFFFFC70]  }
0x91: {  	v14 =	vld [tilespmem:s18+$0xFFFFFBD0]  }
0x92: {  	v15 =	vld [tilespmem:s18+$0xFFFFFBF0]  }
0x93: {  	v16 =	vld [tilespmem:s18+$0xFFFFFB50]  }
0x94: {  	v17 =	vld [tilespmem:s18+$0xFFFFFB70]  }
0x95: {  	v18 =	vld [tilespmem:s18+$0xFFFFFAD0]  }
0x96: {  	v19 =	vld [tilespmem:s18+$0xFFFFFAF0]  }
0x97: {  	v20 =	vld [tilespmem:s18+$0x120]  }
0x98: {  	v21 =	vld [tilespmem:s18+$0x0]  }
0x99: {  	v22 =	vld [tilespmem:s18+$0xFFFFFAE0]  }
0x9a: {  	v18 =	vadd.f32 $0.0e+00, v18;
	v23 =	vld [tilespmem:s18+$0x80]  }
0x9b: {  	v19 =	vadd.f32 $0.0e+00, v19;
	v24 =	vld [tilespmem:s18+$0xFFFFFB60]  }
0x9c: {  	v16 =	vadd.f32 v16, v18;
	v18 =	vld [tilespmem:s18+$0x100]  }
0x9d: {  	v17 =	vadd.f32 v17, v19;
	v19 =	vld [tilespmem:s18+$0xFFFFFBE0]  }
0x9e: {  	v22 =	vadd.f32 $0.0e+00, v22;
	v25 =	vld [tilespmem:s18+$0x180]  }
0x9f: {  	v14 =	vadd.f32 v14, v16;
	v15 =	vadd.f32 v15, v17;
	v16 =	vld [tilespmem:s18+$0xFFFFFC60]  }
0xa0: {  	v17 =	vadd.f32 v24, v22;
	v22 =	vld [tilespmem:s18+$0x200]  }
0xa1: {  	v12 =	vadd.f32 v12, v14;
	v13 =	vadd.f32 v13, v15;
	v14 =	vld [tilespmem:s18+$0xFFFFFCE0]  }
0xa2: {  	v15 =	vadd.f32 v19, v17;
	v17 =	vld [tilespmem:s18+$0xFFFFFF50]  }
0xa3: {  	v10 =	vadd.f32 v10, v12;
	v11 =	vadd.f32 v11, v13;
	v12 =	vld [tilespmem:s18+$0xFFFFFD60]  }
0xa4: {  	v13 =	vadd.f32 v16, v15;
	v15 =	vld [tilespmem:s18+$0x20]  }
0xa5: {  	v8 =	vadd.f32 v8, v10;
	v9 =	vadd.f32 v9, v11;
	v10 =	vld [tilespmem:s18+$0xFFFFFDE0]  }
0xa6: {  	v11 =	vadd.f32 v14, v13;
	v13 =	vld [tilespmem:s18+$0x320]  }
0xa7: {  	v6 =	vadd.f32 v6, v8;
	v7 =	vadd.f32 v7, v9;
	v8 =	vld [tilespmem:s18+$0xFFFFFE60]  }
0xa8: {  	v9 =	vadd.f32 v12, v11;
	v11 =	vld [tilespmem:s18+$0x2A0]  }
0xa9: {  	v4 =	vadd.f32 v4, v6;
	v5 =	vadd.f32 v5, v7;
	v6 =	vld [tilespmem:s18+$0xFFFFFEE0]  }
0xaa: {  	v7 =	vadd.f32 v10, v9;
	v9 =	vld [tilespmem:s18+$0x1A0]  }
0xab: {  	v2 =	vadd.f32 v2, v4;
	v3 =	vadd.f32 v3, v5;
	v4 =	vld [tilespmem:s18+$0xFFFFFF60]  }
0xac: {  	v5 =	vadd.f32 v8, v7;
	v7 =	vld [tilespmem:s18+$0x220]  }
0xad: {  	v2 =	vadd.f32 v17, v2;
	v1 =	vadd.f32 v1, v3;
	v3 =	vld [tilespmem:s18+$0x10]  }
0xae: {  	v5 =	vadd.f32 v6, v5;
	v6 =	vld [tilespmem:s18+$0x280]  }
0xaf: {  	v2 =	vadd.f32 v21, v2;
	v1 =	vadd.f32 v15, v1;
	v8 =	vld [tilespmem:s18+$0x90]  }
0xb0: {  	v4 =	vadd.f32 v4, v5;
	v5 =	vld [tilespmem:s18+$0x300]  }
0xb1: {  	v2 =	vadd.f32 v23, v2;
	v0 =	vadd.f32 v0, v1;
	v1 =	vld [tilespmem:s18+$0x110]  }
0xb2: {  	v3 =	vadd.f32 v3, v4;
	v4 =	vld [tilespmem:s18+$0x380]  }
0xb3: {  	v2 =	vadd.f32 v18, v2;
	v0 =	vadd.f32 v20, v0;
	v10 =	vld [tilespmem:s18+$0x190]  }
0xb4: {  	v3 =	vadd.f32 v8, v3;
	v8 =	vld [tilespmem:s18+$0x3A0]  }
0xb5: {  	v2 =	vadd.f32 v25, v2;
	v0 =	vadd.f32 v9, v0;
	v9 =	vld [tilespmem:s18+$0x210]  }
0xb6: {  	v1 =	vadd.f32 v1, v3;
	v3 =	vld [tilespmem:s18+$0x400]  }
0xb7: {  	v2 =	vadd.f32 v22, v2;
	v0 =	vadd.f32 v7, v0;
	v7 =	vld [tilespmem:s18+$0x290]  }
0xb8: {  	v1 =	vadd.f32 v10, v1;
	v10 =	vld [tilespmem:s18+$0x420]  }
0xb9: {  	v2 =	vadd.f32 v6, v2;
	v0 =	vadd.f32 v11, v0;
	v6 =	vld [tilespmem:s18+$0x310]  }
0xba: {  	v1 =	vadd.f32 v9, v1;
	v9 =	vld [tilespmem:s18+$0x480]  }
0xbb: {  	v2 =	vadd.f32 v5, v2;
	v0 =	vadd.f32 v13, v0;
	v5 =	vld [tilespmem:s18+$0x390]  }
0xbc: {  	v1 =	vadd.f32 v7, v1;
	v7 =	vld [tilespmem:s18+$0x4A0]  }
0xbd: {  	v2 =	vadd.f32 v4, v2;
	v0 =	vadd.f32 v8, v0;
	v4 =	vld [tilespmem:s18+$0x410]  }
0xbe: {  	v1 =	vadd.f32 v6, v1  }
0xbf: {  	v2 =	vadd.f32 v3, v2;
	v0 =	vadd.f32 v10, v0;
	v3 =	vld [tilespmem:s18+$0x490]  }
.Ltmp2:
0xc0: {  	v1 =	vadd.f32 v5, v1;
	(pc) =	sbr.rel @p2 .LBB2_6-.Ltmp2, $4  }
0xc1: {  	v2 =	vadd.f32 v9, v2;
	v5 =	vadd.f32 v7, v0  }
0xc2: {  	s5 =	sshra.s32 s5, $0x2;
	v0 =	vadd.f32 v4, v1  }
0xc3: {  	[tilespmem:s5+$0x14300] =	vst v2  }
0xc4: {  	v0 =	vadd.f32 v3, v0;
	[tilespmem:s5+$0x14320] =	vst v5  }
0xc5: {  	_ = 	snop  }
0xc6: {  	s18 =	sadd.s32 s6, s8;
	[tilespmem:s5+$0x14310] =	vst v0  }
0xc7: {  	[hbm4b:s18+s2] =	stream.linear.scatter [tilespmem:s30], [sflag:$0x5], $0x800, $0x38;
	[tilespmem:$0x15300] =	vst v63  }
0xc8: {  	_ =	swait.ge [sflag:s31], $0x2800  }
0xc9: {  	[sflag:s31] =	ssyncset.done $0x0  }
0xca: {  	[sflag:s31] =	ssyncadd.s32 $0xFFFFD800  }
0xcb: {  	_ =	swait.ge [sflag:s31], $0x2800  }
0xcc: {  	[sflag:s31] =	ssyncset.done $0x0  }
0xcd: {  	[sflag:s31] =	ssyncadd.s32 $0xFFFFD800  }
0xce: {  	_ =	swait.ge [sflag:s31], $0x2800  }
0xcf: {  	[sflag:s31] =	ssyncset.done $0x0  }
0xd0: {  	[sflag:s31] =	ssyncadd.s32 $0xFFFFD800  }
0xd1: {  	_ =	swait.ge [sflag:s31], $0x2800  }
0xd2: {  	[sflag:s31] =	ssyncset.done $0x0  }
0xd3: {  	s5 =	simm.s32 @!p0 $0x1;
	[sflag:s31] =	ssyncadd.s32 $0xFFFFD800  }
0xd4: {  	_ =	swait.ge @!p0 [sflag:s5], $0x140  }
0xd5: {  	s6 =	simm.s32 @!p0 $0x0;
	[sflag:s5] =	ssyncset.done @!p0 $0x0  }
0xd6: {  	s10 =	simm.s32 @!p0 $0x300;
	[sflag:s5] =	ssyncadd.s32 @!p0 $0xFFFFFEC0;
	s5 =	simm.s32 @!p0 $0x50  }
0xd7: {  	[tilespmem:s10], [sflag:$0x3] =	stream.indirect.gather @!p0 [hbm4b:s4+s5], $0x80, s6, s5, $0xb8;
	[tilespmem:$0x15300] =	vst v63  }
0xd8: {  	s10 =	simm.s32 @!p0 $0x2B00  }
0xd9: {  	[tilespmem:s10], [sflag:$0x3] =	stream.indirect.gather @!p0 [hbm4b:s4+s5], $0x80, s5, s5, $0xb8;
	[tilespmem:$0x15300] =	vst v63  }
0xda: {  	s18 =	simm.s32 @!p0 $0x5300;
	s10 =	simm.s32 @!p0 $0xA0  }
0xdb: {  	[tilespmem:s18], [sflag:$0x3] =	stream.indirect.gather @!p0 [hbm4b:s4+s5], $0x80, s10, s5, $0xb8;
	[tilespmem:$0x15300] =	vst v63  }
0xdc: {  	s10 =	simm.s32 @!p0 $0xF0;
	s18 =	simm.s32 @!p0 $0x7B00  }
0xdd: {  	[tilespmem:s18], [sflag:$0x3] =	stream.indirect.gather @!p0 [hbm4b:s4+s5], $0x80, s10, s5, $0xb8;
	[tilespmem:$0x15300] =	vst v63  }
0xde: {  	s5 =	sadd.s32 @!p0 s17, s9  }
0xdf: {  	s5 =	sshrl.u32 @!p0 s5, $0x3  }
0xe0: {  	s10 =	simm.s32 @!p0 $0x180;
	s5 =	sadd.s32 @!p0 s3, s5  }
0xe1: {  	[tilespmem:s10], [sflag:$0x2] =	stream.linear.gather @!p0 [hbm4b:s5+s6], $0x140, $0x38;
	[tilespmem:$0x15300] =	vst v63  }
0xe2: {  	p0 =	por p0, !p1  }
0xe3: {  	_ =	swait.ge @p0 [sflag:s13], $0x800  }
0xe4: {  	[sflag:s13] =	ssyncset.done @p0 $0x0  }
0xe5: {  	s17 =	simm.s32 $0xA830;
	[sflag:s13] =	ssyncadd.s32 @p0 $0xFFFFF800  }
0xe6: {  	v0 =	vld [tilespmem:s17+$0xA0]  }
0xe7: {  	v1 =	vld [tilespmem:s17+$0xFFFFFF70]  }
0xe8: {  	v2 =	vld [tilespmem:s17+$0xFFFFFED0]  }
0xe9: {  	v3 =	vld [tilespmem:s17+$0xFFFFFEF0]  }
0xea: {  	v4 =	vld [tilespmem:s17+$0xFFFFFE50]  }
0xeb: {  	v5 =	vld [tilespmem:s17+$0xFFFFFE70]  }
0xec: {  	v6 =	vld [tilespmem:s17+$0xFFFFFDD0]  }
0xed: {  	v7 =	vld [tilespmem:s17+$0xFFFFFDF0]  }
0xee: {  	v8 =	vld [tilespmem:s17+$0xFFFFFD50]  }
0xef: {  	v9 =	vld [tilespmem:s17+$0xFFFFFD70]  }
0xf0: {  	v10 =	vld [tilespmem:s17+$0xFFFFFCD0]  }
0xf1: {  	v11 =	vld [tilespmem:s17+$0xFFFFFCF0]  }
0xf2: {  	v12 =	vld [tilespmem:s17+$0xFFFFFC50]  }
0xf3: {  	v13 =	vld [tilespmem:s17+$0xFFFFFC70]  }
0xf4: {  	v14 =	vld [tilespmem:s17+$0xFFFFFBD0]  }
0xf5: {  	v15 =	vld [tilespmem:s17+$0xFFFFFBF0]  }
0xf6: {  	v16 =	vld [tilespmem:s17+$0xFFFFFB50]  }
0xf7: {  	v17 =	vld [tilespmem:s17+$0xFFFFFB70]  }
0xf8: {  	v18 =	vld [tilespmem:s17+$0xFFFFFAD0]  }
0xf9: {  	v19 =	vld [tilespmem:s17+$0xFFFFFAF0]  }
0xfa: {  	v20 =	vld [tilespmem:s17+$0x120]  }
0xfb: {  	v21 =	vld [tilespmem:s17+$0x0]  }
0xfc: {  	v22 =	vld [tilespmem:s17+$0xFFFFFAE0]  }
0xfd: {  	v23 =	vld [tilespmem:s17+$0x80]  }
0xfe: {  	v24 =	vld [tilespmem:s17+$0xFFFFFB60];
	v18 =	vadd.f32 $0.0e+00, v18  }
0xff: {  	v25 =	vld [tilespmem:s17+$0x100];
	v19 =	vadd.f32 $0.0e+00, v19  }
0x100: {  	v61 =	vld [tilespmem:s17+$0xFFFFFBE0];
	v16 =	vadd.f32 v16, v18  }
0x101: {  	v63 =	vld [tilespmem:s17+$0x180];
	v62 =	vadd.f32 $0.0e+00, v22;
	v17 =	vadd.f32 v17, v19  }
0x102: {  	v26 =	vld [tilespmem:s17+$0xFFFFFC60];
	v14 =	vadd.f32 v14, v16  }
0x103: {  	v28 =	vld [tilespmem:s17+$0x200];
	v27 =	vadd.f32 v24, v62;
	v15 =	vadd.f32 v15, v17  }
0x104: {  	v29 =	vld [tilespmem:s17+$0xFFFFFCE0];
	v12 =	vadd.f32 v12, v14  }
0x105: {  	v31 =	vld [tilespmem:s17+$0xFFFFFF50];
	v30 =	vadd.f32 v61, v27;
	v13 =	vadd.f32 v13, v15  }
0x106: {  	v32 =	vld [tilespmem:s17+$0xFFFFFD60];
	v10 =	vadd.f32 v10, v12  }
0x107: {  	v34 =	vld [tilespmem:s17+$0x20];
	v33 =	vadd.f32 v26, v30;
	v11 =	vadd.f32 v11, v13  }
0x108: {  	v35 =	vld [tilespmem:s17+$0xFFFFFDE0];
	v8 =	vadd.f32 v8, v10  }
0x109: {  	v37 =	vld [tilespmem:s17+$0x320];
	v36 =	vadd.f32 v29, v33;
	v9 =	vadd.f32 v9, v11  }
0x10a: {  	v38 =	vld [tilespmem:s17+$0xFFFFFE60];
	v6 =	vadd.f32 v6, v8  }
0x10b: {  	v40 =	vld [tilespmem:s17+$0x2A0];
	v39 =	vadd.f32 v32, v36;
	v7 =	vadd.f32 v7, v9  }
0x10c: {  	v41 =	vld [tilespmem:s17+$0xFFFFFEE0];
	v4 =	vadd.f32 v4, v6  }
0x10d: {  	v43 =	vld [tilespmem:s17+$0x1A0];
	v42 =	vadd.f32 v35, v39;
	v5 =	vadd.f32 v5, v7  }
0x10e: {  	v44 =	vld [tilespmem:s17+$0xFFFFFF60];
	v2 =	vadd.f32 v2, v4  }
0x10f: {  	v46 =	vld [tilespmem:s17+$0x220];
	v45 =	vadd.f32 v38, v42;
	v3 =	vadd.f32 v3, v5  }
0x110: {  	v47 =	vld [tilespmem:s17+$0x10];
	v2 =	vadd.f32 v31, v2  }
0x111: {  	v48 =	vld [tilespmem:s17+$0x280];
	v1 =	vadd.f32 v1, v3;
	v3 =	vadd.f32 v41, v45  }
0x112: {  	v49 =	vld [tilespmem:s17+$0x90];
	v2 =	vadd.f32 v21, v2  }
0x113: {  	v50 =	vld [tilespmem:s17+$0x300];
	v1 =	vadd.f32 v34, v1;
	v3 =	vadd.f32 v44, v3  }
0x114: {  	v51 =	vld [tilespmem:s17+$0x110];
	v2 =	vadd.f32 v23, v2  }
0x115: {  	v52 =	vld [tilespmem:s17+$0x190];
	v0 =	vadd.f32 v0, v1;
	v1 =	vadd.f32 v47, v3  }
0x116: {  	v53 =	vld [tilespmem:s17+$0x3A0];
	v2 =	vadd.f32 v25, v2  }
0x117: {  	v54 =	vld [tilespmem:s17+$0x210];
	v0 =	vadd.f32 v20, v0;
	v1 =	vadd.f32 v49, v1  }
0x118: {  	v55 =	vld [tilespmem:s17+$0x400];
	v2 =	vadd.f32 v63, v2  }
0x119: {  	v56 =	vld [tilespmem:s17+$0x290];
	v0 =	vadd.f32 v43, v0;
	v1 =	vadd.f32 v51, v1  }
0x11a: {  	v57 =	vld [tilespmem:s17+$0x420];
	v2 =	vadd.f32 v28, v2  }
0x11b: {  	v3 =	vld [tilespmem:s17+$0x380];
	v0 =	vadd.f32 v46, v0;
	v1 =	vadd.f32 v52, v1  }
0x11c: {  	v58 =	vld [tilespmem:s17+$0x310];
	v2 =	vadd.f32 v48, v2  }
0x11d: {  	v59 =	vld [tilespmem:s17+$0x480];
	v0 =	vadd.f32 v40, v0;
	v1 =	vadd.f32 v54, v1  }
0x11e: {  	v60 =	vld [tilespmem:s17+$0x390];
	v2 =	vadd.f32 v50, v2  }
0x11f: {  	v61 =	vld [tilespmem:s17+$0x4A0];
	v0 =	vadd.f32 v37, v0;
	v1 =	vadd.f32 v56, v1  }
0x120: {  	v2 =	vadd.f32 v3, v2;
	v3 =	vld [tilespmem:s17+$0x410]  }
0x121: {  	v0 =	vadd.f32 v53, v0;
	v1 =	vadd.f32 v58, v1  }
0x122: {  	v62 =	vld [tilespmem:s17+$0x490];
	v2 =	vadd.f32 v55, v2  }
0x123: {  	v0 =	vadd.f32 v57, v0;
	v1 =	vadd.f32 v60, v1  }
0x124: {  	v2 =	vadd.f32 v59, v2  }
0x125: {  	s5 =	simm.s32 $0x0;
	v63 =	vadd.f32 v61, v0;
	v0 =	vadd.f32 v3, v1  }
0x126: {  	[tilespmem:s5+$0x14B00] =	vst v2  }
0x127: {  	s6 =	simm.s32 $0x200;
	[tilespmem:s5+$0x14B20] =	vst v63;
	v0 =	vadd.f32 v62, v0  }
.LBB2_8:
0x128: {  	p0 =	sne.s32 s6, $0x1E00  }
0x129: {  	s17 =	sadd.s32 $0xA00, s17;
	[tilespmem:s5+$0x14B10] =	vst v0;
	s5 =	smov.u32 s6;
	s6 =	sadd.s32 $0x200, s6  }
0x12a: {  	v0 =	vld [tilespmem:s17+$0xA0]  }
0x12b: {  	v1 =	vld [tilespmem:s17+$0xFFFFFF70]  }
0x12c: {  	v2 =	vld [tilespmem:s17+$0xFFFFFED0]  }
0x12d: {  	v3 =	vld [tilespmem:s17+$0xFFFFFEF0]  }
0x12e: {  	v4 =	vld [tilespmem:s17+$0xFFFFFE50]  }
0x12f: {  	v5 =	vld [tilespmem:s17+$0xFFFFFE70]  }
0x130: {  	v6 =	vld [tilespmem:s17+$0xFFFFFDD0]  }
0x131: {  	v7 =	vld [tilespmem:s17+$0xFFFFFDF0]  }
0x132: {  	v8 =	vld [tilespmem:s17+$0xFFFFFD50]  }
0x133: {  	v9 =	vld [tilespmem:s17+$0xFFFFFD70]  }
0x134: {  	v10 =	vld [tilespmem:s17+$0xFFFFFCD0]  }
0x135: {  	v11 =	vld [tilespmem:s17+$0xFFFFFCF0]  }
0x136: {  	v12 =	vld [tilespmem:s17+$0xFFFFFC50]  }
0x137: {  	v13 =	vld [tilespmem:s17+$0xFFFFFC70]  }
0x138: {  	v14 =	vld [tilespmem:s17+$0xFFFFFBD0]  }
0x139: {  	v15 =	vld [tilespmem:s17+$0xFFFFFBF0]  }
0x13a: {  	v16 =	vld [tilespmem:s17+$0xFFFFFB50]  }
0x13b: {  	v17 =	vld [tilespmem:s17+$0xFFFFFB70]  }
0x13c: {  	v18 =	vld [tilespmem:s17+$0xFFFFFAD0]  }
0x13d: {  	v19 =	vld [tilespmem:s17+$0xFFFFFAF0]  }
0x13e: {  	v20 =	vld [tilespmem:s17+$0x120]  }
0x13f: {  	v21 =	vld [tilespmem:s17+$0x0]  }
0x140: {  	v22 =	vld [tilespmem:s17+$0xFFFFFAE0]  }
0x141: {  	v18 =	vadd.f32 $0.0e+00, v18;
	v23 =	vld [tilespmem:s17+$0x80]  }
0x142: {  	v19 =	vadd.f32 $0.0e+00, v19;
	v24 =	vld [tilespmem:s17+$0xFFFFFB60]  }
0x143: {  	v16 =	vadd.f32 v16, v18;
	v18 =	vld [tilespmem:s17+$0x100]  }
0x144: {  	v17 =	vadd.f32 v17, v19;
	v19 =	vld [tilespmem:s17+$0xFFFFFBE0]  }
0x145: {  	v22 =	vadd.f32 $0.0e+00, v22;
	v25 =	vld [tilespmem:s17+$0x180]  }
0x146: {  	v14 =	vadd.f32 v14, v16;
	v15 =	vadd.f32 v15, v17;
	v16 =	vld [tilespmem:s17+$0xFFFFFC60]  }
0x147: {  	v17 =	vadd.f32 v24, v22;
	v22 =	vld [tilespmem:s17+$0x200]  }
0x148: {  	v12 =	vadd.f32 v12, v14;
	v13 =	vadd.f32 v13, v15;
	v14 =	vld [tilespmem:s17+$0xFFFFFCE0]  }
0x149: {  	v15 =	vadd.f32 v19, v17;
	v17 =	vld [tilespmem:s17+$0xFFFFFF50]  }
0x14a: {  	v10 =	vadd.f32 v10, v12;
	v11 =	vadd.f32 v11, v13;
	v12 =	vld [tilespmem:s17+$0xFFFFFD60]  }
0x14b: {  	v13 =	vadd.f32 v16, v15;
	v15 =	vld [tilespmem:s17+$0x20]  }
0x14c: {  	v8 =	vadd.f32 v8, v10;
	v9 =	vadd.f32 v9, v11;
	v10 =	vld [tilespmem:s17+$0xFFFFFDE0]  }
0x14d: {  	v11 =	vadd.f32 v14, v13;
	v13 =	vld [tilespmem:s17+$0x320]  }
0x14e: {  	v6 =	vadd.f32 v6, v8;
	v7 =	vadd.f32 v7, v9;
	v8 =	vld [tilespmem:s17+$0xFFFFFE60]  }
0x14f: {  	v9 =	vadd.f32 v12, v11;
	v11 =	vld [tilespmem:s17+$0x2A0]  }
0x150: {  	v4 =	vadd.f32 v4, v6;
	v5 =	vadd.f32 v5, v7;
	v6 =	vld [tilespmem:s17+$0xFFFFFEE0]  }
0x151: {  	v7 =	vadd.f32 v10, v9;
	v9 =	vld [tilespmem:s17+$0x1A0]  }
0x152: {  	v2 =	vadd.f32 v2, v4;
	v3 =	vadd.f32 v3, v5;
	v4 =	vld [tilespmem:s17+$0xFFFFFF60]  }
0x153: {  	v5 =	vadd.f32 v8, v7;
	v7 =	vld [tilespmem:s17+$0x220]  }
0x154: {  	v2 =	vadd.f32 v17, v2;
	v1 =	vadd.f32 v1, v3;
	v3 =	vld [tilespmem:s17+$0x10]  }
0x155: {  	v5 =	vadd.f32 v6, v5;
	v6 =	vld [tilespmem:s17+$0x280]  }
0x156: {  	v2 =	vadd.f32 v21, v2;
	v1 =	vadd.f32 v15, v1;
	v8 =	vld [tilespmem:s17+$0x90]  }
0x157: {  	v4 =	vadd.f32 v4, v5;
	v5 =	vld [tilespmem:s17+$0x300]  }
0x158: {  	v2 =	vadd.f32 v23, v2;
	v0 =	vadd.f32 v0, v1;
	v1 =	vld [tilespmem:s17+$0x110]  }
0x159: {  	v3 =	vadd.f32 v3, v4;
	v4 =	vld [tilespmem:s17+$0x380]  }
0x15a: {  	v2 =	vadd.f32 v18, v2;
	v0 =	vadd.f32 v20, v0;
	v10 =	vld [tilespmem:s17+$0x190]  }
0x15b: {  	v3 =	vadd.f32 v8, v3;
	v8 =	vld [tilespmem:s17+$0x3A0]  }
0x15c: {  	v2 =	vadd.f32 v25, v2;
	v0 =	vadd.f32 v9, v0;
	v9 =	vld [tilespmem:s17+$0x210]  }
0x15d: {  	v1 =	vadd.f32 v1, v3;
	v3 =	vld [tilespmem:s17+$0x400]  }
0x15e: {  	v2 =	vadd.f32 v22, v2;
	v0 =	vadd.f32 v7, v0;
	v7 =	vld [tilespmem:s17+$0x290]  }
0x15f: {  	v1 =	vadd.f32 v10, v1;
	v10 =	vld [tilespmem:s17+$0x420]  }
0x160: {  	v2 =	vadd.f32 v6, v2;
	v0 =	vadd.f32 v11, v0;
	v6 =	vld [tilespmem:s17+$0x310]  }
0x161: {  	v1 =	vadd.f32 v9, v1;
	v9 =	vld [tilespmem:s17+$0x480]  }
0x162: {  	v2 =	vadd.f32 v5, v2;
	v0 =	vadd.f32 v13, v0;
	v5 =	vld [tilespmem:s17+$0x390]  }
0x163: {  	v1 =	vadd.f32 v7, v1;
	v7 =	vld [tilespmem:s17+$0x4A0]  }
0x164: {  	v2 =	vadd.f32 v4, v2;
	v0 =	vadd.f32 v8, v0;
	v4 =	vld [tilespmem:s17+$0x410]  }
0x165: {  	v1 =	vadd.f32 v6, v1  }
0x166: {  	v2 =	vadd.f32 v3, v2;
	v0 =	vadd.f32 v10, v0;
	v3 =	vld [tilespmem:s17+$0x490]  }
.Ltmp3:
0x167: {  	v1 =	vadd.f32 v5, v1;
	(pc) =	sbr.rel @p0 .LBB2_8-.Ltmp3, $4  }
0x168: {  	v2 =	vadd.f32 v9, v2;
	v5 =	vadd.f32 v7, v0  }
0x169: {  	s5 =	sshra.s32 s5, $0x2;
	v0 =	vadd.f32 v4, v1  }
0x16a: {  	[tilespmem:s5+$0x14B00] =	vst v2  }
0x16b: {  	v0 =	vadd.f32 v3, v0;
	[tilespmem:s5+$0x14B20] =	vst v5  }
0x16c: {  	s15 =	sadd.s32 $0x1, s15  }
0x16d: {  	p0 =	sne.s32 s15, $0x10  }
.Ltmp4:
0x16e: {  	_ = 	snop;
	(pc) =	sbr.rel @p0 .LBB2_2-.Ltmp4, $3  }
0x16f: {  	_ =	sdelay $0x1  }
0x170: {  	s18 =	sadd.s32 s16, s8;
	[tilespmem:s5+$0x14B10] =	vst v0  }
0x171: {  	[hbm4b:s18+s2] =	stream.linear.scatter [tilespmem:s1], [sflag:$0x6], $0x800, $0x38;
	[tilespmem:$0x15300] =	vst v63  }
0x172: {  	_ =	swait.ge [sflag:s0], $0x800  }
0x173: {  	[sflag:s0] =	ssyncset.done $0x0  }
0x174: {  	[sflag:s0] =	ssyncadd.s32 $0xFFFFF800  }
0x175: {  	_ =	swait.ge [sflag:s13], $0x800  }
0x176: {  	s14 =	sadd.s32 $0x1, s14;
	s5 =	rddreg [dreg:$0x4]  }
0x177: {  	p0 =	sne.s32 s14, s5  }
.Ltmp5:
0x178: {  	_ = 	snop;
	(pc) =	sbr.rel @p0 .LBB2_1-.Ltmp5, $3  }
0x179: {  	_ =	sdelay $0x1  }
0x17a: {  	[sflag:s13] =	ssyncset.done $0x0  }
0x17b: {  	[sflag:s13] =	ssyncadd.s32 $0xFFFFF800  }
0x17c: {  	_ =	sfence.sel $0x180000  }
0x17d: {  	[bflag:$0x0] =	sbarrier.arrive $0xFFFF  }
0x17e: {  	_ =	strace $0x90000047  }
0x17f: {  	s0 =	stileid.u32;
	[bflag:$0x2] =	sbarrier.arrive $0xFFFF  }
0x180: {  	p0 =	sne.s32 s0, $0x0;
	s0 =	rddreg [dreg:$0x1]  }
0x181: {  	s0 =	sadd.s32 @!p0 $0x100000, s0  }
0x182: {  	[sflag:s0] =	ssyncadd.tile.s32 @!p0 $0x1;
	_ =	shalt  }
.Lfunc_end2:
_tile_overlayer_lowered:
.L_overlay_start_2:
0x183: {  	(tag) =	ssettag $0x2  }
0x184: {  	s0 =	rddreg [dreg:$0x0];
	s2 =	stileid.u32  }
0x185: {  	s1 =	rddreg [dreg:$0x1];
	p0 =	sne.s32 s2, $0x0  }
0x186: {  	s3 =	rddreg [dreg:$0x2];
	[bflag:$0x3] =	sbarrier.arrive $0xFFFF;
	s2 =	simm.s32 @!p0 $0x1C07  }
0x187: {  	[timem:s3], [sflag:s2] =	dma.local @!p0 [hbm:s0], s1  }
0x188: {  	s0 =	simm.s32 @!p0 $0x7  }
0x189: {  	_ =	swait.ge @!p0 [sflag:s0], s1  }
0x18a: {  	s1 =	ssub.s32 @!p0 $0x0, s1;
	[sflag:s0] =	ssyncset.done @!p0 $0x0  }
0x18b: {  	[sflag:s0] =	ssyncadd.s32 @!p0 s1  }
0x18c: {  	[bflag:$0x3] =	sbarrier.arrive $0xFFFF  }
0x18d: {  	_ =	shalt  }

</sc_bundles>
